<compile_context>
chip_gen: v7x
topology: tpu7x:2x2x1
jax: 0.10.2.dev20260603
libtpu: 0.0.44.dev20260713+nightly
codegen_flags: <defaults>
</compile_context>

<pallas_src>
import functools

import jax
import jax.numpy as jnp
from jax import lax
from jax.experimental import pallas as pl
from jax.experimental.pallas import tpu as pltpu
from jax.experimental.pallas import tpu_sc as plsc

N = 10000
D = 128
E = 160000
NC = 2
NS = 16
NP = 10240
RPT = NP // NS
EC = 128
EP = 163840
EPT = EP // NS
NCH = EPT // EC

_mesh = plsc.VectorSubcoreMesh(
    core_axis_name="c", subcore_axis_name="s", num_cores=NC, num_subcores=NS
)


def _leaky(x):
    return jnp.where(x >= 0, x, 0.01 * x)




@functools.partial(
    pl.kernel,
    out_type=jax.ShapeDtypeStruct((NC * NP, D), jnp.float32),
    mesh=_mesh,
    scratch_types=[
        pltpu.VMEM((EC,), jnp.int32),
        pltpu.VMEM((EC, D), jnp.float32),
        pltpu.VMEM((EC, D), jnp.float32),
        pltpu.VMEM_SHARED((NP, D), jnp.float32),
    ],
)
def _sc_degree(dst_hbm, out_hbm, idx_d, ones_v, zeros_v, acc):
    c = lax.axis_index("c")
    s = lax.axis_index("s")

    def fillo(i, _):
        for j in range(D // 16):
            ones_v[i, pl.ds(j * 16, 16)] = jnp.ones((16,), jnp.float32)
        return 0

    def fillz(i, _):
        for j in range(D // 16):
            zeros_v[i, pl.ds(j * 16, 16)] = jnp.zeros((16,), jnp.float32)
        return 0

    lax.fori_loop(0, EC, fillo, 0)
    lax.fori_loop(0, EC, fillz, 0)
    zero_base = s * RPT

    def zrow(i, _):
        pltpu.sync_copy(zeros_v, acc.at[pl.ds(zero_base + i * EC, EC)])
        return 0

    lax.fori_loop(0, RPT // EC, zrow, 0)
    plsc.subcore_barrier()

    base = c * EP + s * EPT

    def chunk(i, _):
        off = pl.multiple_of(base + i * EC, 8)
        pltpu.sync_copy(dst_hbm.at[pl.ds(off, EC)], idx_d)
        pltpu.sync_copy(ones_v, acc.at[idx_d], add=True)
        return 0

    lax.fori_loop(0, NCH, chunk, 0)
    plsc.subcore_barrier()
    row0 = s * RPT
    pltpu.sync_copy(acc.at[pl.ds(row0, RPT)], out_hbm.at[pl.ds(c * NP + row0, RPT)])


@functools.partial(
    pl.kernel,
    out_type=jax.ShapeDtypeStruct((NC * NP, D), jnp.float32),
    mesh=_mesh,
    scratch_types=[
        pltpu.VMEM((NCH, EC), jnp.int32),
        pltpu.VMEM((EC,), jnp.int32),
        pltpu.VMEM((EC,), jnp.int32),
        pltpu.VMEM((EC,), jnp.int32),
        pltpu.VMEM((EC,), jnp.int32),
        pltpu.VMEM((EC, D), jnp.float32),
        pltpu.VMEM((EC, D), jnp.float32),
        pltpu.VMEM_SHARED((NP, D), jnp.float32),
        pltpu.SemaphoreType.DMA,
        pltpu.SemaphoreType.DMA,
        pltpu.SemaphoreType.DMA,
        pltpu.SemaphoreType.DMA,
    ],
)
def _sc_scatter_pass(g_hbm, pk_hbm, out_hbm, pk_v, si0, si1, di0, di1,
                     r0, r1, acc, gs0, gs1, ss0, ss1):
    c = lax.axis_index("c")
    s = lax.axis_index("s")
    rows = [r0, r1]
    sidx = [si0, si1]
    didx = [di0, di1]
    gsems = [gs0, gs1]
    ssems = [ss0, ss1]

    pltpu.sync_copy(pk_hbm.at[c, s], pk_v)
    goff = c * NP

    def unpack(j, t):
        for k in range(EC // 16):
            sl = pl.ds(k * 16, 16)
            p = pk_v[j, sl]
            sidx[t][sl] = (p & 0xFFFF) + goff
            didx[t][sl] = jnp.right_shift(p, 16)

    def fillz(i, _):
        for j in range(D // 16):
            r0[i, pl.ds(j * 16, 16)] = jnp.zeros((16,), jnp.float32)
        return 0

    lax.fori_loop(0, EC, fillz, 0)
    zero_base = s * RPT

    def zrow(i, _):
        pltpu.sync_copy(r0, acc.at[pl.ds(zero_base + i * EC, EC)])
        return 0

    lax.fori_loop(0, RPT // EC, zrow, 0)
    plsc.subcore_barrier()

    def wait_gather(b):
        pltpu.make_async_copy(g_hbm.at[sidx[b]], rows[b], gsems[b]).wait()

    def wait_scatter(b):
        pltpu.make_async_copy(rows[b], acc.at[didx[b]], ssems[b]).wait()

    unpack(0, 0)
    pltpu.async_copy(g_hbm.at[sidx[0]], rows[0], gsems[0])

    def pair(q, _):
        for b in range(2):
            i = q * 2 + b
            nb = b ^ 1

            @pl.when(i + 1 < NCH)
            def _():
                @pl.when(i + 1 >= 2)
                def _():
                    wait_scatter(nb)

                unpack(i + 1, nb)
                pltpu.async_copy(g_hbm.at[sidx[nb]], rows[nb], gsems[nb])

            wait_gather(b)
            pltpu.async_copy(rows[b], acc.at[didx[b]], ssems[b], add=True)
        return 0

    lax.fori_loop(0, NCH // 2, pair, 0)
    wait_scatter(0)
    wait_scatter(1)

    plsc.subcore_barrier()
    row0 = s * RPT
    pltpu.sync_copy(acc.at[pl.ds(row0, RPT)], out_hbm.at[pl.ds(c * NP + row0, RPT)])



BN = 1024
NB = NP // BN


def _mlp_body(x_ref, w1_ref, b1_ref, w2_ref, b2_ref, deg_ref, h_ref, g_ref, di_ref):
    for r in range(2):
        x = x_ref[r]
        h = _leaky(
            lax.dot_general(x, w1_ref[r], (((1,), (1,)), ((), ())),
                            preferred_element_type=jnp.float32) + b1_ref[r]
        )
        h = _leaky(
            lax.dot_general(h, w2_ref[r], (((1,), (1,)), ((), ())),
                            preferred_element_type=jnp.float32) + b2_ref[r]
        )
        dinvb = lax.rsqrt(jnp.maximum(deg_ref[r], 1.0))
        h_ref[r] = h
        g_ref[r] = h * dinvb
        di_ref[r] = dinvb


def _tc_mlp(xs, w1s, b1s, w2s, b2s, deg):
    spec_n = pl.BlockSpec((2, BN, D), lambda i: (0, i, 0))
    return pl.pallas_call(
        _mlp_body,
        grid=(NB,),
        in_specs=[
            spec_n,
            pl.BlockSpec((2, D, D), lambda i: (0, 0, 0)),
            pl.BlockSpec((2, 1, D), lambda i: (0, 0, 0)),
            pl.BlockSpec((2, D, D), lambda i: (0, 0, 0)),
            pl.BlockSpec((2, 1, D), lambda i: (0, 0, 0)),
            spec_n,
        ],
        out_specs=[spec_n, spec_n, spec_n],
        out_shape=[jax.ShapeDtypeStruct((2, NP, D), jnp.float32)] * 3,
    )(xs, w1s, b1s, w2s, b2s, deg)


def _update_body(f_ref, agg_ref, di_ref, f1_ref, g1_ref):
    for r in range(2):
        f1 = f_ref[r] - agg_ref[r] * di_ref[r]
        f1_ref[r] = f1
        g1_ref[r] = f1 * di_ref[r]


def _tc_update(f0, agg, dinv):
    spec_n = pl.BlockSpec((2, BN, D), lambda i: (0, i, 0))
    return pl.pallas_call(
        _update_body,
        grid=(NB,),
        in_specs=[spec_n, spec_n, spec_n],
        out_specs=[spec_n, spec_n],
        out_shape=[jax.ShapeDtypeStruct((2, NP, D), jnp.float32)] * 2,
    )(f0, agg, dinv)


def _final_body(f0_ref, f1_ref, agg_ref, di_ref, g_ref, b3_ref, o_ref):
    acc = jnp.broadcast_to(2.0 * b3_ref[0], (BN, D))
    for r in range(2):
        f1 = f1_ref[r]
        f2 = f1 - agg_ref[r] * di_ref[r]
        acc = acc + lax.dot_general(f0_ref[r], g_ref[0], (((1,), (1,)), ((), ())),
                                    preferred_element_type=jnp.float32)
        acc = acc + lax.dot_general(f1, g_ref[1], (((1,), (1,)), ((), ())),
                                    preferred_element_type=jnp.float32)
        acc = acc + lax.dot_general(f2, g_ref[2], (((1,), (1,)), ((), ())),
                                    preferred_element_type=jnp.float32)
    o_ref[...] = _leaky(acc)


def _tc_final(f0, f1, agg2, dinv, gs, b3):
    spec_n = pl.BlockSpec((2, BN, D), lambda i: (0, i, 0))
    return pl.pallas_call(
        _final_body,
        grid=(NB,),
        in_specs=[
            spec_n, spec_n, spec_n, spec_n,
            pl.BlockSpec((3, D, D), lambda i: (0, 0, 0)),
            pl.BlockSpec((1, D), lambda i: (0, 0)),
        ],
        out_specs=pl.BlockSpec((BN, D), lambda i: (i, 0)),
        out_shape=jax.ShapeDtypeStruct((NP, D), jnp.float32),
    )(f0, f1, agg2, dinv, gs, b3)




def kernel(x_rel0, x_rel1, edge_index_rel0, edge_index_rel1,
           W1_rel0, b1_rel0, W2_rel0, b2_rel0,
           W1_rel1, b1_rel1, W2_rel1, b2_rel1, W3, b3):
    f32 = jnp.float32
    xs = jnp.zeros((2, NP, D), f32).at[:, :N, :].set(jnp.stack([x_rel0, x_rel1]))
    epad_s = jnp.zeros((EP - E,), jnp.int32)
    epad_d = jnp.full((EP - E,), N, jnp.int32)
    src_flat = jnp.concatenate(
        [edge_index_rel0[0], epad_s, edge_index_rel1[0], epad_s])
    dst_flat = jnp.concatenate(
        [edge_index_rel0[1], epad_d, edge_index_rel1[1], epad_d])
    pk4 = ((dst_flat << 16) | src_flat).reshape(NC, NS, NCH, EC)
    w1s = jnp.stack([W1_rel0, W1_rel1])
    b1s = jnp.stack([b1_rel0, b1_rel1])[:, None, :]
    w2s = jnp.stack([W2_rel0, W2_rel1])
    b2s = jnp.stack([b2_rel0, b2_rel1])[:, None, :]
    B0, B1, B2 = W3[:, :D], W3[:, D:2 * D], W3[:, 2 * D:]
    gs = jnp.stack([3.0 * B0, -3.0 * B0 + 3.0 * B1,
                    0.75 * B0 - 1.5 * B1 + 0.75 * B2])
    b3r = b3[None, :]

    deg = _sc_degree(dst_flat).reshape(2, NP, D)
    f0, g0, dinv = _tc_mlp(xs, w1s, b1s, w2s, b2s, deg)
    agg1 = _sc_scatter_pass(g0.reshape(2 * NP, D), pk4)
    f1, g1 = _tc_update(f0, agg1.reshape(2, NP, D), dinv)
    agg2 = _sc_scatter_pass(g1.reshape(2 * NP, D), pk4)
    out = _tc_final(f0, f1, agg2.reshape(2, NP, D), dinv, gs, b3r)
    return out[:N]

# --- scband reference (transcript-rebuilt; emitter-appended) ---
"""Pipeline reference for scband-bwgnn-hetero-36636071035259 (READ-ONLY COPY).

The authoritative reference and input builder live on the scoring server;
editing this copy changes nothing except your own understanding.
"""

import jax, jax.numpy as jnp
import numpy as np

N = 10000
E = 160000
IN_FEATS = 128
H_FEATS = 128
# Beta-polynomial coefficients from calculate_theta2(d=2)
THETAS = [[3.0, -3.0, 0.75], [0.0, 3.0, -1.5], [0.0, 0.0, 0.75]]


def _leaky(x):
    return jnp.where(x >= 0, x, 0.01 * x)


def _poly_convs(feat, src, dst):
    n = feat.shape[0]
    deg = jax.ops.segment_sum(jnp.ones((src.shape[0],), jnp.float32), dst, num_segments=n)
    d_invsqrt = jnp.power(jnp.clip(deg, 1.0, None), -0.5)[:, None]
    outs = []
    for theta in THETAS:
        f = feat
        h = theta[0] * f
        for k in range(1, len(theta)):
            m = (f * d_invsqrt)[src]
            agg = jax.ops.segment_sum(m, dst, num_segments=n)
            f = f - agg * d_invsqrt
            h = h + theta[k] * f
        outs.append(h)
    return jnp.concatenate(outs, axis=-1)


def setup_inputs(seed: int = 0):
    key = jax.random.key(seed)
    ks = jax.random.split(key, 14)
    s1 = 1.0 / np.sqrt(IN_FEATS)
    s2 = 1.0 / np.sqrt(H_FEATS)
    s3 = 1.0 / np.sqrt(3 * H_FEATS)
    return {
        "x_rel0": jax.random.normal(ks[0], (N, IN_FEATS), jnp.float32),
        "x_rel1": jax.random.normal(ks[1], (N, IN_FEATS), jnp.float32),
        "edge_index_rel0": jax.random.randint(ks[2], (2, E), 0, N, dtype=jnp.int32),
        "edge_index_rel1": jax.random.randint(ks[3], (2, E), 0, N, dtype=jnp.int32),
        "W1_rel0": jax.random.uniform(ks[4], (H_FEATS, IN_FEATS), jnp.float32, -s1, s1),
        "b1_rel0": jax.random.uniform(ks[5], (H_FEATS,), jnp.float32, -s1, s1),
        "W2_rel0": jax.random.uniform(ks[6], (H_FEATS, H_FEATS), jnp.float32, -s2, s2),
        "b2_rel0": jax.random.uniform(ks[7], (H_FEATS,), jnp.float32, -s2, s2),
        "W1_rel1": jax.random.uniform(ks[8], (H_FEATS, IN_FEATS), jnp.float32, -s1, s1),
        "b1_rel1": jax.random.uniform(ks[9], (H_FEATS,), jnp.float32, -s1, s1),
        "W2_rel1": jax.random.uniform(ks[10], (H_FEATS, H_FEATS), jnp.float32, -s2, s2),
        "b2_rel1": jax.random.uniform(ks[11], (H_FEATS,), jnp.float32, -s2, s2),
        "W3": jax.random.uniform(ks[12], (H_FEATS, 3 * H_FEATS), jnp.float32, -s3, s3),
        "b3": jax.random.uniform(ks[13], (H_FEATS,), jnp.float32, -s3, s3),
    }


def reference(x_rel0, x_rel1, edge_index_rel0, edge_index_rel1,
              W1_rel0, b1_rel0, W2_rel0, b2_rel0,
              W1_rel1, b1_rel1, W2_rel1, b2_rel1, W3, b3):
    # per-relation MLP (dropout is identity in eval)
    h0 = _leaky(x_rel0 @ W1_rel0.T + b1_rel0)
    h0 = _leaky(h0 @ W2_rel0.T + b2_rel0)
    h1 = _leaky(x_rel1 @ W1_rel1.T + b1_rel1)
    h1 = _leaky(h1 @ W2_rel1.T + b2_rel1)
    # per-relation beta-wavelet poly convs, concat over filters, shared linear3
    o0 = _poly_convs(h0, edge_index_rel0[0], edge_index_rel0[1]) @ W3.T + b3
    o1 = _poly_convs(h1, edge_index_rel1[0], edge_index_rel1[1]) @ W3.T + b3
    return _leaky(o0 + o1)

if __name__ == "__main__":
    import jax
    _d = setup_inputs()
    print(jax.jit(kernel)(*tuple(_d.values())))

</pallas_src>

<mosaic_0001>
#map = affine_map<(d0, d1) -> (0, 0)>
#map1 = affine_map<(d0, d1) -> (0, 0, 0, 0)>
module attributes {stable_mosaic.version = 14 : i64} {
  func.func @_sc_scatter_pass(%arg0: i32, %arg1: i32, %arg2: memref<20480x128xf32, #tpu.memory_space<hbm>>, %arg3: memref<2x16x80x128xi32, #tpu.memory_space<hbm>>, %arg4: memref<20480x128xf32, #tpu.memory_space<hbm>>, %arg5: memref<80x128xi32, #tpu.memory_space<vmem>>, %arg6: memref<128xi32, #tpu.memory_space<vmem>>, %arg7: memref<128xi32, #tpu.memory_space<vmem>>, %arg8: memref<128xi32, #tpu.memory_space<vmem>>, %arg9: memref<128xi32, #tpu.memory_space<vmem>>, %arg10: memref<128x128xf32, #tpu.memory_space<vmem>>, %arg11: memref<128x128xf32, #tpu.memory_space<vmem>>, %arg12: memref<10240x128xf32, #tpu.memory_space<vmem_shared>>, %arg13: memref<!tpu.dma_semaphore, #tpu.memory_space<semaphore_mem>>, %arg14: memref<!tpu.dma_semaphore, #tpu.memory_space<semaphore_mem>>, %arg15: memref<!tpu.dma_semaphore, #tpu.memory_space<semaphore_mem>>, %arg16: memref<!tpu.dma_semaphore, #tpu.memory_space<semaphore_mem>>) attributes {dimension_semantics = [#tpu.dimension_semantics<core_parallel>, #tpu.dimension_semantics<subcore_parallel>], iteration_bounds = array<i64: 2, 16>, scalar_prefetch = 0 : i64, scratch_operands = 12 : i64, tpu.core_type = #tpu.core_type<sc_vector_subcore>, window_params = [{transform_indices = #map}, {transform_indices = #map1}, {transform_indices = #map}]} {
    "tpu.region"() ({
      %run_scoped3A = tpu.sem_alloc : memref<!tpu.dma_semaphore, #tpu.memory_space<semaphore_mem>>
      %dma_start3A_199 = arith.constant 0 : i32
      %dma_start3A_200 = arith.constant 0 : i32
      %dma_start3A_201 = tpu.memref_slice %arg3[%arg0, %arg1, %dma_start3A_199, %dma_start3A_200] : memref<2x16x80x128xi32, #tpu.memory_space<hbm>> -> memref<1x1x80x128xi32, #tpu.memory_space<hbm>>
      %dma_start3A_202 = tpu.memref_squeeze %dma_start3A_201 : memref<1x1x80x128xi32, #tpu.memory_space<hbm>> -> memref<80x128xi32, #tpu.memory_space<hbm>>
      %dma_start3A_203 = arith.constant 0 : i32
      %dma_start3A_204 = arith.constant 0 : i32
      %dma_start3A_205 = tpu.memref_slice %arg3[%arg0, %arg1, %dma_start3A_203, %dma_start3A_204] : memref<2x16x80x128xi32, #tpu.memory_space<hbm>> -> memref<1x1x80x128xi32, #tpu.memory_space<hbm>>
      %dma_start3A_206 = tpu.memref_squeeze %dma_start3A_205 : memref<1x1x80x128xi32, #tpu.memory_space<hbm>> -> memref<80x128xi32, #tpu.memory_space<hbm>>
      tpu.enqueue_dma source(%dma_start3A_206 : memref<80x128xi32, #tpu.memory_space<hbm>>) target(%arg5 : memref<80x128xi32, #tpu.memory_space<vmem>>) target_semaphore(%run_scoped3A : memref<!tpu.dma_semaphore, #tpu.memory_space<semaphore_mem>>)
      %dma_wait3A_207 = arith.constant 0 : i32
      %dma_wait3A_208 = arith.constant 0 : i32
      %dma_wait3A_209 = tpu.memref_slice %arg3[%arg0, %arg1, %dma_wait3A_207, %dma_wait3A_208] : memref<2x16x80x128xi32, #tpu.memory_space<hbm>> -> memref<1x1x80x128xi32, #tpu.memory_space<hbm>>
      %dma_wait3A_210 = tpu.memref_squeeze %dma_wait3A_209 : memref<1x1x80x128xi32, #tpu.memory_space<hbm>> -> memref<80x128xi32, #tpu.memory_space<hbm>>
      %dma_wait3A_211 = arith.constant 0 : i32
      %dma_wait3A_212 = arith.constant 0 : i32
      %dma_wait3A_213 = tpu.memref_slice %arg3[%arg0, %arg1, %dma_wait3A_211, %dma_wait3A_212] : memref<2x16x80x128xi32, #tpu.memory_space<hbm>> -> memref<1x1x80x128xi32, #tpu.memory_space<hbm>>
      %dma_wait3A_214 = tpu.memref_squeeze %dma_wait3A_213 : memref<1x1x80x128xi32, #tpu.memory_space<hbm>> -> memref<80x128xi32, #tpu.memory_space<hbm>>
      tpu.wait_dma2 semaphore(%run_scoped3A : memref<!tpu.dma_semaphore, #tpu.memory_space<semaphore_mem>>) src(%dma_wait3A_214 : memref<80x128xi32, #tpu.memory_space<hbm>>) dst(%arg5 : memref<80x128xi32, #tpu.memory_space<vmem>>)
      tpu.yield
    }) : () -> ()
    %mul3A = arith.constant 10240 : i32
    %mul3A_0 = arith.muli %arg0, %mul3A : i32
    %scan3A = arith.constant 0 : i32
    %scan3A_1 = arith.constant 0 : i32
    %scan3A_2 = arith.constant 128 : i32
    %scan3A_3 = arith.addi %scan3A_1, %scan3A_2 : i32
    %scan3A_4 = arith.constant 1 : i32
    %scan3A_5 = scf.for %scan3A_199 = %scan3A_1 to %scan3A_3 step %scan3A_4 iter_args(%scan3A_200 = %scan3A) -> (i32)  : i32 {
      %broadcast_in_dim3A = arith.constant 0.000000e+00 : f32
      %broadcast_in_dim3A_201 = vector.broadcast %broadcast_in_dim3A : f32 to vector<16xf32>
      %swap3A_202 = arith.index_cast %scan3A_199 : i32 to index
      %swap3A_203 = arith.constant 0 : index
      %swap3A_204 = tpu.vector_load %arg10[%swap3A_202, %swap3A_203] {strides = array<i32>} : memref<128x128xf32, #tpu.memory_space<vmem>>, vector<1x16xf32>,
      %swap3A_205 = vector.shape_cast %swap3A_204 : vector<1x16xf32> to vector<16xf32>
      %swap3A_206 = vector.shape_cast %broadcast_in_dim3A_201 : vector<16xf32> to vector<1x16xf32>
      tpu.vector_store %arg10[%swap3A_202, %swap3A_203], %swap3A_206 {strides = array<i32>} : memref<128x128xf32, #tpu.memory_space<vmem>>, vector<1x16xf32>,
      %broadcast_in_dim3A_207 = arith.constant 0.000000e+00 : f32
      %broadcast_in_dim3A_208 = vector.broadcast %broadcast_in_dim3A_207 : f32 to vector<16xf32>
      %swap3A_209 = arith.index_cast %scan3A_199 : i32 to index
      %swap3A_210 = arith.constant 16 : index
      %swap3A_211 = tpu.vector_load %arg10[%swap3A_209, %swap3A_210] {strides = array<i32>} : memref<128x128xf32, #tpu.memory_space<vmem>>, vector<1x16xf32>,
      %swap3A_212 = vector.shape_cast %swap3A_211 : vector<1x16xf32> to vector<16xf32>
      %swap3A_213 = vector.shape_cast %broadcast_in_dim3A_208 : vector<16xf32> to vector<1x16xf32>
      tpu.vector_store %arg10[%swap3A_209, %swap3A_210], %swap3A_213 {strides = array<i32>} : memref<128x128xf32, #tpu.memory_space<vmem>>, vector<1x16xf32>,
      %broadcast_in_dim3A_214 = arith.constant 0.000000e+00 : f32
      %broadcast_in_dim3A_215 = vector.broadcast %broadcast_in_dim3A_214 : f32 to vector<16xf32>
      %swap3A_216 = arith.index_cast %scan3A_199 : i32 to index
      %swap3A_217 = arith.constant 32 : index
      %swap3A_218 = tpu.vector_load %arg10[%swap3A_216, %swap3A_217] {strides = array<i32>} : memref<128x128xf32, #tpu.memory_space<vmem>>, vector<1x16xf32>,
      %swap3A_219 = vector.shape_cast %swap3A_218 : vector<1x16xf32> to vector<16xf32>
      %swap3A_220 = vector.shape_cast %broadcast_in_dim3A_215 : vector<16xf32> to vector<1x16xf32>
      tpu.vector_store %arg10[%swap3A_216, %swap3A_217], %swap3A_220 {strides = array<i32>} : memref<128x128xf32, #tpu.memory_space<vmem>>, vector<1x16xf32>,
      %broadcast_in_dim3A_221 = arith.constant 0.000000e+00 : f32
      %broadcast_in_dim3A_222 = vector.broadcast %broadcast_in_dim3A_221 : f32 to vector<16xf32>
      %swap3A_223 = arith.index_cast %scan3A_199 : i32 to index
      %swap3A_224 = arith.constant 48 : index
      %swap3A_225 = tpu.vector_load %arg10[%swap3A_223, %swap3A_224] {strides = array<i32>} : memref<128x128xf32, #tpu.memory_space<vmem>>, vector<1x16xf32>,
      %swap3A_226 = vector.shape_cast %swap3A_225 : vector<1x16xf32> to vector<16xf32>
      %swap3A_227 = vector.shape_cast %broadcast_in_dim3A_222 : vector<16xf32> to vector<1x16xf32>
      tpu.vector_store %arg10[%swap3A_223, %swap3A_224], %swap3A_227 {strides = array<i32>} : memref<128x128xf32, #tpu.memory_space<vmem>>, vector<1x16xf32>,
      %broadcast_in_dim3A_228 = arith.constant 0.000000e+00 : f32
      %broadcast_in_dim3A_229 = vector.broadcast %broadcast_in_dim3A_228 : f32 to vector<16xf32>
      %swap3A_230 = arith.index_cast %scan3A_199 : i32 to index
      %swap3A_231 = arith.constant 64 : index
      %swap3A_232 = tpu.vector_load %arg10[%swap3A_230, %swap3A_231] {strides = array<i32>} : memref<128x128xf32, #tpu.memory_space<vmem>>, vector<1x16xf32>,
      %swap3A_233 = vector.shape_cast %swap3A_232 : vector<1x16xf32> to vector<16xf32>
      %swap3A_234 = vector.shape_cast %broadcast_in_dim3A_229 : vector<16xf32> to vector<1x16xf32>
      tpu.vector_store %arg10[%swap3A_230, %swap3A_231], %swap3A_234 {strides = array<i32>} : memref<128x128xf32, #tpu.memory_space<vmem>>, vector<1x16xf32>,
      %broadcast_in_dim3A_235 = arith.constant 0.000000e+00 : f32
      %broadcast_in_dim3A_236 = vector.broadcast %broadcast_in_dim3A_235 : f32 to vector<16xf32>
      %swap3A_237 = arith.index_cast %scan3A_199 : i32 to index
      %swap3A_238 = arith.constant 80 : index
      %swap3A_239 = tpu.vector_load %arg10[%swap3A_237, %swap3A_238] {strides = array<i32>} : memref<128x128xf32, #tpu.memory_space<vmem>>, vector<1x16xf32>,
      %swap3A_240 = vector.shape_cast %swap3A_239 : vector<1x16xf32> to vector<16xf32>
      %swap3A_241 = vector.shape_cast %broadcast_in_dim3A_236 : vector<16xf32> to vector<1x16xf32>
      tpu.vector_store %arg10[%swap3A_237, %swap3A_238], %swap3A_241 {strides = array<i32>} : memref<128x128xf32, #tpu.memory_space<vmem>>, vector<1x16xf32>,
      %broadcast_in_dim3A_242 = arith.constant 0.000000e+00 : f32
      %broadcast_in_dim3A_243 = vector.broadcast %broadcast_in_dim3A_242 : f32 to vector<16xf32>
      %swap3A_244 = arith.index_cast %scan3A_199 : i32 to index
      %swap3A_245 = arith.constant 96 : index
      %swap3A_246 = tpu.vector_load %arg10[%swap3A_244, %swap3A_245] {strides = array<i32>} : memref<128x128xf32, #tpu.memory_space<vmem>>, vector<1x16xf32>,
      %swap3A_247 = vector.shape_cast %swap3A_246 : vector<1x16xf32> to vector<16xf32>
      %swap3A_248 = vector.shape_cast %broadcast_in_dim3A_243 : vector<16xf32> to vector<1x16xf32>
      tpu.vector_store %arg10[%swap3A_244, %swap3A_245], %swap3A_248 {strides = array<i32>} : memref<128x128xf32, #tpu.memory_space<vmem>>, vector<1x16xf32>,
      %broadcast_in_dim3A_249 = arith.constant 0.000000e+00 : f32
      %broadcast_in_dim3A_250 = vector.broadcast %broadcast_in_dim3A_249 : f32 to vector<16xf32>
      %swap3A_251 = arith.index_cast %scan3A_199 : i32 to index
      %swap3A_252 = arith.constant 112 : index
      %swap3A_253 = tpu.vector_load %arg10[%swap3A_251, %swap3A_252] {strides = array<i32>} : memref<128x128xf32, #tpu.memory_space<vmem>>, vector<1x16xf32>,
      %swap3A_254 = vector.shape_cast %swap3A_253 : vector<1x16xf32> to vector<16xf32>
      %swap3A_255 = vector.shape_cast %broadcast_in_dim3A_250 : vector<16xf32> to vector<1x16xf32>
      tpu.vector_store %arg10[%swap3A_251, %swap3A_252], %swap3A_255 {strides = array<i32>} : memref<128x128xf32, #tpu.memory_space<vmem>>, vector<1x16xf32>,
      %scan3A_256 = arith.constant 0 : i32
      scf.yield %scan3A_256 : i32
    }
    %scan3A_6 = arith.constant 128 : i32
    %mul3A_7 = arith.constant 640 : i32
    %mul3A_8 = arith.muli %arg1, %mul3A_7 : i32
    %scan3A_9 = arith.constant 0 : i32
    %scan3A_10 = arith.constant 0 : i32
    %scan3A_11 = arith.constant 5 : i32
    %scan3A_12 = arith.addi %scan3A_10, %scan3A_11 : i32
    %scan3A_13 = arith.constant 1 : i32
    %scan3A_14 = scf.for %scan3A_199 = %scan3A_10 to %scan3A_12 step %scan3A_13 iter_args(%scan3A_200 = %scan3A_9) -> (i32)  : i32 {
      %mul3A_201 = arith.constant 128 : i32
      %mul3A_202 = arith.muli %scan3A_199, %mul3A_201 : i32
      %add3A_203 = arith.addi %mul3A_8, %mul3A_202 : i32
      "tpu.region"() ({
        %run_scoped3A = tpu.sem_alloc : memref<!tpu.dma_semaphore, #tpu.memory_space<semaphore_mem>>
        %dma_start3A_205 = arith.constant 0 : i32
        %dma_start3A_206 = tpu.memref_slice %arg12[%add3A_203, %dma_start3A_205] : memref<10240x128xf32, #tpu.memory_space<vmem_shared>> -> memref<128x128xf32, #tpu.memory_space<vmem_shared>>
        %dma_start3A_207 = arith.constant 0 : i32
        %dma_start3A_208 = tpu.memref_slice %arg12[%add3A_203, %dma_start3A_207] : memref<10240x128xf32, #tpu.memory_space<vmem_shared>> -> memref<128x128xf32, #tpu.memory_space<vmem_shared>>
        tpu.enqueue_dma source(%arg10 : memref<128x128xf32, #tpu.memory_space<vmem>>) target(%dma_start3A_208 : memref<128x128xf32, #tpu.memory_space<vmem_shared>>) target_semaphore(%run_scoped3A : memref<!tpu.dma_semaphore, #tpu.memory_space<semaphore_mem>>)
        %dma_wait3A_209 = arith.constant 0 : i32
        %dma_wait3A_210 = tpu.memref_slice %arg12[%add3A_203, %dma_wait3A_209] : memref<10240x128xf32, #tpu.memory_space<vmem_shared>> -> memref<128x128xf32, #tpu.memory_space<vmem_shared>>
        %dma_wait3A_211 = arith.constant 0 : i32
        %dma_wait3A_212 = tpu.memref_slice %arg12[%add3A_203, %dma_wait3A_211] : memref<10240x128xf32, #tpu.memory_space<vmem_shared>> -> memref<128x128xf32, #tpu.memory_space<vmem_shared>>
        tpu.wait_dma2 semaphore(%run_scoped3A : memref<!tpu.dma_semaphore, #tpu.memory_space<semaphore_mem>>) src(%arg10 : memref<128x128xf32, #tpu.memory_space<vmem>>) dst(%dma_wait3A_212 : memref<128x128xf32, #tpu.memory_space<vmem_shared>>)
        tpu.yield
      }) : () -> ()
      %scan3A_204 = arith.constant 0 : i32
      scf.yield %scan3A_204 : i32
    }
    %scan3A_15 = arith.constant 5 : i32
    %barrier3A = arith.constant 0 : index
    tpu.barrier barrier_id(%barrier3A)
    %get3A = arith.constant 0 : i32
    %get3A_16 = arith.index_cast %get3A : i32 to index
    %get3A_17 = arith.constant 0 : index
    %get3A_18 = tpu.vector_load %arg5[%get3A_16, %get3A_17] {strides = array<i32>} : memref<80x128xi32, #tpu.memory_space<vmem>>, vector<1x16xi32>,
    %get3A_19 = vector.shape_cast %get3A_18 : vector<1x16xi32> to vector<16xi32>
    %and3A = arith.constant 65535 : i32
    %and3A_20 = vector.broadcast %and3A : i32 to vector<16xi32>
    %and3A_21 = arith.andi %get3A_19, %and3A_20 : vector<16xi32>
    %add3A = vector.broadcast %mul3A_0 : i32 to vector<16xi32>
    %add3A_22 = arith.addi %and3A_21, %add3A : vector<16xi32>
    %swap3A = arith.constant 0 : index
    %swap3A_23 = tpu.vector_load %arg6[%swap3A] {strides = array<i32>} : memref<128xi32, #tpu.memory_space<vmem>>, vector<16xi32>,
    %swap3A_24 = vector.shape_cast %swap3A_23 : vector<16xi32> to vector<16xi32>
    %swap3A_25 = vector.shape_cast %add3A_22 : vector<16xi32> to vector<16xi32>
    tpu.vector_store %arg6[%swap3A], %swap3A_25 {strides = array<i32>} : memref<128xi32, #tpu.memory_space<vmem>>, vector<16xi32>,
    %shift_right_arithmetic3A = arith.constant 16 : i32
    %shift_right_arithmetic3A_26 = vector.broadcast %shift_right_arithmetic3A : i32 to vector<16xi32>
    %shift_right_arithmetic3A_27 = arith.shrsi %get3A_19, %shift_right_arithmetic3A_26 : vector<16xi32>
    %swap3A_28 = arith.constant 0 : index
    %swap3A_29 = tpu.vector_load %arg8[%swap3A_28] {strides = array<i32>} : memref<128xi32, #tpu.memory_space<vmem>>, vector<16xi32>,
    %swap3A_30 = vector.shape_cast %swap3A_29 : vector<16xi32> to vector<16xi32>
    %swap3A_31 = vector.shape_cast %shift_right_arithmetic3A_27 : vector<16xi32> to vector<16xi32>
    tpu.vector_store %arg8[%swap3A_28], %swap3A_31 {strides = array<i32>} : memref<128xi32, #tpu.memory_space<vmem>>, vector<16xi32>,
    %get3A_32 = arith.constant 0 : i32
    %get3A_33 = arith.index_cast %get3A_32 : i32 to index
    %get3A_34 = arith.constant 16 : index
    %get3A_35 = tpu.vector_load %arg5[%get3A_33, %get3A_34] {strides = array<i32>} : memref<80x128xi32, #tpu.memory_space<vmem>>, vector<1x16xi32>,
    %get3A_36 = vector.shape_cast %get3A_35 : vector<1x16xi32> to vector<16xi32>
    %and3A_37 = arith.constant 65535 : i32
    %and3A_38 = vector.broadcast %and3A_37 : i32 to vector<16xi32>
    %and3A_39 = arith.andi %get3A_36, %and3A_38 : vector<16xi32>
    %add3A_40 = vector.broadcast %mul3A_0 : i32 to vector<16xi32>
    %add3A_41 = arith.addi %and3A_39, %add3A_40 : vector<16xi32>
    %swap3A_42 = arith.constant 16 : index
    %swap3A_43 = tpu.vector_load %arg6[%swap3A_42] {strides = array<i32>} : memref<128xi32, #tpu.memory_space<vmem>>, vector<16xi32>,
    %swap3A_44 = vector.shape_cast %swap3A_43 : vector<16xi32> to vector<16xi32>
    %swap3A_45 = vector.shape_cast %add3A_41 : vector<16xi32> to vector<16xi32>
    tpu.vector_store %arg6[%swap3A_42], %swap3A_45 {strides = array<i32>} : memref<128xi32, #tpu.memory_space<vmem>>, vector<16xi32>,
    %shift_right_arithmetic3A_46 = arith.constant 16 : i32
    %shift_right_arithmetic3A_47 = vector.broadcast %shift_right_arithmetic3A_46 : i32 to vector<16xi32>
    %shift_right_arithmetic3A_48 = arith.shrsi %get3A_36, %shift_right_arithmetic3A_47 : vector<16xi32>
    %swap3A_49 = arith.constant 16 : index
    %swap3A_50 = tpu.vector_load %arg8[%swap3A_49] {strides = array<i32>} : memref<128xi32, #tpu.memory_space<vmem>>, vector<16xi32>,
    %swap3A_51 = vector.shape_cast %swap3A_50 : vector<16xi32> to vector<16xi32>
    %swap3A_52 = vector.shape_cast %shift_right_arithmetic3A_48 : vector<16xi32> to vector<16xi32>
    tpu.vector_store %arg8[%swap3A_49], %swap3A_52 {strides = array<i32>} : memref<128xi32, #tpu.memory_space<vmem>>, vector<16xi32>,
    %get3A_53 = arith.constant 0 : i32
    %get3A_54 = arith.index_cast %get3A_53 : i32 to index
    %get3A_55 = arith.constant 32 : index
    %get3A_56 = tpu.vector_load %arg5[%get3A_54, %get3A_55] {strides = array<i32>} : memref<80x128xi32, #tpu.memory_space<vmem>>, vector<1x16xi32>,
    %get3A_57 = vector.shape_cast %get3A_56 : vector<1x16xi32> to vector<16xi32>
    %and3A_58 = arith.constant 65535 : i32
    %and3A_59 = vector.broadcast %and3A_58 : i32 to vector<16xi32>
    %and3A_60 = arith.andi %get3A_57, %and3A_59 : vector<16xi32>
    %add3A_61 = vector.broadcast %mul3A_0 : i32 to vector<16xi32>
    %add3A_62 = arith.addi %and3A_60, %add3A_61 : vector<16xi32>
    %swap3A_63 = arith.constant 32 : index
    %swap3A_64 = tpu.vector_load %arg6[%swap3A_63] {strides = array<i32>} : memref<128xi32, #tpu.memory_space<vmem>>, vector<16xi32>,
    %swap3A_65 = vector.shape_cast %swap3A_64 : vector<16xi32> to vector<16xi32>
    %swap3A_66 = vector.shape_cast %add3A_62 : vector<16xi32> to vector<16xi32>
    tpu.vector_store %arg6[%swap3A_63], %swap3A_66 {strides = array<i32>} : memref<128xi32, #tpu.memory_space<vmem>>, vector<16xi32>,
    %shift_right_arithmetic3A_67 = arith.constant 16 : i32
    %shift_right_arithmetic3A_68 = vector.broadcast %shift_right_arithmetic3A_67 : i32 to vector<16xi32>
    %shift_right_arithmetic3A_69 = arith.shrsi %get3A_57, %shift_right_arithmetic3A_68 : vector<16xi32>
    %swap3A_70 = arith.constant 32 : index
    %swap3A_71 = tpu.vector_load %arg8[%swap3A_70] {strides = array<i32>} : memref<128xi32, #tpu.memory_space<vmem>>, vector<16xi32>,
    %swap3A_72 = vector.shape_cast %swap3A_71 : vector<16xi32> to vector<16xi32>
    %swap3A_73 = vector.shape_cast %shift_right_arithmetic3A_69 : vector<16xi32> to vector<16xi32>
    tpu.vector_store %arg8[%swap3A_70], %swap3A_73 {strides = array<i32>} : memref<128xi32, #tpu.memory_space<vmem>>, vector<16xi32>,
    %get3A_74 = arith.constant 0 : i32
    %get3A_75 = arith.index_cast %get3A_74 : i32 to index
    %get3A_76 = arith.constant 48 : index
    %get3A_77 = tpu.vector_load %arg5[%get3A_75, %get3A_76] {strides = array<i32>} : memref<80x128xi32, #tpu.memory_space<vmem>>, vector<1x16xi32>,
    %get3A_78 = vector.shape_cast %get3A_77 : vector<1x16xi32> to vector<16xi32>
    %and3A_79 = arith.constant 65535 : i32
    %and3A_80 = vector.broadcast %and3A_79 : i32 to vector<16xi32>
    %and3A_81 = arith.andi %get3A_78, %and3A_80 : vector<16xi32>
    %add3A_82 = vector.broadcast %mul3A_0 : i32 to vector<16xi32>
    %add3A_83 = arith.addi %and3A_81, %add3A_82 : vector<16xi32>
    %swap3A_84 = arith.constant 48 : index
    %swap3A_85 = tpu.vector_load %arg6[%swap3A_84] {strides = array<i32>} : memref<128xi32, #tpu.memory_space<vmem>>, vector<16xi32>,
    %swap3A_86 = vector.shape_cast %swap3A_85 : vector<16xi32> to vector<16xi32>
    %swap3A_87 = vector.shape_cast %add3A_83 : vector<16xi32> to vector<16xi32>
    tpu.vector_store %arg6[%swap3A_84], %swap3A_87 {strides = array<i32>} : memref<128xi32, #tpu.memory_space<vmem>>, vector<16xi32>,
    %shift_right_arithmetic3A_88 = arith.constant 16 : i32
    %shift_right_arithmetic3A_89 = vector.broadcast %shift_right_arithmetic3A_88 : i32 to vector<16xi32>
    %shift_right_arithmetic3A_90 = arith.shrsi %get3A_78, %shift_right_arithmetic3A_89 : vector<16xi32>
    %swap3A_91 = arith.constant 48 : index
    %swap3A_92 = tpu.vector_load %arg8[%swap3A_91] {strides = array<i32>} : memref<128xi32, #tpu.memory_space<vmem>>, vector<16xi32>,
    %swap3A_93 = vector.shape_cast %swap3A_92 : vector<16xi32> to vector<16xi32>
    %swap3A_94 = vector.shape_cast %shift_right_arithmetic3A_90 : vector<16xi32> to vector<16xi32>
    tpu.vector_store %arg8[%swap3A_91], %swap3A_94 {strides = array<i32>} : memref<128xi32, #tpu.memory_space<vmem>>, vector<16xi32>,
    %get3A_95 = arith.constant 0 : i32
    %get3A_96 = arith.index_cast %get3A_95 : i32 to index
    %get3A_97 = arith.constant 64 : index
    %get3A_98 = tpu.vector_load %arg5[%get3A_96, %get3A_97] {strides = array<i32>} : memref<80x128xi32, #tpu.memory_space<vmem>>, vector<1x16xi32>,
    %get3A_99 = vector.shape_cast %get3A_98 : vector<1x16xi32> to vector<16xi32>
    %and3A_100 = arith.constant 65535 : i32
    %and3A_101 = vector.broadcast %and3A_100 : i32 to vector<16xi32>
    %and3A_102 = arith.andi %get3A_99, %and3A_101 : vector<16xi32>
    %add3A_103 = vector.broadcast %mul3A_0 : i32 to vector<16xi32>
    %add3A_104 = arith.addi %and3A_102, %add3A_103 : vector<16xi32>
    %swap3A_105 = arith.constant 64 : index
    %swap3A_106 = tpu.vector_load %arg6[%swap3A_105] {strides = array<i32>} : memref<128xi32, #tpu.memory_space<vmem>>, vector<16xi32>,
    %swap3A_107 = vector.shape_cast %swap3A_106 : vector<16xi32> to vector<16xi32>
    %swap3A_108 = vector.shape_cast %add3A_104 : vector<16xi32> to vector<16xi32>
    tpu.vector_store %arg6[%swap3A_105], %swap3A_108 {strides = array<i32>} : memref<128xi32, #tpu.memory_space<vmem>>, vector<16xi32>,
    %shift_right_arithmetic3A_109 = arith.constant 16 : i32
    %shift_right_arithmetic3A_110 = vector.broadcast %shift_right_arithmetic3A_109 : i32 to vector<16xi32>
    %shift_right_arithmetic3A_111 = arith.shrsi %get3A_99, %shift_right_arithmetic3A_110 : vector<16xi32>
    %swap3A_112 = arith.constant 64 : index
    %swap3A_113 = tpu.vector_load %arg8[%swap3A_112] {strides = array<i32>} : memref<128xi32, #tpu.memory_space<vmem>>, vector<16xi32>,
    %swap3A_114 = vector.shape_cast %swap3A_113 : vector<16xi32> to vector<16xi32>
    %swap3A_115 = vector.shape_cast %shift_right_arithmetic3A_111 : vector<16xi32> to vector<16xi32>
    tpu.vector_store %arg8[%swap3A_112], %swap3A_115 {strides = array<i32>} : memref<128xi32, #tpu.memory_space<vmem>>, vector<16xi32>,
    %get3A_116 = arith.constant 0 : i32
    %get3A_117 = arith.index_cast %get3A_116 : i32 to index
    %get3A_118 = arith.constant 80 : index
    %get3A_119 = tpu.vector_load %arg5[%get3A_117, %get3A_118] {strides = array<i32>} : memref<80x128xi32, #tpu.memory_space<vmem>>, vector<1x16xi32>,
    %get3A_120 = vector.shape_cast %get3A_119 : vector<1x16xi32> to vector<16xi32>
    %and3A_121 = arith.constant 65535 : i32
    %and3A_122 = vector.broadcast %and3A_121 : i32 to vector<16xi32>
    %and3A_123 = arith.andi %get3A_120, %and3A_122 : vector<16xi32>
    %add3A_124 = vector.broadcast %mul3A_0 : i32 to vector<16xi32>
    %add3A_125 = arith.addi %and3A_123, %add3A_124 : vector<16xi32>
    %swap3A_126 = arith.constant 80 : index
    %swap3A_127 = tpu.vector_load %arg6[%swap3A_126] {strides = array<i32>} : memref<128xi32, #tpu.memory_space<vmem>>, vector<16xi32>,
    %swap3A_128 = vector.shape_cast %swap3A_127 : vector<16xi32> to vector<16xi32>
    %swap3A_129 = vector.shape_cast %add3A_125 : vector<16xi32> to vector<16xi32>
    tpu.vector_store %arg6[%swap3A_126], %swap3A_129 {strides = array<i32>} : memref<128xi32, #tpu.memory_space<vmem>>, vector<16xi32>,
    %shift_right_arithmetic3A_130 = arith.constant 16 : i32
    %shift_right_arithmetic3A_131 = vector.broadcast %shift_right_arithmetic3A_130 : i32 to vector<16xi32>
    %shift_right_arithmetic3A_132 = arith.shrsi %get3A_120, %shift_right_arithmetic3A_131 : vector<16xi32>
    %swap3A_133 = arith.constant 80 : index
    %swap3A_134 = tpu.vector_load %arg8[%swap3A_133] {strides = array<i32>} : memref<128xi32, #tpu.memory_space<vmem>>, vector<16xi32>,
    %swap3A_135 = vector.shape_cast %swap3A_134 : vector<16xi32> to vector<16xi32>
    %swap3A_136 = vector.shape_cast %shift_right_arithmetic3A_132 : vector<16xi32> to vector<16xi32>
    tpu.vector_store %arg8[%swap3A_133], %swap3A_136 {strides = array<i32>} : memref<128xi32, #tpu.memory_space<vmem>>, vector<16xi32>,
    %get3A_137 = arith.constant 0 : i32
    %get3A_138 = arith.index_cast %get3A_137 : i32 to index
    %get3A_139 = arith.constant 96 : index
    %get3A_140 = tpu.vector_load %arg5[%get3A_138, %get3A_139] {strides = array<i32>} : memref<80x128xi32, #tpu.memory_space<vmem>>, vector<1x16xi32>,
    %get3A_141 = vector.shape_cast %get3A_140 : vector<1x16xi32> to vector<16xi32>
    %and3A_142 = arith.constant 65535 : i32
    %and3A_143 = vector.broadcast %and3A_142 : i32 to vector<16xi32>
    %and3A_144 = arith.andi %get3A_141, %and3A_143 : vector<16xi32>
    %add3A_145 = vector.broadcast %mul3A_0 : i32 to vector<16xi32>
    %add3A_146 = arith.addi %and3A_144, %add3A_145 : vector<16xi32>
    %swap3A_147 = arith.constant 96 : index
    %swap3A_148 = tpu.vector_load %arg6[%swap3A_147] {strides = array<i32>} : memref<128xi32, #tpu.memory_space<vmem>>, vector<16xi32>,
    %swap3A_149 = vector.shape_cast %swap3A_148 : vector<16xi32> to vector<16xi32>
    %swap3A_150 = vector.shape_cast %add3A_146 : vector<16xi32> to vector<16xi32>
    tpu.vector_store %arg6[%swap3A_147], %swap3A_150 {strides = array<i32>} : memref<128xi32, #tpu.memory_space<vmem>>, vector<16xi32>,
    %shift_right_arithmetic3A_151 = arith.constant 16 : i32
    %shift_right_arithmetic3A_152 = vector.broadcast %shift_right_arithmetic3A_151 : i32 to vector<16xi32>
    %shift_right_arithmetic3A_153 = arith.shrsi %get3A_141, %shift_right_arithmetic3A_152 : vector<16xi32>
    %swap3A_154 = arith.constant 96 : index
    %swap3A_155 = tpu.vector_load %arg8[%swap3A_154] {strides = array<i32>} : memref<128xi32, #tpu.memory_space<vmem>>, vector<16xi32>,
    %swap3A_156 = vector.shape_cast %swap3A_155 : vector<16xi32> to vector<16xi32>
    %swap3A_157 = vector.shape_cast %shift_right_arithmetic3A_153 : vector<16xi32> to vector<16xi32>
    tpu.vector_store %arg8[%swap3A_154], %swap3A_157 {strides = array<i32>} : memref<128xi32, #tpu.memory_space<vmem>>, vector<16xi32>,
    %get3A_158 = arith.constant 0 : i32
    %get3A_159 = arith.index_cast %get3A_158 : i32 to index
    %get3A_160 = arith.constant 112 : index
    %get3A_161 = tpu.vector_load %arg5[%get3A_159, %get3A_160] {strides = array<i32>} : memref<80x128xi32, #tpu.memory_space<vmem>>, vector<1x16xi32>,
    %get3A_162 = vector.shape_cast %get3A_161 : vector<1x16xi32> to vector<16xi32>
    %and3A_163 = arith.constant 65535 : i32
    %and3A_164 = vector.broadcast %and3A_163 : i32 to vector<16xi32>
    %and3A_165 = arith.andi %get3A_162, %and3A_164 : vector<16xi32>
    %add3A_166 = vector.broadcast %mul3A_0 : i32 to vector<16xi32>
    %add3A_167 = arith.addi %and3A_165, %add3A_166 : vector<16xi32>
    %swap3A_168 = arith.constant 112 : index
    %swap3A_169 = tpu.vector_load %arg6[%swap3A_168] {strides = array<i32>} : memref<128xi32, #tpu.memory_space<vmem>>, vector<16xi32>,
    %swap3A_170 = vector.shape_cast %swap3A_169 : vector<16xi32> to vector<16xi32>
    %swap3A_171 = vector.shape_cast %add3A_167 : vector<16xi32> to vector<16xi32>
    tpu.vector_store %arg6[%swap3A_168], %swap3A_171 {strides = array<i32>} : memref<128xi32, #tpu.memory_space<vmem>>, vector<16xi32>,
    %shift_right_arithmetic3A_172 = arith.constant 16 : i32
    %shift_right_arithmetic3A_173 = vector.broadcast %shift_right_arithmetic3A_172 : i32 to vector<16xi32>
    %shift_right_arithmetic3A_174 = arith.shrsi %get3A_162, %shift_right_arithmetic3A_173 : vector<16xi32>
    %swap3A_175 = arith.constant 112 : index
    %swap3A_176 = tpu.vector_load %arg8[%swap3A_175] {strides = array<i32>} : memref<128xi32, #tpu.memory_space<vmem>>, vector<16xi32>,
    %swap3A_177 = vector.shape_cast %swap3A_176 : vector<16xi32> to vector<16xi32>
    %swap3A_178 = vector.shape_cast %shift_right_arithmetic3A_174 : vector<16xi32> to vector<16xi32>
    tpu.vector_store %arg8[%swap3A_175], %swap3A_178 {strides = array<i32>} : memref<128xi32, #tpu.memory_space<vmem>>, vector<16xi32>,
    %dma_start3A = arith.constant 0 : i32
    %dma_start3A_179 = arith.constant 0 : i32
    %dma_start3A_180 = tpu.memref_slice %arg2[%dma_start3A, %dma_start3A_179] : memref<20480x128xf32, #tpu.memory_space<hbm>> -> memref<20480x128xf32, #tpu.memory_space<hbm>>
    tpu.enqueue_indirect_dma source(%dma_start3A_180 : memref<20480x128xf32, #tpu.memory_space<hbm>>) target(%arg10 : memref<128x128xf32, #tpu.memory_space<vmem>>) offsets(%arg6 : memref<128xi32, #tpu.memory_space<vmem>>) semaphore(%arg13 : memref<!tpu.dma_semaphore, #tpu.memory_space<semaphore_mem>>)
    %scan3A_181 = arith.constant 0 : i32
    %scan3A_182 = arith.constant 0 : i32
    %scan3A_183 = arith.constant 40 : i32
    %scan3A_184 = arith.addi %scan3A_182, %scan3A_183 : i32
    %scan3A_185 = arith.constant 1 : i32
    %scan3A_186 = scf.for %scan3A_199 = %scan3A_182 to %scan3A_184 step %scan3A_185 iter_args(%scan3A_200 = %scan3A_181) -> (i32)  : i32 {
      %mul3A_201 = arith.constant 2 : i32
      %mul3A_202 = arith.muli %scan3A_199, %mul3A_201 : i32
      %add3A_203 = arith.constant 0 : i32
      %add3A_204 = arith.addi %mul3A_202, %add3A_203 : i32
      %add3A_205 = arith.constant 1 : i32
      %add3A_206 = arith.addi %add3A_204, %add3A_205 : i32
      %lt3A = arith.constant 80 : i32
      %lt3A_207 = arith.cmpi slt, %add3A_206, %lt3A : i32
      %convert_element_type3A = arith.extui %lt3A_207 : i1 to i32
      %cond3A = arith.constant 0 : i32
      %cond3A_208 = arith.cmpi ne, %convert_element_type3A, %cond3A : i32
      scf.if %cond3A_208 {
        %add3A_233 = arith.constant 1 : i32
        %add3A_234 = arith.addi %add3A_204, %add3A_233 : i32
        %ge3A = arith.constant 2 : i32
        %ge3A_235 = arith.cmpi sge, %add3A_234, %ge3A : i32
        %convert_element_type3A_236 = arith.extui %ge3A_235 : i1 to i32
        %cond3A_237 = arith.constant 0 : i32
        %cond3A_238 = arith.cmpi ne, %convert_element_type3A_236, %cond3A_237 : i32
        scf.if %cond3A_238 {
          %dma_wait3A_404 = arith.constant 0 : i32
          %dma_wait3A_405 = arith.constant 0 : i32
          %dma_wait3A_406 = tpu.memref_slice %arg12[%dma_wait3A_404, %dma_wait3A_405] : memref<10240x128xf32, #tpu.memory_space<vmem_shared>> -> memref<10240x128xf32, #tpu.memory_space<vmem_shared>>
          tpu.wait_indirect_dma semaphore(%arg16 : memref<!tpu.dma_semaphore, #tpu.memory_space<semaphore_mem>>) src(%arg11 : memref<128x128xf32, #tpu.memory_space<vmem>>) dst(%dma_wait3A_406 : memref<10240x128xf32, #tpu.memory_space<vmem_shared>>)
        } else {
        }
        %add3A_239 = arith.constant 1 : i32
        %add3A_240 = arith.addi %add3A_204, %add3A_239 : i32
        %get3A_241 = arith.index_cast %add3A_240 : i32 to index
        %get3A_242 = arith.constant 0 : index
        %get3A_243 = tpu.vector_load %arg5[%get3A_241, %get3A_242] {strides = array<i32>} : memref<80x128xi32, #tpu.memory_space<vmem>>, vector<1x16xi32>,
        %get3A_244 = vector.shape_cast %get3A_243 : vector<1x16xi32> to vector<16xi32>
        %and3A_245 = arith.constant 65535 : i32
        %and3A_246 = vector.broadcast %and3A_245 : i32 to vector<16xi32>
        %and3A_247 = arith.andi %get3A_244, %and3A_246 : vector<16xi32>
        %add3A_248 = vector.broadcast %mul3A_0 : i32 to vector<16xi32>
        %add3A_249 = arith.addi %and3A_247, %add3A_248 : vector<16xi32>
        %swap3A_250 = arith.constant 0 : index
        %swap3A_251 = tpu.vector_load %arg7[%swap3A_250] {strides = array<i32>} : memref<128xi32, #tpu.memory_space<vmem>>, vector<16xi32>,
        %swap3A_252 = vector.shape_cast %swap3A_251 : vector<16xi32> to vector<16xi32>
        %swap3A_253 = vector.shape_cast %add3A_249 : vector<16xi32> to vector<16xi32>
        tpu.vector_store %arg7[%swap3A_250], %swap3A_253 {strides = array<i32>} : memref<128xi32, #tpu.memory_space<vmem>>, vector<16xi32>,
        %shift_right_arithmetic3A_254 = arith.constant 16 : i32
        %shift_right_arithmetic3A_255 = vector.broadcast %shift_right_arithmetic3A_254 : i32 to vector<16xi32>
        %shift_right_arithmetic3A_256 = arith.shrsi %get3A_244, %shift_right_arithmetic3A_255 : vector<16xi32>
        %swap3A_257 = arith.constant 0 : index
        %swap3A_258 = tpu.vector_load %arg9[%swap3A_257] {strides = array<i32>} : memref<128xi32, #tpu.memory_space<vmem>>, vector<16xi32>,
        %swap3A_259 = vector.shape_cast %swap3A_258 : vector<16xi32> to vector<16xi32>
        %swap3A_260 = vector.shape_cast %shift_right_arithmetic3A_256 : vector<16xi32> to vector<16xi32>
        tpu.vector_store %arg9[%swap3A_257], %swap3A_260 {strides = array<i32>} : memref<128xi32, #tpu.memory_space<vmem>>, vector<16xi32>,
        %get3A_261 = arith.index_cast %add3A_240 : i32 to index
        %get3A_262 = arith.constant 16 : index
        %get3A_263 = tpu.vector_load %arg5[%get3A_261, %get3A_262] {strides = array<i32>} : memref<80x128xi32, #tpu.memory_space<vmem>>, vector<1x16xi32>,
        %get3A_264 = vector.shape_cast %get3A_263 : vector<1x16xi32> to vector<16xi32>
        %and3A_265 = arith.constant 65535 : i32
        %and3A_266 = vector.broadcast %and3A_265 : i32 to vector<16xi32>
        %and3A_267 = arith.andi %get3A_264, %and3A_266 : vector<16xi32>
        %add3A_268 = vector.broadcast %mul3A_0 : i32 to vector<16xi32>
        %add3A_269 = arith.addi %and3A_267, %add3A_268 : vector<16xi32>
        %swap3A_270 = arith.constant 16 : index
        %swap3A_271 = tpu.vector_load %arg7[%swap3A_270] {strides = array<i32>} : memref<128xi32, #tpu.memory_space<vmem>>, vector<16xi32>,
        %swap3A_272 = vector.shape_cast %swap3A_271 : vector<16xi32> to vector<16xi32>
        %swap3A_273 = vector.shape_cast %add3A_269 : vector<16xi32> to vector<16xi32>
        tpu.vector_store %arg7[%swap3A_270], %swap3A_273 {strides = array<i32>} : memref<128xi32, #tpu.memory_space<vmem>>, vector<16xi32>,
        %shift_right_arithmetic3A_274 = arith.constant 16 : i32
        %shift_right_arithmetic3A_275 = vector.broadcast %shift_right_arithmetic3A_274 : i32 to vector<16xi32>
        %shift_right_arithmetic3A_276 = arith.shrsi %get3A_264, %shift_right_arithmetic3A_275 : vector<16xi32>
        %swap3A_277 = arith.constant 16 : index
        %swap3A_278 = tpu.vector_load %arg9[%swap3A_277] {strides = array<i32>} : memref<128xi32, #tpu.memory_space<vmem>>, vector<16xi32>,
        %swap3A_279 = vector.shape_cast %swap3A_278 : vector<16xi32> to vector<16xi32>
        %swap3A_280 = vector.shape_cast %shift_right_arithmetic3A_276 : vector<16xi32> to vector<16xi32>
        tpu.vector_store %arg9[%swap3A_277], %swap3A_280 {strides = array<i32>} : memref<128xi32, #tpu.memory_space<vmem>>, vector<16xi32>,
        %get3A_281 = arith.index_cast %add3A_240 : i32 to index
        %get3A_282 = arith.constant 32 : index
        %get3A_283 = tpu.vector_load %arg5[%get3A_281, %get3A_282] {strides = array<i32>} : memref<80x128xi32, #tpu.memory_space<vmem>>, vector<1x16xi32>,
        %get3A_284 = vector.shape_cast %get3A_283 : vector<1x16xi32> to vector<16xi32>
        %and3A_285 = arith.constant 65535 : i32
        %and3A_286 = vector.broadcast %and3A_285 : i32 to vector<16xi32>
        %and3A_287 = arith.andi %get3A_284, %and3A_286 : vector<16xi32>
        %add3A_288 = vector.broadcast %mul3A_0 : i32 to vector<16xi32>
        %add3A_289 = arith.addi %and3A_287, %add3A_288 : vector<16xi32>
        %swap3A_290 = arith.constant 32 : index
        %swap3A_291 = tpu.vector_load %arg7[%swap3A_290] {strides = array<i32>} : memref<128xi32, #tpu.memory_space<vmem>>, vector<16xi32>,
        %swap3A_292 = vector.shape_cast %swap3A_291 : vector<16xi32> to vector<16xi32>
        %swap3A_293 = vector.shape_cast %add3A_289 : vector<16xi32> to vector<16xi32>
        tpu.vector_store %arg7[%swap3A_290], %swap3A_293 {strides = array<i32>} : memref<128xi32, #tpu.memory_space<vmem>>, vector<16xi32>,
        %shift_right_arithmetic3A_294 = arith.constant 16 : i32
        %shift_right_arithmetic3A_295 = vector.broadcast %shift_right_arithmetic3A_294 : i32 to vector<16xi32>
        %shift_right_arithmetic3A_296 = arith.shrsi %get3A_284, %shift_right_arithmetic3A_295 : vector<16xi32>
        %swap3A_297 = arith.constant 32 : index
        %swap3A_298 = tpu.vector_load %arg9[%swap3A_297] {strides = array<i32>} : memref<128xi32, #tpu.memory_space<vmem>>, vector<16xi32>,
        %swap3A_299 = vector.shape_cast %swap3A_298 : vector<16xi32> to vector<16xi32>
        %swap3A_300 = vector.shape_cast %shift_right_arithmetic3A_296 : vector<16xi32> to vector<16xi32>
        tpu.vector_store %arg9[%swap3A_297], %swap3A_300 {strides = array<i32>} : memref<128xi32, #tpu.memory_space<vmem>>, vector<16xi32>,
        %get3A_301 = arith.index_cast %add3A_240 : i32 to index
        %get3A_302 = arith.constant 48 : index
        %get3A_303 = tpu.vector_load %arg5[%get3A_301, %get3A_302] {strides = array<i32>} : memref<80x128xi32, #tpu.memory_space<vmem>>, vector<1x16xi32>,
        %get3A_304 = vector.shape_cast %get3A_303 : vector<1x16xi32> to vector<16xi32>
        %and3A_305 = arith.constant 65535 : i32
        %and3A_306 = vector.broadcast %and3A_305 : i32 to vector<16xi32>
        %and3A_307 = arith.andi %get3A_304, %and3A_306 : vector<16xi32>
        %add3A_308 = vector.broadcast %mul3A_0 : i32 to vector<16xi32>
        %add3A_309 = arith.addi %and3A_307, %add3A_308 : vector<16xi32>
        %swap3A_310 = arith.constant 48 : index
        %swap3A_311 = tpu.vector_load %arg7[%swap3A_310] {strides = array<i32>} : memref<128xi32, #tpu.memory_space<vmem>>, vector<16xi32>,
        %swap3A_312 = vector.shape_cast %swap3A_311 : vector<16xi32> to vector<16xi32>
        %swap3A_313 = vector.shape_cast %add3A_309 : vector<16xi32> to vector<16xi32>
        tpu.vector_store %arg7[%swap3A_310], %swap3A_313 {strides = array<i32>} : memref<128xi32, #tpu.memory_space<vmem>>, vector<16xi32>,
        %shift_right_arithmetic3A_314 = arith.constant 16 : i32
        %shift_right_arithmetic3A_315 = vector.broadcast %shift_right_arithmetic3A_314 : i32 to vector<16xi32>
        %shift_right_arithmetic3A_316 = arith.shrsi %get3A_304, %shift_right_arithmetic3A_315 : vector<16xi32>
        %swap3A_317 = arith.constant 48 : index
        %swap3A_318 = tpu.vector_load %arg9[%swap3A_317] {strides = array<i32>} : memref<128xi32, #tpu.memory_space<vmem>>, vector<16xi32>,
        %swap3A_319 = vector.shape_cast %swap3A_318 : vector<16xi32> to vector<16xi32>
        %swap3A_320 = vector.shape_cast %shift_right_arithmetic3A_316 : vector<16xi32> to vector<16xi32>
        tpu.vector_store %arg9[%swap3A_317], %swap3A_320 {strides = array<i32>} : memref<128xi32, #tpu.memory_space<vmem>>, vector<16xi32>,
        %get3A_321 = arith.index_cast %add3A_240 : i32 to index
        %get3A_322 = arith.constant 64 : index
        %get3A_323 = tpu.vector_load %arg5[%get3A_321, %get3A_322] {strides = array<i32>} : memref<80x128xi32, #tpu.memory_space<vmem>>, vector<1x16xi32>,
        %get3A_324 = vector.shape_cast %get3A_323 : vector<1x16xi32> to vector<16xi32>
        %and3A_325 = arith.constant 65535 : i32
        %and3A_326 = vector.broadcast %and3A_325 : i32 to vector<16xi32>
        %and3A_327 = arith.andi %get3A_324, %and3A_326 : vector<16xi32>
        %add3A_328 = vector.broadcast %mul3A_0 : i32 to vector<16xi32>
        %add3A_329 = arith.addi %and3A_327, %add3A_328 : vector<16xi32>
        %swap3A_330 = arith.constant 64 : index
        %swap3A_331 = tpu.vector_load %arg7[%swap3A_330] {strides = array<i32>} : memref<128xi32, #tpu.memory_space<vmem>>, vector<16xi32>,
        %swap3A_332 = vector.shape_cast %swap3A_331 : vector<16xi32> to vector<16xi32>
        %swap3A_333 = vector.shape_cast %add3A_329 : vector<16xi32> to vector<16xi32>
        tpu.vector_store %arg7[%swap3A_330], %swap3A_333 {strides = array<i32>} : memref<128xi32, #tpu.memory_space<vmem>>, vector<16xi32>,
        %shift_right_arithmetic3A_334 = arith.constant 16 : i32
        %shift_right_arithmetic3A_335 = vector.broadcast %shift_right_arithmetic3A_334 : i32 to vector<16xi32>
        %shift_right_arithmetic3A_336 = arith.shrsi %get3A_324, %shift_right_arithmetic3A_335 : vector<16xi32>
        %swap3A_337 = arith.constant 64 : index
        %swap3A_338 = tpu.vector_load %arg9[%swap3A_337] {strides = array<i32>} : memref<128xi32, #tpu.memory_space<vmem>>, vector<16xi32>,
        %swap3A_339 = vector.shape_cast %swap3A_338 : vector<16xi32> to vector<16xi32>
        %swap3A_340 = vector.shape_cast %shift_right_arithmetic3A_336 : vector<16xi32> to vector<16xi32>
        tpu.vector_store %arg9[%swap3A_337], %swap3A_340 {strides = array<i32>} : memref<128xi32, #tpu.memory_space<vmem>>, vector<16xi32>,
        %get3A_341 = arith.index_cast %add3A_240 : i32 to index
        %get3A_342 = arith.constant 80 : index
        %get3A_343 = tpu.vector_load %arg5[%get3A_341, %get3A_342] {strides = array<i32>} : memref<80x128xi32, #tpu.memory_space<vmem>>, vector<1x16xi32>,
        %get3A_344 = vector.shape_cast %get3A_343 : vector<1x16xi32> to vector<16xi32>
        %and3A_345 = arith.constant 65535 : i32
        %and3A_346 = vector.broadcast %and3A_345 : i32 to vector<16xi32>
        %and3A_347 = arith.andi %get3A_344, %and3A_346 : vector<16xi32>
        %add3A_348 = vector.broadcast %mul3A_0 : i32 to vector<16xi32>
        %add3A_349 = arith.addi %and3A_347, %add3A_348 : vector<16xi32>
        %swap3A_350 = arith.constant 80 : index
        %swap3A_351 = tpu.vector_load %arg7[%swap3A_350] {strides = array<i32>} : memref<128xi32, #tpu.memory_space<vmem>>, vector<16xi32>,
        %swap3A_352 = vector.shape_cast %swap3A_351 : vector<16xi32> to vector<16xi32>
        %swap3A_353 = vector.shape_cast %add3A_349 : vector<16xi32> to vector<16xi32>
        tpu.vector_store %arg7[%swap3A_350], %swap3A_353 {strides = array<i32>} : memref<128xi32, #tpu.memory_space<vmem>>, vector<16xi32>,
        %shift_right_arithmetic3A_354 = arith.constant 16 : i32
        %shift_right_arithmetic3A_355 = vector.broadcast %shift_right_arithmetic3A_354 : i32 to vector<16xi32>
        %shift_right_arithmetic3A_356 = arith.shrsi %get3A_344, %shift_right_arithmetic3A_355 : vector<16xi32>
        %swap3A_357 = arith.constant 80 : index
        %swap3A_358 = tpu.vector_load %arg9[%swap3A_357] {strides = array<i32>} : memref<128xi32, #tpu.memory_space<vmem>>, vector<16xi32>,
        %swap3A_359 = vector.shape_cast %swap3A_358 : vector<16xi32> to vector<16xi32>
        %swap3A_360 = vector.shape_cast %shift_right_arithmetic3A_356 : vector<16xi32> to vector<16xi32>
        tpu.vector_store %arg9[%swap3A_357], %swap3A_360 {strides = array<i32>} : memref<128xi32, #tpu.memory_space<vmem>>, vector<16xi32>,
        %get3A_361 = arith.index_cast %add3A_240 : i32 to index
        %get3A_362 = arith.constant 96 : index
        %get3A_363 = tpu.vector_load %arg5[%get3A_361, %get3A_362] {strides = array<i32>} : memref<80x128xi32, #tpu.memory_space<vmem>>, vector<1x16xi32>,
        %get3A_364 = vector.shape_cast %get3A_363 : vector<1x16xi32> to vector<16xi32>
        %and3A_365 = arith.constant 65535 : i32
        %and3A_366 = vector.broadcast %and3A_365 : i32 to vector<16xi32>
        %and3A_367 = arith.andi %get3A_364, %and3A_366 : vector<16xi32>
        %add3A_368 = vector.broadcast %mul3A_0 : i32 to vector<16xi32>
        %add3A_369 = arith.addi %and3A_367, %add3A_368 : vector<16xi32>
        %swap3A_370 = arith.constant 96 : index
        %swap3A_371 = tpu.vector_load %arg7[%swap3A_370] {strides = array<i32>} : memref<128xi32, #tpu.memory_space<vmem>>, vector<16xi32>,
        %swap3A_372 = vector.shape_cast %swap3A_371 : vector<16xi32> to vector<16xi32>
        %swap3A_373 = vector.shape_cast %add3A_369 : vector<16xi32> to vector<16xi32>
        tpu.vector_store %arg7[%swap3A_370], %swap3A_373 {strides = array<i32>} : memref<128xi32, #tpu.memory_space<vmem>>, vector<16xi32>,
        %shift_right_arithmetic3A_374 = arith.constant 16 : i32
        %shift_right_arithmetic3A_375 = vector.broadcast %shift_right_arithmetic3A_374 : i32 to vector<16xi32>
        %shift_right_arithmetic3A_376 = arith.shrsi %get3A_364, %shift_right_arithmetic3A_375 : vector<16xi32>
        %swap3A_377 = arith.constant 96 : index
        %swap3A_378 = tpu.vector_load %arg9[%swap3A_377] {strides = array<i32>} : memref<128xi32, #tpu.memory_space<vmem>>, vector<16xi32>,
        %swap3A_379 = vector.shape_cast %swap3A_378 : vector<16xi32> to vector<16xi32>
        %swap3A_380 = vector.shape_cast %shift_right_arithmetic3A_376 : vector<16xi32> to vector<16xi32>
        tpu.vector_store %arg9[%swap3A_377], %swap3A_380 {strides = array<i32>} : memref<128xi32, #tpu.memory_space<vmem>>, vector<16xi32>,
        %get3A_381 = arith.index_cast %add3A_240 : i32 to index
        %get3A_382 = arith.constant 112 : index
        %get3A_383 = tpu.vector_load %arg5[%get3A_381, %get3A_382] {strides = array<i32>} : memref<80x128xi32, #tpu.memory_space<vmem>>, vector<1x16xi32>,
        %get3A_384 = vector.shape_cast %get3A_383 : vector<1x16xi32> to vector<16xi32>
        %and3A_385 = arith.constant 65535 : i32
        %and3A_386 = vector.broadcast %and3A_385 : i32 to vector<16xi32>
        %and3A_387 = arith.andi %get3A_384, %and3A_386 : vector<16xi32>
        %add3A_388 = vector.broadcast %mul3A_0 : i32 to vector<16xi32>
        %add3A_389 = arith.addi %and3A_387, %add3A_388 : vector<16xi32>
        %swap3A_390 = arith.constant 112 : index
        %swap3A_391 = tpu.vector_load %arg7[%swap3A_390] {strides = array<i32>} : memref<128xi32, #tpu.memory_space<vmem>>, vector<16xi32>,
        %swap3A_392 = vector.shape_cast %swap3A_391 : vector<16xi32> to vector<16xi32>
        %swap3A_393 = vector.shape_cast %add3A_389 : vector<16xi32> to vector<16xi32>
        tpu.vector_store %arg7[%swap3A_390], %swap3A_393 {strides = array<i32>} : memref<128xi32, #tpu.memory_space<vmem>>, vector<16xi32>,
        %shift_right_arithmetic3A_394 = arith.constant 16 : i32
        %shift_right_arithmetic3A_395 = vector.broadcast %shift_right_arithmetic3A_394 : i32 to vector<16xi32>
        %shift_right_arithmetic3A_396 = arith.shrsi %get3A_384, %shift_right_arithmetic3A_395 : vector<16xi32>
        %swap3A_397 = arith.constant 112 : index
        %swap3A_398 = tpu.vector_load %arg9[%swap3A_397] {strides = array<i32>} : memref<128xi32, #tpu.memory_space<vmem>>, vector<16xi32>,
        %swap3A_399 = vector.shape_cast %swap3A_398 : vector<16xi32> to vector<16xi32>
        %swap3A_400 = vector.shape_cast %shift_right_arithmetic3A_396 : vector<16xi32> to vector<16xi32>
        tpu.vector_store %arg9[%swap3A_397], %swap3A_400 {strides = array<i32>} : memref<128xi32, #tpu.memory_space<vmem>>, vector<16xi32>,
        %dma_start3A_401 = arith.constant 0 : i32
        %dma_start3A_402 = arith.constant 0 : i32
        %dma_start3A_403 = tpu.memref_slice %arg2[%dma_start3A_401, %dma_start3A_402] : memref<20480x128xf32, #tpu.memory_space<hbm>> -> memref<20480x128xf32, #tpu.memory_space<hbm>>
        tpu.enqueue_indirect_dma source(%dma_start3A_403 : memref<20480x128xf32, #tpu.memory_space<hbm>>) target(%arg11 : memref<128x128xf32, #tpu.memory_space<vmem>>) offsets(%arg7 : memref<128xi32, #tpu.memory_space<vmem>>) semaphore(%arg14 : memref<!tpu.dma_semaphore, #tpu.memory_space<semaphore_mem>>)
      } else {
      }
      %dma_wait3A_209 = arith.constant 0 : i32
      %dma_wait3A_210 = arith.constant 0 : i32
      %dma_wait3A_211 = tpu.memref_slice %arg2[%dma_wait3A_209, %dma_wait3A_210] : memref<20480x128xf32, #tpu.memory_space<hbm>> -> memref<20480x128xf32, #tpu.memory_space<hbm>>
      tpu.wait_indirect_dma semaphore(%arg13 : memref<!tpu.dma_semaphore, #tpu.memory_space<semaphore_mem>>) src(%dma_wait3A_211 : memref<20480x128xf32, #tpu.memory_space<hbm>>) dst(%arg10 : memref<128x128xf32, #tpu.memory_space<vmem>>)
      %dma_start3A_212 = arith.constant 0 : i32
      %dma_start3A_213 = arith.constant 0 : i32
      %dma_start3A_214 = tpu.memref_slice %arg12[%dma_start3A_212, %dma_start3A_213] : memref<10240x128xf32, #tpu.memory_space<vmem_shared>> -> memref<10240x128xf32, #tpu.memory_space<vmem_shared>>
      tpu.enqueue_indirect_dma source(%arg10 : memref<128x128xf32, #tpu.memory_space<vmem>>) target(%dma_start3A_214 : memref<10240x128xf32, #tpu.memory_space<vmem_shared>>) offsets(%arg8 : memref<128xi32, #tpu.memory_space<vmem>>) semaphore(%arg15 : memref<!tpu.dma_semaphore, #tpu.memory_space<semaphore_mem>>) {add = true}
      %mul3A_215 = arith.constant 2 : i32
      %mul3A_216 = arith.muli %scan3A_199, %mul3A_215 : i32
      %add3A_217 = arith.constant 1 : i32
      %add3A_218 = arith.addi %mul3A_216, %add3A_217 : i32
      %add3A_219 = arith.constant 1 : i32
      %add3A_220 = arith.addi %add3A_218, %add3A_219 : i32
      %lt3A_221 = arith.constant 80 : i32
      %lt3A_222 = arith.cmpi slt, %add3A_220, %lt3A_221 : i32
      %convert_element_type3A_223 = arith.extui %lt3A_222 : i1 to i32
      %cond3A_224 = arith.constant 0 : i32
      %cond3A_225 = arith.cmpi ne, %convert_element_type3A_223, %cond3A_224 : i32
      scf.if %cond3A_225 {
        %add3A_233 = arith.constant 1 : i32
        %add3A_234 = arith.addi %add3A_218, %add3A_233 : i32
        %ge3A = arith.constant 2 : i32
        %ge3A_235 = arith.cmpi sge, %add3A_234, %ge3A : i32
        %convert_element_type3A_236 = arith.extui %ge3A_235 : i1 to i32
        %cond3A_237 = arith.constant 0 : i32
        %cond3A_238 = arith.cmpi ne, %convert_element_type3A_236, %cond3A_237 : i32
        scf.if %cond3A_238 {
          %dma_wait3A_404 = arith.constant 0 : i32
          %dma_wait3A_405 = arith.constant 0 : i32
          %dma_wait3A_406 = tpu.memref_slice %arg12[%dma_wait3A_404, %dma_wait3A_405] : memref<10240x128xf32, #tpu.memory_space<vmem_shared>> -> memref<10240x128xf32, #tpu.memory_space<vmem_shared>>
          tpu.wait_indirect_dma semaphore(%arg15 : memref<!tpu.dma_semaphore, #tpu.memory_space<semaphore_mem>>) src(%arg10 : memref<128x128xf32, #tpu.memory_space<vmem>>) dst(%dma_wait3A_406 : memref<10240x128xf32, #tpu.memory_space<vmem_shared>>)
        } else {
        }
        %add3A_239 = arith.constant 1 : i32
        %add3A_240 = arith.addi %add3A_218, %add3A_239 : i32
        %get3A_241 = arith.index_cast %add3A_240 : i32 to index
        %get3A_242 = arith.constant 0 : index
        %get3A_243 = tpu.vector_load %arg5[%get3A_241, %get3A_242] {strides = array<i32>} : memref<80x128xi32, #tpu.memory_space<vmem>>, vector<1x16xi32>,
        %get3A_244 = vector.shape_cast %get3A_243 : vector<1x16xi32> to vector<16xi32>
        %and3A_245 = arith.constant 65535 : i32
        %and3A_246 = vector.broadcast %and3A_245 : i32 to vector<16xi32>
        %and3A_247 = arith.andi %get3A_244, %and3A_246 : vector<16xi32>
        %add3A_248 = vector.broadcast %mul3A_0 : i32 to vector<16xi32>
        %add3A_249 = arith.addi %and3A_247, %add3A_248 : vector<16xi32>
        %swap3A_250 = arith.constant 0 : index
        %swap3A_251 = tpu.vector_load %arg6[%swap3A_250] {strides = array<i32>} : memref<128xi32, #tpu.memory_space<vmem>>, vector<16xi32>,
        %swap3A_252 = vector.shape_cast %swap3A_251 : vector<16xi32> to vector<16xi32>
        %swap3A_253 = vector.shape_cast %add3A_249 : vector<16xi32> to vector<16xi32>
        tpu.vector_store %arg6[%swap3A_250], %swap3A_253 {strides = array<i32>} : memref<128xi32, #tpu.memory_space<vmem>>, vector<16xi32>,
        %shift_right_arithmetic3A_254 = arith.constant 16 : i32
        %shift_right_arithmetic3A_255 = vector.broadcast %shift_right_arithmetic3A_254 : i32 to vector<16xi32>
        %shift_right_arithmetic3A_256 = arith.shrsi %get3A_244, %shift_right_arithmetic3A_255 : vector<16xi32>
        %swap3A_257 = arith.constant 0 : index
        %swap3A_258 = tpu.vector_load %arg8[%swap3A_257] {strides = array<i32>} : memref<128xi32, #tpu.memory_space<vmem>>, vector<16xi32>,
        %swap3A_259 = vector.shape_cast %swap3A_258 : vector<16xi32> to vector<16xi32>
        %swap3A_260 = vector.shape_cast %shift_right_arithmetic3A_256 : vector<16xi32> to vector<16xi32>
        tpu.vector_store %arg8[%swap3A_257], %swap3A_260 {strides = array<i32>} : memref<128xi32, #tpu.memory_space<vmem>>, vector<16xi32>,
        %get3A_261 = arith.index_cast %add3A_240 : i32 to index
        %get3A_262 = arith.constant 16 : index
        %get3A_263 = tpu.vector_load %arg5[%get3A_261, %get3A_262] {strides = array<i32>} : memref<80x128xi32, #tpu.memory_space<vmem>>, vector<1x16xi32>,
        %get3A_264 = vector.shape_cast %get3A_263 : vector<1x16xi32> to vector<16xi32>
        %and3A_265 = arith.constant 65535 : i32
        %and3A_266 = vector.broadcast %and3A_265 : i32 to vector<16xi32>
        %and3A_267 = arith.andi %get3A_264, %and3A_266 : vector<16xi32>
        %add3A_268 = vector.broadcast %mul3A_0 : i32 to vector<16xi32>
        %add3A_269 = arith.addi %and3A_267, %add3A_268 : vector<16xi32>
        %swap3A_270 = arith.constant 16 : index
        %swap3A_271 = tpu.vector_load %arg6[%swap3A_270] {strides = array<i32>} : memref<128xi32, #tpu.memory_space<vmem>>, vector<16xi32>,
        %swap3A_272 = vector.shape_cast %swap3A_271 : vector<16xi32> to vector<16xi32>
        %swap3A_273 = vector.shape_cast %add3A_269 : vector<16xi32> to vector<16xi32>
        tpu.vector_store %arg6[%swap3A_270], %swap3A_273 {strides = array<i32>} : memref<128xi32, #tpu.memory_space<vmem>>, vector<16xi32>,
        %shift_right_arithmetic3A_274 = arith.constant 16 : i32
        %shift_right_arithmetic3A_275 = vector.broadcast %shift_right_arithmetic3A_274 : i32 to vector<16xi32>
        %shift_right_arithmetic3A_276 = arith.shrsi %get3A_264, %shift_right_arithmetic3A_275 : vector<16xi32>
        %swap3A_277 = arith.constant 16 : index
        %swap3A_278 = tpu.vector_load %arg8[%swap3A_277] {strides = array<i32>} : memref<128xi32, #tpu.memory_space<vmem>>, vector<16xi32>,
        %swap3A_279 = vector.shape_cast %swap3A_278 : vector<16xi32> to vector<16xi32>
        %swap3A_280 = vector.shape_cast %shift_right_arithmetic3A_276 : vector<16xi32> to vector<16xi32>
        tpu.vector_store %arg8[%swap3A_277], %swap3A_280 {strides = array<i32>} : memref<128xi32, #tpu.memory_space<vmem>>, vector<16xi32>,
        %get3A_281 = arith.index_cast %add3A_240 : i32 to index
        %get3A_282 = arith.constant 32 : index
        %get3A_283 = tpu.vector_load %arg5[%get3A_281, %get3A_282] {strides = array<i32>} : memref<80x128xi32, #tpu.memory_space<vmem>>, vector<1x16xi32>,
        %get3A_284 = vector.shape_cast %get3A_283 : vector<1x16xi32> to vector<16xi32>
        %and3A_285 = arith.constant 65535 : i32
        %and3A_286 = vector.broadcast %and3A_285 : i32 to vector<16xi32>
        %and3A_287 = arith.andi %get3A_284, %and3A_286 : vector<16xi32>
        %add3A_288 = vector.broadcast %mul3A_0 : i32 to vector<16xi32>
        %add3A_289 = arith.addi %and3A_287, %add3A_288 : vector<16xi32>
        %swap3A_290 = arith.constant 32 : index
        %swap3A_291 = tpu.vector_load %arg6[%swap3A_290] {strides = array<i32>} : memref<128xi32, #tpu.memory_space<vmem>>, vector<16xi32>,
        %swap3A_292 = vector.shape_cast %swap3A_291 : vector<16xi32> to vector<16xi32>
        %swap3A_293 = vector.shape_cast %add3A_289 : vector<16xi32> to vector<16xi32>
        tpu.vector_store %arg6[%swap3A_290], %swap3A_293 {strides = array<i32>} : memref<128xi32, #tpu.memory_space<vmem>>, vector<16xi32>,
        %shift_right_arithmetic3A_294 = arith.constant 16 : i32
        %shift_right_arithmetic3A_295 = vector.broadcast %shift_right_arithmetic3A_294 : i32 to vector<16xi32>
        %shift_right_arithmetic3A_296 = arith.shrsi %get3A_284, %shift_right_arithmetic3A_295 : vector<16xi32>
        %swap3A_297 = arith.constant 32 : index
        %swap3A_298 = tpu.vector_load %arg8[%swap3A_297] {strides = array<i32>} : memref<128xi32, #tpu.memory_space<vmem>>, vector<16xi32>,
        %swap3A_299 = vector.shape_cast %swap3A_298 : vector<16xi32> to vector<16xi32>
        %swap3A_300 = vector.shape_cast %shift_right_arithmetic3A_296 : vector<16xi32> to vector<16xi32>
        tpu.vector_store %arg8[%swap3A_297], %swap3A_300 {strides = array<i32>} : memref<128xi32, #tpu.memory_space<vmem>>, vector<16xi32>,
        %get3A_301 = arith.index_cast %add3A_240 : i32 to index
        %get3A_302 = arith.constant 48 : index
        %get3A_303 = tpu.vector_load %arg5[%get3A_301, %get3A_302] {strides = array<i32>} : memref<80x128xi32, #tpu.memory_space<vmem>>, vector<1x16xi32>,
        %get3A_304 = vector.shape_cast %get3A_303 : vector<1x16xi32> to vector<16xi32>
        %and3A_305 = arith.constant 65535 : i32
        %and3A_306 = vector.broadcast %and3A_305 : i32 to vector<16xi32>
        %and3A_307 = arith.andi %get3A_304, %and3A_306 : vector<16xi32>
        %add3A_308 = vector.broadcast %mul3A_0 : i32 to vector<16xi32>
        %add3A_309 = arith.addi %and3A_307, %add3A_308 : vector<16xi32>
        %swap3A_310 = arith.constant 48 : index
        %swap3A_311 = tpu.vector_load %arg6[%swap3A_310] {strides = array<i32>} : memref<128xi32, #tpu.memory_space<vmem>>, vector<16xi32>,
        %swap3A_312 = vector.shape_cast %swap3A_311 : vector<16xi32> to vector<16xi32>
        %swap3A_313 = vector.shape_cast %add3A_309 : vector<16xi32> to vector<16xi32>
        tpu.vector_store %arg6[%swap3A_310], %swap3A_313 {strides = array<i32>} : memref<128xi32, #tpu.memory_space<vmem>>, vector<16xi32>,
        %shift_right_arithmetic3A_314 = arith.constant 16 : i32
        %shift_right_arithmetic3A_315 = vector.broadcast %shift_right_arithmetic3A_314 : i32 to vector<16xi32>
        %shift_right_arithmetic3A_316 = arith.shrsi %get3A_304, %shift_right_arithmetic3A_315 : vector<16xi32>
        %swap3A_317 = arith.constant 48 : index
        %swap3A_318 = tpu.vector_load %arg8[%swap3A_317] {strides = array<i32>} : memref<128xi32, #tpu.memory_space<vmem>>, vector<16xi32>,
        %swap3A_319 = vector.shape_cast %swap3A_318 : vector<16xi32> to vector<16xi32>
        %swap3A_320 = vector.shape_cast %shift_right_arithmetic3A_316 : vector<16xi32> to vector<16xi32>
        tpu.vector_store %arg8[%swap3A_317], %swap3A_320 {strides = array<i32>} : memref<128xi32, #tpu.memory_space<vmem>>, vector<16xi32>,
        %get3A_321 = arith.index_cast %add3A_240 : i32 to index
        %get3A_322 = arith.constant 64 : index
        %get3A_323 = tpu.vector_load %arg5[%get3A_321, %get3A_322] {strides = array<i32>} : memref<80x128xi32, #tpu.memory_space<vmem>>, vector<1x16xi32>,
        %get3A_324 = vector.shape_cast %get3A_323 : vector<1x16xi32> to vector<16xi32>
        %and3A_325 = arith.constant 65535 : i32
        %and3A_326 = vector.broadcast %and3A_325 : i32 to vector<16xi32>
        %and3A_327 = arith.andi %get3A_324, %and3A_326 : vector<16xi32>
        %add3A_328 = vector.broadcast %mul3A_0 : i32 to vector<16xi32>
        %add3A_329 = arith.addi %and3A_327, %add3A_328 : vector<16xi32>
        %swap3A_330 = arith.constant 64 : index
        %swap3A_331 = tpu.vector_load %arg6[%swap3A_330] {strides = array<i32>} : memref<128xi32, #tpu.memory_space<vmem>>, vector<16xi32>,
        %swap3A_332 = vector.shape_cast %swap3A_331 : vector<16xi32> to vector<16xi32>
        %swap3A_333 = vector.shape_cast %add3A_329 : vector<16xi32> to vector<16xi32>
        tpu.vector_store %arg6[%swap3A_330], %swap3A_333 {strides = array<i32>} : memref<128xi32, #tpu.memory_space<vmem>>, vector<16xi32>,
        %shift_right_arithmetic3A_334 = arith.constant 16 : i32
        %shift_right_arithmetic3A_335 = vector.broadcast %shift_right_arithmetic3A_334 : i32 to vector<16xi32>
        %shift_right_arithmetic3A_336 = arith.shrsi %get3A_324, %shift_right_arithmetic3A_335 : vector<16xi32>
        %swap3A_337 = arith.constant 64 : index
        %swap3A_338 = tpu.vector_load %arg8[%swap3A_337] {strides = array<i32>} : memref<128xi32, #tpu.memory_space<vmem>>, vector<16xi32>,
        %swap3A_339 = vector.shape_cast %swap3A_338 : vector<16xi32> to vector<16xi32>
        %swap3A_340 = vector.shape_cast %shift_right_arithmetic3A_336 : vector<16xi32> to vector<16xi32>
        tpu.vector_store %arg8[%swap3A_337], %swap3A_340 {strides = array<i32>} : memref<128xi32, #tpu.memory_space<vmem>>, vector<16xi32>,
        %get3A_341 = arith.index_cast %add3A_240 : i32 to index
        %get3A_342 = arith.constant 80 : index
        %get3A_343 = tpu.vector_load %arg5[%get3A_341, %get3A_342] {strides = array<i32>} : memref<80x128xi32, #tpu.memory_space<vmem>>, vector<1x16xi32>,
        %get3A_344 = vector.shape_cast %get3A_343 : vector<1x16xi32> to vector<16xi32>
        %and3A_345 = arith.constant 65535 : i32
        %and3A_346 = vector.broadcast %and3A_345 : i32 to vector<16xi32>
        %and3A_347 = arith.andi %get3A_344, %and3A_346 : vector<16xi32>
        %add3A_348 = vector.broadcast %mul3A_0 : i32 to vector<16xi32>
        %add3A_349 = arith.addi %and3A_347, %add3A_348 : vector<16xi32>
        %swap3A_350 = arith.constant 80 : index
        %swap3A_351 = tpu.vector_load %arg6[%swap3A_350] {strides = array<i32>} : memref<128xi32, #tpu.memory_space<vmem>>, vector<16xi32>,
        %swap3A_352 = vector.shape_cast %swap3A_351 : vector<16xi32> to vector<16xi32>
        %swap3A_353 = vector.shape_cast %add3A_349 : vector<16xi32> to vector<16xi32>
        tpu.vector_store %arg6[%swap3A_350], %swap3A_353 {strides = array<i32>} : memref<128xi32, #tpu.memory_space<vmem>>, vector<16xi32>,
        %shift_right_arithmetic3A_354 = arith.constant 16 : i32
        %shift_right_arithmetic3A_355 = vector.broadcast %shift_right_arithmetic3A_354 : i32 to vector<16xi32>
        %shift_right_arithmetic3A_356 = arith.shrsi %get3A_344, %shift_right_arithmetic3A_355 : vector<16xi32>
        %swap3A_357 = arith.constant 80 : index
        %swap3A_358 = tpu.vector_load %arg8[%swap3A_357] {strides = array<i32>} : memref<128xi32, #tpu.memory_space<vmem>>, vector<16xi32>,
        %swap3A_359 = vector.shape_cast %swap3A_358 : vector<16xi32> to vector<16xi32>
        %swap3A_360 = vector.shape_cast %shift_right_arithmetic3A_356 : vector<16xi32> to vector<16xi32>
        tpu.vector_store %arg8[%swap3A_357], %swap3A_360 {strides = array<i32>} : memref<128xi32, #tpu.memory_space<vmem>>, vector<16xi32>,
        %get3A_361 = arith.index_cast %add3A_240 : i32 to index
        %get3A_362 = arith.constant 96 : index
        %get3A_363 = tpu.vector_load %arg5[%get3A_361, %get3A_362] {strides = array<i32>} : memref<80x128xi32, #tpu.memory_space<vmem>>, vector<1x16xi32>,
        %get3A_364 = vector.shape_cast %get3A_363 : vector<1x16xi32> to vector<16xi32>
        %and3A_365 = arith.constant 65535 : i32
        %and3A_366 = vector.broadcast %and3A_365 : i32 to vector<16xi32>
        %and3A_367 = arith.andi %get3A_364, %and3A_366 : vector<16xi32>
        %add3A_368 = vector.broadcast %mul3A_0 : i32 to vector<16xi32>
        %add3A_369 = arith.addi %and3A_367, %add3A_368 : vector<16xi32>
        %swap3A_370 = arith.constant 96 : index
        %swap3A_371 = tpu.vector_load %arg6[%swap3A_370] {strides = array<i32>} : memref<128xi32, #tpu.memory_space<vmem>>, vector<16xi32>,
        %swap3A_372 = vector.shape_cast %swap3A_371 : vector<16xi32> to vector<16xi32>
        %swap3A_373 = vector.shape_cast %add3A_369 : vector<16xi32> to vector<16xi32>
        tpu.vector_store %arg6[%swap3A_370], %swap3A_373 {strides = array<i32>} : memref<128xi32, #tpu.memory_space<vmem>>, vector<16xi32>,
        %shift_right_arithmetic3A_374 = arith.constant 16 : i32
        %shift_right_arithmetic3A_375 = vector.broadcast %shift_right_arithmetic3A_374 : i32 to vector<16xi32>
        %shift_right_arithmetic3A_376 = arith.shrsi %get3A_364, %shift_right_arithmetic3A_375 : vector<16xi32>
        %swap3A_377 = arith.constant 96 : index
        %swap3A_378 = tpu.vector_load %arg8[%swap3A_377] {strides = array<i32>} : memref<128xi32, #tpu.memory_space<vmem>>, vector<16xi32>,
        %swap3A_379 = vector.shape_cast %swap3A_378 : vector<16xi32> to vector<16xi32>
        %swap3A_380 = vector.shape_cast %shift_right_arithmetic3A_376 : vector<16xi32> to vector<16xi32>
        tpu.vector_store %arg8[%swap3A_377], %swap3A_380 {strides = array<i32>} : memref<128xi32, #tpu.memory_space<vmem>>, vector<16xi32>,
        %get3A_381 = arith.index_cast %add3A_240 : i32 to index
        %get3A_382 = arith.constant 112 : index
        %get3A_383 = tpu.vector_load %arg5[%get3A_381, %get3A_382] {strides = array<i32>} : memref<80x128xi32, #tpu.memory_space<vmem>>, vector<1x16xi32>,
        %get3A_384 = vector.shape_cast %get3A_383 : vector<1x16xi32> to vector<16xi32>
        %and3A_385 = arith.constant 65535 : i32
        %and3A_386 = vector.broadcast %and3A_385 : i32 to vector<16xi32>
        %and3A_387 = arith.andi %get3A_384, %and3A_386 : vector<16xi32>
        %add3A_388 = vector.broadcast %mul3A_0 : i32 to vector<16xi32>
        %add3A_389 = arith.addi %and3A_387, %add3A_388 : vector<16xi32>
        %swap3A_390 = arith.constant 112 : index
        %swap3A_391 = tpu.vector_load %arg6[%swap3A_390] {strides = array<i32>} : memref<128xi32, #tpu.memory_space<vmem>>, vector<16xi32>,
        %swap3A_392 = vector.shape_cast %swap3A_391 : vector<16xi32> to vector<16xi32>
        %swap3A_393 = vector.shape_cast %add3A_389 : vector<16xi32> to vector<16xi32>
        tpu.vector_store %arg6[%swap3A_390], %swap3A_393 {strides = array<i32>} : memref<128xi32, #tpu.memory_space<vmem>>, vector<16xi32>,
        %shift_right_arithmetic3A_394 = arith.constant 16 : i32
        %shift_right_arithmetic3A_395 = vector.broadcast %shift_right_arithmetic3A_394 : i32 to vector<16xi32>
        %shift_right_arithmetic3A_396 = arith.shrsi %get3A_384, %shift_right_arithmetic3A_395 : vector<16xi32>
        %swap3A_397 = arith.constant 112 : index
        %swap3A_398 = tpu.vector_load %arg8[%swap3A_397] {strides = array<i32>} : memref<128xi32, #tpu.memory_space<vmem>>, vector<16xi32>,
        %swap3A_399 = vector.shape_cast %swap3A_398 : vector<16xi32> to vector<16xi32>
        %swap3A_400 = vector.shape_cast %shift_right_arithmetic3A_396 : vector<16xi32> to vector<16xi32>
        tpu.vector_store %arg8[%swap3A_397], %swap3A_400 {strides = array<i32>} : memref<128xi32, #tpu.memory_space<vmem>>, vector<16xi32>,
        %dma_start3A_401 = arith.constant 0 : i32
        %dma_start3A_402 = arith.constant 0 : i32
        %dma_start3A_403 = tpu.memref_slice %arg2[%dma_start3A_401, %dma_start3A_402] : memref<20480x128xf32, #tpu.memory_space<hbm>> -> memref<20480x128xf32, #tpu.memory_space<hbm>>
        tpu.enqueue_indirect_dma source(%dma_start3A_403 : memref<20480x128xf32, #tpu.memory_space<hbm>>) target(%arg10 : memref<128x128xf32, #tpu.memory_space<vmem>>) offsets(%arg6 : memref<128xi32, #tpu.memory_space<vmem>>) semaphore(%arg13 : memref<!tpu.dma_semaphore, #tpu.memory_space<semaphore_mem>>)
      } else {
      }
      %dma_wait3A_226 = arith.constant 0 : i32
      %dma_wait3A_227 = arith.constant 0 : i32
      %dma_wait3A_228 = tpu.memref_slice %arg2[%dma_wait3A_226, %dma_wait3A_227] : memref<20480x128xf32, #tpu.memory_space<hbm>> -> memref<20480x128xf32, #tpu.memory_space<hbm>>
      tpu.wait_indirect_dma semaphore(%arg14 : memref<!tpu.dma_semaphore, #tpu.memory_space<semaphore_mem>>) src(%dma_wait3A_228 : memref<20480x128xf32, #tpu.memory_space<hbm>>) dst(%arg11 : memref<128x128xf32, #tpu.memory_space<vmem>>)
      %dma_start3A_229 = arith.constant 0 : i32
      %dma_start3A_230 = arith.constant 0 : i32
      %dma_start3A_231 = tpu.memref_slice %arg12[%dma_start3A_229, %dma_start3A_230] : memref<10240x128xf32, #tpu.memory_space<vmem_shared>> -> memref<10240x128xf32, #tpu.memory_space<vmem_shared>>
      tpu.enqueue_indirect_dma source(%arg11 : memref<128x128xf32, #tpu.memory_space<vmem>>) target(%dma_start3A_231 : memref<10240x128xf32, #tpu.memory_space<vmem_shared>>) offsets(%arg9 : memref<128xi32, #tpu.memory_space<vmem>>) semaphore(%arg16 : memref<!tpu.dma_semaphore, #tpu.memory_space<semaphore_mem>>) {add = true}
      %scan3A_232 = arith.constant 0 : i32
      scf.yield %scan3A_232 : i32
    }
    %scan3A_187 = arith.constant 40 : i32
    %dma_wait3A = arith.constant 0 : i32
    %dma_wait3A_188 = arith.constant 0 : i32
    %dma_wait3A_189 = tpu.memref_slice %arg12[%dma_wait3A, %dma_wait3A_188] : memref<10240x128xf32, #tpu.memory_space<vmem_shared>> -> memref<10240x128xf32, #tpu.memory_space<vmem_shared>>
    tpu.wait_indirect_dma semaphore(%arg15 : memref<!tpu.dma_semaphore, #tpu.memory_space<semaphore_mem>>) src(%arg10 : memref<128x128xf32, #tpu.memory_space<vmem>>) dst(%dma_wait3A_189 : memref<10240x128xf32, #tpu.memory_space<vmem_shared>>)
    %dma_wait3A_190 = arith.constant 0 : i32
    %dma_wait3A_191 = arith.constant 0 : i32
    %dma_wait3A_192 = tpu.memref_slice %arg12[%dma_wait3A_190, %dma_wait3A_191] : memref<10240x128xf32, #tpu.memory_space<vmem_shared>> -> memref<10240x128xf32, #tpu.memory_space<vmem_shared>>
    tpu.wait_indirect_dma semaphore(%arg16 : memref<!tpu.dma_semaphore, #tpu.memory_space<semaphore_mem>>) src(%arg11 : memref<128x128xf32, #tpu.memory_space<vmem>>) dst(%dma_wait3A_192 : memref<10240x128xf32, #tpu.memory_space<vmem_shared>>)
    %barrier3A_193 = arith.constant 0 : index
    tpu.barrier barrier_id(%barrier3A_193)
    %mul3A_194 = arith.constant 640 : i32
    %mul3A_195 = arith.muli %arg1, %mul3A_194 : i32
    %mul3A_196 = arith.constant 10240 : i32
    %mul3A_197 = arith.muli %arg0, %mul3A_196 : i32
    %add3A_198 = arith.addi %mul3A_197, %mul3A_195 : i32
    "tpu.region"() ({
      %run_scoped3A = tpu.sem_alloc : memref<!tpu.dma_semaphore, #tpu.memory_space<semaphore_mem>>
      %dma_start3A_199 = arith.constant 0 : i32
      %dma_start3A_200 = tpu.memref_slice %arg4[%add3A_198, %dma_start3A_199] : memref<20480x128xf32, #tpu.memory_space<hbm>> -> memref<640x128xf32, #tpu.memory_space<hbm>>
      %dma_start3A_201 = arith.constant 0 : i32
      %dma_start3A_202 = tpu.memref_slice %arg12[%mul3A_195, %dma_start3A_201] : memref<10240x128xf32, #tpu.memory_space<vmem_shared>> -> memref<640x128xf32, #tpu.memory_space<vmem_shared>>
      tpu.enqueue_dma source(%dma_start3A_202 : memref<640x128xf32, #tpu.memory_space<vmem_shared>>) target(%dma_start3A_200 : memref<640x128xf32, #tpu.memory_space<hbm>>) target_semaphore(%run_scoped3A : memref<!tpu.dma_semaphore, #tpu.memory_space<semaphore_mem>>)
      %dma_wait3A_203 = arith.constant 0 : i32
      %dma_wait3A_204 = tpu.memref_slice %arg4[%add3A_198, %dma_wait3A_203] : memref<20480x128xf32, #tpu.memory_space<hbm>> -> memref<640x128xf32, #tpu.memory_space<hbm>>
      %dma_wait3A_205 = arith.constant 0 : i32
      %dma_wait3A_206 = tpu.memref_slice %arg12[%mul3A_195, %dma_wait3A_205] : memref<10240x128xf32, #tpu.memory_space<vmem_shared>> -> memref<640x128xf32, #tpu.memory_space<vmem_shared>>
      tpu.wait_dma2 semaphore(%run_scoped3A : memref<!tpu.dma_semaphore, #tpu.memory_space<semaphore_mem>>) src(%dma_wait3A_206 : memref<640x128xf32, #tpu.memory_space<vmem_shared>>) dst(%dma_wait3A_204 : memref<640x128xf32, #tpu.memory_space<hbm>>)
      tpu.yield
    }) : () -> ()
    return
  }
}

#map = affine_map<(d0, d1) -> (0)>
#map1 = affine_map<(d0, d1) -> (0, 0)>
module attributes {stable_mosaic.version = 14 : i64} {
  func.func @_sc_degree(%arg0: i32, %arg1: i32, %arg2: memref<327680xi32, #tpu.memory_space<hbm>>, %arg3: memref<20480x128xf32, #tpu.memory_space<hbm>>, %arg4: memref<128xi32, #tpu.memory_space<vmem>>, %arg5: memref<128x128xf32, #tpu.memory_space<vmem>>, %arg6: memref<128x128xf32, #tpu.memory_space<vmem>>, %arg7: memref<10240x128xf32, #tpu.memory_space<vmem_shared>>) attributes {dimension_semantics = [#tpu.dimension_semantics<core_parallel>, #tpu.dimension_semantics<subcore_parallel>], iteration_bounds = array<i64: 2, 16>, scalar_prefetch = 0 : i64, scratch_operands = 4 : i64, tpu.core_type = #tpu.core_type<sc_vector_subcore>, window_params = [{transform_indices = #map}, {transform_indices = #map1}]} {
    %scan3A = arith.constant 0 : i32
    %scan3A_0 = arith.constant 0 : i32
    %scan3A_1 = arith.constant 128 : i32
    %scan3A_2 = arith.addi %scan3A_0, %scan3A_1 : i32
    %scan3A_3 = arith.constant 1 : i32
    %scan3A_4 = scf.for %scan3A_38 = %scan3A_0 to %scan3A_2 step %scan3A_3 iter_args(%scan3A_39 = %scan3A) -> (i32)  : i32 {
      %broadcast_in_dim3A = arith.constant 1.000000e+00 : f32
      %broadcast_in_dim3A_40 = vector.broadcast %broadcast_in_dim3A : f32 to vector<16xf32>
      %swap3A = arith.index_cast %scan3A_38 : i32 to index
      %swap3A_41 = arith.constant 0 : index
      %swap3A_42 = tpu.vector_load %arg5[%swap3A, %swap3A_41] {strides = array<i32>} : memref<128x128xf32, #tpu.memory_space<vmem>>, vector<1x16xf32>,
      %swap3A_43 = vector.shape_cast %swap3A_42 : vector<1x16xf32> to vector<16xf32>
      %swap3A_44 = vector.shape_cast %broadcast_in_dim3A_40 : vector<16xf32> to vector<1x16xf32>
      tpu.vector_store %arg5[%swap3A, %swap3A_41], %swap3A_44 {strides = array<i32>} : memref<128x128xf32, #tpu.memory_space<vmem>>, vector<1x16xf32>,
      %broadcast_in_dim3A_45 = arith.constant 1.000000e+00 : f32
      %broadcast_in_dim3A_46 = vector.broadcast %broadcast_in_dim3A_45 : f32 to vector<16xf32>
      %swap3A_47 = arith.index_cast %scan3A_38 : i32 to index
      %swap3A_48 = arith.constant 16 : index
      %swap3A_49 = tpu.vector_load %arg5[%swap3A_47, %swap3A_48] {strides = array<i32>} : memref<128x128xf32, #tpu.memory_space<vmem>>, vector<1x16xf32>,
      %swap3A_50 = vector.shape_cast %swap3A_49 : vector<1x16xf32> to vector<16xf32>
      %swap3A_51 = vector.shape_cast %broadcast_in_dim3A_46 : vector<16xf32> to vector<1x16xf32>
      tpu.vector_store %arg5[%swap3A_47, %swap3A_48], %swap3A_51 {strides = array<i32>} : memref<128x128xf32, #tpu.memory_space<vmem>>, vector<1x16xf32>,
      %broadcast_in_dim3A_52 = arith.constant 1.000000e+00 : f32
      %broadcast_in_dim3A_53 = vector.broadcast %broadcast_in_dim3A_52 : f32 to vector<16xf32>
      %swap3A_54 = arith.index_cast %scan3A_38 : i32 to index
      %swap3A_55 = arith.constant 32 : index
      %swap3A_56 = tpu.vector_load %arg5[%swap3A_54, %swap3A_55] {strides = array<i32>} : memref<128x128xf32, #tpu.memory_space<vmem>>, vector<1x16xf32>,
      %swap3A_57 = vector.shape_cast %swap3A_56 : vector<1x16xf32> to vector<16xf32>
      %swap3A_58 = vector.shape_cast %broadcast_in_dim3A_53 : vector<16xf32> to vector<1x16xf32>
      tpu.vector_store %arg5[%swap3A_54, %swap3A_55], %swap3A_58 {strides = array<i32>} : memref<128x128xf32, #tpu.memory_space<vmem>>, vector<1x16xf32>,
      %broadcast_in_dim3A_59 = arith.constant 1.000000e+00 : f32
      %broadcast_in_dim3A_60 = vector.broadcast %broadcast_in_dim3A_59 : f32 to vector<16xf32>
      %swap3A_61 = arith.index_cast %scan3A_38 : i32 to index
      %swap3A_62 = arith.constant 48 : index
      %swap3A_63 = tpu.vector_load %arg5[%swap3A_61, %swap3A_62] {strides = array<i32>} : memref<128x128xf32, #tpu.memory_space<vmem>>, vector<1x16xf32>,
      %swap3A_64 = vector.shape_cast %swap3A_63 : vector<1x16xf32> to vector<16xf32>
      %swap3A_65 = vector.shape_cast %broadcast_in_dim3A_60 : vector<16xf32> to vector<1x16xf32>
      tpu.vector_store %arg5[%swap3A_61, %swap3A_62], %swap3A_65 {strides = array<i32>} : memref<128x128xf32, #tpu.memory_space<vmem>>, vector<1x16xf32>,
      %broadcast_in_dim3A_66 = arith.constant 1.000000e+00 : f32
      %broadcast_in_dim3A_67 = vector.broadcast %broadcast_in_dim3A_66 : f32 to vector<16xf32>
      %swap3A_68 = arith.index_cast %scan3A_38 : i32 to index
      %swap3A_69 = arith.constant 64 : index
      %swap3A_70 = tpu.vector_load %arg5[%swap3A_68, %swap3A_69] {strides = array<i32>} : memref<128x128xf32, #tpu.memory_space<vmem>>, vector<1x16xf32>,
      %swap3A_71 = vector.shape_cast %swap3A_70 : vector<1x16xf32> to vector<16xf32>
      %swap3A_72 = vector.shape_cast %broadcast_in_dim3A_67 : vector<16xf32> to vector<1x16xf32>
      tpu.vector_store %arg5[%swap3A_68, %swap3A_69], %swap3A_72 {strides = array<i32>} : memref<128x128xf32, #tpu.memory_space<vmem>>, vector<1x16xf32>,
      %broadcast_in_dim3A_73 = arith.constant 1.000000e+00 : f32
      %broadcast_in_dim3A_74 = vector.broadcast %broadcast_in_dim3A_73 : f32 to vector<16xf32>
      %swap3A_75 = arith.index_cast %scan3A_38 : i32 to index
      %swap3A_76 = arith.constant 80 : index
      %swap3A_77 = tpu.vector_load %arg5[%swap3A_75, %swap3A_76] {strides = array<i32>} : memref<128x128xf32, #tpu.memory_space<vmem>>, vector<1x16xf32>,
      %swap3A_78 = vector.shape_cast %swap3A_77 : vector<1x16xf32> to vector<16xf32>
      %swap3A_79 = vector.shape_cast %broadcast_in_dim3A_74 : vector<16xf32> to vector<1x16xf32>
      tpu.vector_store %arg5[%swap3A_75, %swap3A_76], %swap3A_79 {strides = array<i32>} : memref<128x128xf32, #tpu.memory_space<vmem>>, vector<1x16xf32>,
      %broadcast_in_dim3A_80 = arith.constant 1.000000e+00 : f32
      %broadcast_in_dim3A_81 = vector.broadcast %broadcast_in_dim3A_80 : f32 to vector<16xf32>
      %swap3A_82 = arith.index_cast %scan3A_38 : i32 to index
      %swap3A_83 = arith.constant 96 : index
      %swap3A_84 = tpu.vector_load %arg5[%swap3A_82, %swap3A_83] {strides = array<i32>} : memref<128x128xf32, #tpu.memory_space<vmem>>, vector<1x16xf32>,
      %swap3A_85 = vector.shape_cast %swap3A_84 : vector<1x16xf32> to vector<16xf32>
      %swap3A_86 = vector.shape_cast %broadcast_in_dim3A_81 : vector<16xf32> to vector<1x16xf32>
      tpu.vector_store %arg5[%swap3A_82, %swap3A_83], %swap3A_86 {strides = array<i32>} : memref<128x128xf32, #tpu.memory_space<vmem>>, vector<1x16xf32>,
      %broadcast_in_dim3A_87 = arith.constant 1.000000e+00 : f32
      %broadcast_in_dim3A_88 = vector.broadcast %broadcast_in_dim3A_87 : f32 to vector<16xf32>
      %swap3A_89 = arith.index_cast %scan3A_38 : i32 to index
      %swap3A_90 = arith.constant 112 : index
      %swap3A_91 = tpu.vector_load %arg5[%swap3A_89, %swap3A_90] {strides = array<i32>} : memref<128x128xf32, #tpu.memory_space<vmem>>, vector<1x16xf32>,
      %swap3A_92 = vector.shape_cast %swap3A_91 : vector<1x16xf32> to vector<16xf32>
      %swap3A_93 = vector.shape_cast %broadcast_in_dim3A_88 : vector<16xf32> to vector<1x16xf32>
      tpu.vector_store %arg5[%swap3A_89, %swap3A_90], %swap3A_93 {strides = array<i32>} : memref<128x128xf32, #tpu.memory_space<vmem>>, vector<1x16xf32>,
      %scan3A_94 = arith.constant 0 : i32
      scf.yield %scan3A_94 : i32
    }
    %scan3A_5 = arith.constant 128 : i32
    %scan3A_6 = arith.constant 0 : i32
    %scan3A_7 = arith.constant 0 : i32
    %scan3A_8 = arith.constant 128 : i32
    %scan3A_9 = arith.addi %scan3A_7, %scan3A_8 : i32
    %scan3A_10 = arith.constant 1 : i32
    %scan3A_11 = scf.for %scan3A_38 = %scan3A_7 to %scan3A_9 step %scan3A_10 iter_args(%scan3A_39 = %scan3A_6) -> (i32)  : i32 {
      %broadcast_in_dim3A = arith.constant 0.000000e+00 : f32
      %broadcast_in_dim3A_40 = vector.broadcast %broadcast_in_dim3A : f32 to vector<16xf32>
      %swap3A = arith.index_cast %scan3A_38 : i32 to index
      %swap3A_41 = arith.constant 0 : index
      %swap3A_42 = tpu.vector_load %arg6[%swap3A, %swap3A_41] {strides = array<i32>} : memref<128x128xf32, #tpu.memory_space<vmem>>, vector<1x16xf32>,
      %swap3A_43 = vector.shape_cast %swap3A_42 : vector<1x16xf32> to vector<16xf32>
      %swap3A_44 = vector.shape_cast %broadcast_in_dim3A_40 : vector<16xf32> to vector<1x16xf32>
      tpu.vector_store %arg6[%swap3A, %swap3A_41], %swap3A_44 {strides = array<i32>} : memref<128x128xf32, #tpu.memory_space<vmem>>, vector<1x16xf32>,
      %broadcast_in_dim3A_45 = arith.constant 0.000000e+00 : f32
      %broadcast_in_dim3A_46 = vector.broadcast %broadcast_in_dim3A_45 : f32 to vector<16xf32>
      %swap3A_47 = arith.index_cast %scan3A_38 : i32 to index
      %swap3A_48 = arith.constant 16 : index
      %swap3A_49 = tpu.vector_load %arg6[%swap3A_47, %swap3A_48] {strides = array<i32>} : memref<128x128xf32, #tpu.memory_space<vmem>>, vector<1x16xf32>,
      %swap3A_50 = vector.shape_cast %swap3A_49 : vector<1x16xf32> to vector<16xf32>
      %swap3A_51 = vector.shape_cast %broadcast_in_dim3A_46 : vector<16xf32> to vector<1x16xf32>
      tpu.vector_store %arg6[%swap3A_47, %swap3A_48], %swap3A_51 {strides = array<i32>} : memref<128x128xf32, #tpu.memory_space<vmem>>, vector<1x16xf32>,
      %broadcast_in_dim3A_52 = arith.constant 0.000000e+00 : f32
      %broadcast_in_dim3A_53 = vector.broadcast %broadcast_in_dim3A_52 : f32 to vector<16xf32>
      %swap3A_54 = arith.index_cast %scan3A_38 : i32 to index
      %swap3A_55 = arith.constant 32 : index
      %swap3A_56 = tpu.vector_load %arg6[%swap3A_54, %swap3A_55] {strides = array<i32>} : memref<128x128xf32, #tpu.memory_space<vmem>>, vector<1x16xf32>,
      %swap3A_57 = vector.shape_cast %swap3A_56 : vector<1x16xf32> to vector<16xf32>
      %swap3A_58 = vector.shape_cast %broadcast_in_dim3A_53 : vector<16xf32> to vector<1x16xf32>
      tpu.vector_store %arg6[%swap3A_54, %swap3A_55], %swap3A_58 {strides = array<i32>} : memref<128x128xf32, #tpu.memory_space<vmem>>, vector<1x16xf32>,
      %broadcast_in_dim3A_59 = arith.constant 0.000000e+00 : f32
      %broadcast_in_dim3A_60 = vector.broadcast %broadcast_in_dim3A_59 : f32 to vector<16xf32>
      %swap3A_61 = arith.index_cast %scan3A_38 : i32 to index
      %swap3A_62 = arith.constant 48 : index
      %swap3A_63 = tpu.vector_load %arg6[%swap3A_61, %swap3A_62] {strides = array<i32>} : memref<128x128xf32, #tpu.memory_space<vmem>>, vector<1x16xf32>,
      %swap3A_64 = vector.shape_cast %swap3A_63 : vector<1x16xf32> to vector<16xf32>
      %swap3A_65 = vector.shape_cast %broadcast_in_dim3A_60 : vector<16xf32> to vector<1x16xf32>
      tpu.vector_store %arg6[%swap3A_61, %swap3A_62], %swap3A_65 {strides = array<i32>} : memref<128x128xf32, #tpu.memory_space<vmem>>, vector<1x16xf32>,
      %broadcast_in_dim3A_66 = arith.constant 0.000000e+00 : f32
      %broadcast_in_dim3A_67 = vector.broadcast %broadcast_in_dim3A_66 : f32 to vector<16xf32>
      %swap3A_68 = arith.index_cast %scan3A_38 : i32 to index
      %swap3A_69 = arith.constant 64 : index
      %swap3A_70 = tpu.vector_load %arg6[%swap3A_68, %swap3A_69] {strides = array<i32>} : memref<128x128xf32, #tpu.memory_space<vmem>>, vector<1x16xf32>,
      %swap3A_71 = vector.shape_cast %swap3A_70 : vector<1x16xf32> to vector<16xf32>
      %swap3A_72 = vector.shape_cast %broadcast_in_dim3A_67 : vector<16xf32> to vector<1x16xf32>
      tpu.vector_store %arg6[%swap3A_68, %swap3A_69], %swap3A_72 {strides = array<i32>} : memref<128x128xf32, #tpu.memory_space<vmem>>, vector<1x16xf32>,
      %broadcast_in_dim3A_73 = arith.constant 0.000000e+00 : f32
      %broadcast_in_dim3A_74 = vector.broadcast %broadcast_in_dim3A_73 : f32 to vector<16xf32>
      %swap3A_75 = arith.index_cast %scan3A_38 : i32 to index
      %swap3A_76 = arith.constant 80 : index
      %swap3A_77 = tpu.vector_load %arg6[%swap3A_75, %swap3A_76] {strides = array<i32>} : memref<128x128xf32, #tpu.memory_space<vmem>>, vector<1x16xf32>,
      %swap3A_78 = vector.shape_cast %swap3A_77 : vector<1x16xf32> to vector<16xf32>
      %swap3A_79 = vector.shape_cast %broadcast_in_dim3A_74 : vector<16xf32> to vector<1x16xf32>
      tpu.vector_store %arg6[%swap3A_75, %swap3A_76], %swap3A_79 {strides = array<i32>} : memref<128x128xf32, #tpu.memory_space<vmem>>, vector<1x16xf32>,
      %broadcast_in_dim3A_80 = arith.constant 0.000000e+00 : f32
      %broadcast_in_dim3A_81 = vector.broadcast %broadcast_in_dim3A_80 : f32 to vector<16xf32>
      %swap3A_82 = arith.index_cast %scan3A_38 : i32 to index
      %swap3A_83 = arith.constant 96 : index
      %swap3A_84 = tpu.vector_load %arg6[%swap3A_82, %swap3A_83] {strides = array<i32>} : memref<128x128xf32, #tpu.memory_space<vmem>>, vector<1x16xf32>,
      %swap3A_85 = vector.shape_cast %swap3A_84 : vector<1x16xf32> to vector<16xf32>
      %swap3A_86 = vector.shape_cast %broadcast_in_dim3A_81 : vector<16xf32> to vector<1x16xf32>
      tpu.vector_store %arg6[%swap3A_82, %swap3A_83], %swap3A_86 {strides = array<i32>} : memref<128x128xf32, #tpu.memory_space<vmem>>, vector<1x16xf32>,
      %broadcast_in_dim3A_87 = arith.constant 0.000000e+00 : f32
      %broadcast_in_dim3A_88 = vector.broadcast %broadcast_in_dim3A_87 : f32 to vector<16xf32>
      %swap3A_89 = arith.index_cast %scan3A_38 : i32 to index
      %swap3A_90 = arith.constant 112 : index
      %swap3A_91 = tpu.vector_load %arg6[%swap3A_89, %swap3A_90] {strides = array<i32>} : memref<128x128xf32, #tpu.memory_space<vmem>>, vector<1x16xf32>,
      %swap3A_92 = vector.shape_cast %swap3A_91 : vector<1x16xf32> to vector<16xf32>
      %swap3A_93 = vector.shape_cast %broadcast_in_dim3A_88 : vector<16xf32> to vector<1x16xf32>
      tpu.vector_store %arg6[%swap3A_89, %swap3A_90], %swap3A_93 {strides = array<i32>} : memref<128x128xf32, #tpu.memory_space<vmem>>, vector<1x16xf32>,
      %scan3A_94 = arith.constant 0 : i32
      scf.yield %scan3A_94 : i32
    }
    %scan3A_12 = arith.constant 128 : i32
    %mul3A = arith.constant 640 : i32
    %mul3A_13 = arith.muli %arg1, %mul3A : i32
    %scan3A_14 = arith.constant 0 : i32
    %scan3A_15 = arith.constant 0 : i32
    %scan3A_16 = arith.constant 5 : i32
    %scan3A_17 = arith.addi %scan3A_15, %scan3A_16 : i32
    %scan3A_18 = arith.constant 1 : i32
    %scan3A_19 = scf.for %scan3A_38 = %scan3A_15 to %scan3A_17 step %scan3A_18 iter_args(%scan3A_39 = %scan3A_14) -> (i32)  : i32 {
      %mul3A_40 = arith.constant 128 : i32
      %mul3A_41 = arith.muli %scan3A_38, %mul3A_40 : i32
      %add3A_42 = arith.addi %mul3A_13, %mul3A_41 : i32
      "tpu.region"() ({
        %run_scoped3A = tpu.sem_alloc : memref<!tpu.dma_semaphore, #tpu.memory_space<semaphore_mem>>
        %dma_start3A = arith.constant 0 : i32
        %dma_start3A_44 = tpu.memref_slice %arg7[%add3A_42, %dma_start3A] : memref<10240x128xf32, #tpu.memory_space<vmem_shared>> -> memref<128x128xf32, #tpu.memory_space<vmem_shared>>
        %dma_start3A_45 = arith.constant 0 : i32
        %dma_start3A_46 = tpu.memref_slice %arg7[%add3A_42, %dma_start3A_45] : memref<10240x128xf32, #tpu.memory_space<vmem_shared>> -> memref<128x128xf32, #tpu.memory_space<vmem_shared>>
        tpu.enqueue_dma source(%arg6 : memref<128x128xf32, #tpu.memory_space<vmem>>) target(%dma_start3A_46 : memref<128x128xf32, #tpu.memory_space<vmem_shared>>) target_semaphore(%run_scoped3A : memref<!tpu.dma_semaphore, #tpu.memory_space<semaphore_mem>>)
        %dma_wait3A = arith.constant 0 : i32
        %dma_wait3A_47 = tpu.memref_slice %arg7[%add3A_42, %dma_wait3A] : memref<10240x128xf32, #tpu.memory_space<vmem_shared>> -> memref<128x128xf32, #tpu.memory_space<vmem_shared>>
        %dma_wait3A_48 = arith.constant 0 : i32
        %dma_wait3A_49 = tpu.memref_slice %arg7[%add3A_42, %dma_wait3A_48] : memref<10240x128xf32, #tpu.memory_space<vmem_shared>> -> memref<128x128xf32, #tpu.memory_space<vmem_shared>>
        tpu.wait_dma2 semaphore(%run_scoped3A : memref<!tpu.dma_semaphore, #tpu.memory_space<semaphore_mem>>) src(%arg6 : memref<128x128xf32, #tpu.memory_space<vmem>>) dst(%dma_wait3A_49 : memref<128x128xf32, #tpu.memory_space<vmem_shared>>)
        tpu.yield
      }) : () -> ()
      %scan3A_43 = arith.constant 0 : i32
      scf.yield %scan3A_43 : i32
    }
    %scan3A_20 = arith.constant 5 : i32
    %barrier3A = arith.constant 0 : index
    tpu.barrier barrier_id(%barrier3A)
    %mul3A_21 = arith.constant 163840 : i32
    %mul3A_22 = arith.muli %arg0, %mul3A_21 : i32
    %mul3A_23 = arith.constant 10240 : i32
    %mul3A_24 = arith.muli %arg1, %mul3A_23 : i32
    %add3A = arith.addi %mul3A_22, %mul3A_24 : i32
    %scan3A_25 = arith.constant 0 : i32
    %scan3A_26 = arith.constant 0 : i32
    %scan3A_27 = arith.constant 80 : i32
    %scan3A_28 = arith.addi %scan3A_26, %scan3A_27 : i32
    %scan3A_29 = arith.constant 1 : i32
    %scan3A_30 = scf.for %scan3A_38 = %scan3A_26 to %scan3A_28 step %scan3A_29 iter_args(%scan3A_39 = %scan3A_25) -> (i32)  : i32 {
      %mul3A_40 = arith.constant 128 : i32
      %mul3A_41 = arith.muli %scan3A_38, %mul3A_40 : i32
      %add3A_42 = arith.addi %add3A, %mul3A_41 : i32
      %multiple_of3A = tpu.assume_multiple %add3A_42, 8 : i32
      "tpu.region"() ({
        %run_scoped3A = tpu.sem_alloc : memref<!tpu.dma_semaphore, #tpu.memory_space<semaphore_mem>>
        %dma_start3A = tpu.memref_slice %arg2[%multiple_of3A] : memref<327680xi32, #tpu.memory_space<hbm>> -> memref<128xi32, #tpu.memory_space<hbm>>
        %dma_start3A_44 = tpu.memref_slice %arg2[%multiple_of3A] : memref<327680xi32, #tpu.memory_space<hbm>> -> memref<128xi32, #tpu.memory_space<hbm>>
        tpu.enqueue_dma source(%dma_start3A_44 : memref<128xi32, #tpu.memory_space<hbm>>) target(%arg4 : memref<128xi32, #tpu.memory_space<vmem>>) target_semaphore(%run_scoped3A : memref<!tpu.dma_semaphore, #tpu.memory_space<semaphore_mem>>)
        %dma_wait3A = tpu.memref_slice %arg2[%multiple_of3A] : memref<327680xi32, #tpu.memory_space<hbm>> -> memref<128xi32, #tpu.memory_space<hbm>>
        %dma_wait3A_45 = tpu.memref_slice %arg2[%multiple_of3A] : memref<327680xi32, #tpu.memory_space<hbm>> -> memref<128xi32, #tpu.memory_space<hbm>>
        tpu.wait_dma2 semaphore(%run_scoped3A : memref<!tpu.dma_semaphore, #tpu.memory_space<semaphore_mem>>) src(%dma_wait3A_45 : memref<128xi32, #tpu.memory_space<hbm>>) dst(%arg4 : memref<128xi32, #tpu.memory_space<vmem>>)
        tpu.yield
      }) : () -> ()
      "tpu.region"() ({
        %run_scoped3A = tpu.sem_alloc : memref<!tpu.dma_semaphore, #tpu.memory_space<semaphore_mem>>
        %dma_start3A = arith.constant 0 : i32
        %dma_start3A_44 = arith.constant 0 : i32
        %dma_start3A_45 = tpu.memref_slice %arg7[%dma_start3A, %dma_start3A_44] : memref<10240x128xf32, #tpu.memory_space<vmem_shared>> -> memref<10240x128xf32, #tpu.memory_space<vmem_shared>>
        tpu.enqueue_indirect_dma source(%arg5 : memref<128x128xf32, #tpu.memory_space<vmem>>) target(%dma_start3A_45 : memref<10240x128xf32, #tpu.memory_space<vmem_shared>>) offsets(%arg4 : memref<128xi32, #tpu.memory_space<vmem>>) semaphore(%run_scoped3A : memref<!tpu.dma_semaphore, #tpu.memory_space<semaphore_mem>>) {add = true}
        %dma_wait3A = arith.constant 0 : i32
        %dma_wait3A_46 = arith.constant 0 : i32
        %dma_wait3A_47 = tpu.memref_slice %arg7[%dma_wait3A, %dma_wait3A_46] : memref<10240x128xf32, #tpu.memory_space<vmem_shared>> -> memref<10240x128xf32, #tpu.memory_space<vmem_shared>>
        tpu.wait_indirect_dma semaphore(%run_scoped3A : memref<!tpu.dma_semaphore, #tpu.memory_space<semaphore_mem>>) src(%arg5 : memref<128x128xf32, #tpu.memory_space<vmem>>) dst(%dma_wait3A_47 : memref<10240x128xf32, #tpu.memory_space<vmem_shared>>)
        tpu.yield
      }) : () -> ()
      %scan3A_43 = arith.constant 0 : i32
      scf.yield %scan3A_43 : i32
    }
    %scan3A_31 = arith.constant 80 : i32
    %barrier3A_32 = arith.constant 0 : index
    tpu.barrier barrier_id(%barrier3A_32)
    %mul3A_33 = arith.constant 640 : i32
    %mul3A_34 = arith.muli %arg1, %mul3A_33 : i32
    %mul3A_35 = arith.constant 10240 : i32
    %mul3A_36 = arith.muli %arg0, %mul3A_35 : i32
    %add3A_37 = arith.addi %mul3A_36, %mul3A_34 : i32
    "tpu.region"() ({
      %run_scoped3A = tpu.sem_alloc : memref<!tpu.dma_semaphore, #tpu.memory_space<semaphore_mem>>
      %dma_start3A = arith.constant 0 : i32
      %dma_start3A_38 = tpu.memref_slice %arg3[%add3A_37, %dma_start3A] : memref<20480x128xf32, #tpu.memory_space<hbm>> -> memref<640x128xf32, #tpu.memory_space<hbm>>
      %dma_start3A_39 = arith.constant 0 : i32
      %dma_start3A_40 = tpu.memref_slice %arg7[%mul3A_34, %dma_start3A_39] : memref<10240x128xf32, #tpu.memory_space<vmem_shared>> -> memref<640x128xf32, #tpu.memory_space<vmem_shared>>
      tpu.enqueue_dma source(%dma_start3A_40 : memref<640x128xf32, #tpu.memory_space<vmem_shared>>) target(%dma_start3A_38 : memref<640x128xf32, #tpu.memory_space<hbm>>) target_semaphore(%run_scoped3A : memref<!tpu.dma_semaphore, #tpu.memory_space<semaphore_mem>>)
      %dma_wait3A = arith.constant 0 : i32
      %dma_wait3A_41 = tpu.memref_slice %arg3[%add3A_37, %dma_wait3A] : memref<20480x128xf32, #tpu.memory_space<hbm>> -> memref<640x128xf32, #tpu.memory_space<hbm>>
      %dma_wait3A_42 = arith.constant 0 : i32
      %dma_wait3A_43 = tpu.memref_slice %arg7[%mul3A_34, %dma_wait3A_42] : memref<10240x128xf32, #tpu.memory_space<vmem_shared>> -> memref<640x128xf32, #tpu.memory_space<vmem_shared>>
      tpu.wait_dma2 semaphore(%run_scoped3A : memref<!tpu.dma_semaphore, #tpu.memory_space<semaphore_mem>>) src(%dma_wait3A_43 : memref<640x128xf32, #tpu.memory_space<vmem_shared>>) dst(%dma_wait3A_41 : memref<640x128xf32, #tpu.memory_space<hbm>>)
      tpu.yield
    }) : () -> ()
    return
  }
}

#map = affine_map<(d0, d1) -> (0, 0)>
#map1 = affine_map<(d0, d1) -> (0, 0, 0, 0)>
module attributes {stable_mosaic.version = 14 : i64} {
  func.func @_sc_scatter_pass(%arg0: i32, %arg1: i32, %arg2: memref<20480x128xf32, #tpu.memory_space<hbm>>, %arg3: memref<2x16x80x128xi32, #tpu.memory_space<hbm>>, %arg4: memref<20480x128xf32, #tpu.memory_space<hbm>>, %arg5: memref<80x128xi32, #tpu.memory_space<vmem>>, %arg6: memref<128xi32, #tpu.memory_space<vmem>>, %arg7: memref<128xi32, #tpu.memory_space<vmem>>, %arg8: memref<128xi32, #tpu.memory_space<vmem>>, %arg9: memref<128xi32, #tpu.memory_space<vmem>>, %arg10: memref<128x128xf32, #tpu.memory_space<vmem>>, %arg11: memref<128x128xf32, #tpu.memory_space<vmem>>, %arg12: memref<10240x128xf32, #tpu.memory_space<vmem_shared>>, %arg13: memref<!tpu.dma_semaphore, #tpu.memory_space<semaphore_mem>>, %arg14: memref<!tpu.dma_semaphore, #tpu.memory_space<semaphore_mem>>, %arg15: memref<!tpu.dma_semaphore, #tpu.memory_space<semaphore_mem>>, %arg16: memref<!tpu.dma_semaphore, #tpu.memory_space<semaphore_mem>>) attributes {dimension_semantics = [#tpu.dimension_semantics<core_parallel>, #tpu.dimension_semantics<subcore_parallel>], iteration_bounds = array<i64: 2, 16>, scalar_prefetch = 0 : i64, scratch_operands = 12 : i64, tpu.core_type = #tpu.core_type<sc_vector_subcore>, window_params = [{transform_indices = #map}, {transform_indices = #map1}, {transform_indices = #map}]} {
    "tpu.region"() ({
      %run_scoped3A = tpu.sem_alloc : memref<!tpu.dma_semaphore, #tpu.memory_space<semaphore_mem>>
      %dma_start3A_199 = arith.constant 0 : i32
      %dma_start3A_200 = arith.constant 0 : i32
      %dma_start3A_201 = tpu.memref_slice %arg3[%arg0, %arg1, %dma_start3A_199, %dma_start3A_200] : memref<2x16x80x128xi32, #tpu.memory_space<hbm>> -> memref<1x1x80x128xi32, #tpu.memory_space<hbm>>
      %dma_start3A_202 = tpu.memref_squeeze %dma_start3A_201 : memref<1x1x80x128xi32, #tpu.memory_space<hbm>> -> memref<80x128xi32, #tpu.memory_space<hbm>>
      %dma_start3A_203 = arith.constant 0 : i32
      %dma_start3A_204 = arith.constant 0 : i32
      %dma_start3A_205 = tpu.memref_slice %arg3[%arg0, %arg1, %dma_start3A_203, %dma_start3A_204] : memref<2x16x80x128xi32, #tpu.memory_space<hbm>> -> memref<1x1x80x128xi32, #tpu.memory_space<hbm>>
      %dma_start3A_206 = tpu.memref_squeeze %dma_start3A_205 : memref<1x1x80x128xi32, #tpu.memory_space<hbm>> -> memref<80x128xi32, #tpu.memory_space<hbm>>
      tpu.enqueue_dma source(%dma_start3A_206 : memref<80x128xi32, #tpu.memory_space<hbm>>) target(%arg5 : memref<80x128xi32, #tpu.memory_space<vmem>>) target_semaphore(%run_scoped3A : memref<!tpu.dma_semaphore, #tpu.memory_space<semaphore_mem>>)
      %dma_wait3A_207 = arith.constant 0 : i32
      %dma_wait3A_208 = arith.constant 0 : i32
      %dma_wait3A_209 = tpu.memref_slice %arg3[%arg0, %arg1, %dma_wait3A_207, %dma_wait3A_208] : memref<2x16x80x128xi32, #tpu.memory_space<hbm>> -> memref<1x1x80x128xi32, #tpu.memory_space<hbm>>
      %dma_wait3A_210 = tpu.memref_squeeze %dma_wait3A_209 : memref<1x1x80x128xi32, #tpu.memory_space<hbm>> -> memref<80x128xi32, #tpu.memory_space<hbm>>
      %dma_wait3A_211 = arith.constant 0 : i32
      %dma_wait3A_212 = arith.constant 0 : i32
      %dma_wait3A_213 = tpu.memref_slice %arg3[%arg0, %arg1, %dma_wait3A_211, %dma_wait3A_212] : memref<2x16x80x128xi32, #tpu.memory_space<hbm>> -> memref<1x1x80x128xi32, #tpu.memory_space<hbm>>
      %dma_wait3A_214 = tpu.memref_squeeze %dma_wait3A_213 : memref<1x1x80x128xi32, #tpu.memory_space<hbm>> -> memref<80x128xi32, #tpu.memory_space<hbm>>
      tpu.wait_dma2 semaphore(%run_scoped3A : memref<!tpu.dma_semaphore, #tpu.memory_space<semaphore_mem>>) src(%dma_wait3A_214 : memref<80x128xi32, #tpu.memory_space<hbm>>) dst(%arg5 : memref<80x128xi32, #tpu.memory_space<vmem>>)
      tpu.yield
    }) : () -> ()
    %mul3A = arith.constant 10240 : i32
    %mul3A_0 = arith.muli %arg0, %mul3A : i32
    %scan3A = arith.constant 0 : i32
    %scan3A_1 = arith.constant 0 : i32
    %scan3A_2 = arith.constant 128 : i32
    %scan3A_3 = arith.addi %scan3A_1, %scan3A_2 : i32
    %scan3A_4 = arith.constant 1 : i32
    %scan3A_5 = scf.for %scan3A_199 = %scan3A_1 to %scan3A_3 step %scan3A_4 iter_args(%scan3A_200 = %scan3A) -> (i32)  : i32 {
      %broadcast_in_dim3A = arith.constant 0.000000e+00 : f32
      %broadcast_in_dim3A_201 = vector.broadcast %broadcast_in_dim3A : f32 to vector<16xf32>
      %swap3A_202 = arith.index_cast %scan3A_199 : i32 to index
      %swap3A_203 = arith.constant 0 : index
      %swap3A_204 = tpu.vector_load %arg10[%swap3A_202, %swap3A_203] {strides = array<i32>} : memref<128x128xf32, #tpu.memory_space<vmem>>, vector<1x16xf32>,
      %swap3A_205 = vector.shape_cast %swap3A_204 : vector<1x16xf32> to vector<16xf32>
      %swap3A_206 = vector.shape_cast %broadcast_in_dim3A_201 : vector<16xf32> to vector<1x16xf32>
      tpu.vector_store %arg10[%swap3A_202, %swap3A_203], %swap3A_206 {strides = array<i32>} : memref<128x128xf32, #tpu.memory_space<vmem>>, vector<1x16xf32>,
      %broadcast_in_dim3A_207 = arith.constant 0.000000e+00 : f32
      %broadcast_in_dim3A_208 = vector.broadcast %broadcast_in_dim3A_207 : f32 to vector<16xf32>
      %swap3A_209 = arith.index_cast %scan3A_199 : i32 to index
      %swap3A_210 = arith.constant 16 : index
      %swap3A_211 = tpu.vector_load %arg10[%swap3A_209, %swap3A_210] {strides = array<i32>} : memref<128x128xf32, #tpu.memory_space<vmem>>, vector<1x16xf32>,
      %swap3A_212 = vector.shape_cast %swap3A_211 : vector<1x16xf32> to vector<16xf32>
      %swap3A_213 = vector.shape_cast %broadcast_in_dim3A_208 : vector<16xf32> to vector<1x16xf32>
      tpu.vector_store %arg10[%swap3A_209, %swap3A_210], %swap3A_213 {strides = array<i32>} : memref<128x128xf32, #tpu.memory_space<vmem>>, vector<1x16xf32>,
      %broadcast_in_dim3A_214 = arith.constant 0.000000e+00 : f32
      %broadcast_in_dim3A_215 = vector.broadcast %broadcast_in_dim3A_214 : f32 to vector<16xf32>
      %swap3A_216 = arith.index_cast %scan3A_199 : i32 to index
      %swap3A_217 = arith.constant 32 : index
      %swap3A_218 = tpu.vector_load %arg10[%swap3A_216, %swap3A_217] {strides = array<i32>} : memref<128x128xf32, #tpu.memory_space<vmem>>, vector<1x16xf32>,
      %swap3A_219 = vector.shape_cast %swap3A_218 : vector<1x16xf32> to vector<16xf32>
      %swap3A_220 = vector.shape_cast %broadcast_in_dim3A_215 : vector<16xf32> to vector<1x16xf32>
      tpu.vector_store %arg10[%swap3A_216, %swap3A_217], %swap3A_220 {strides = array<i32>} : memref<128x128xf32, #tpu.memory_space<vmem>>, vector<1x16xf32>,
      %broadcast_in_dim3A_221 = arith.constant 0.000000e+00 : f32
      %broadcast_in_dim3A_222 = vector.broadcast %broadcast_in_dim3A_221 : f32 to vector<16xf32>
      %swap3A_223 = arith.index_cast %scan3A_199 : i32 to index
      %swap3A_224 = arith.constant 48 : index
      %swap3A_225 = tpu.vector_load %arg10[%swap3A_223, %swap3A_224] {strides = array<i32>} : memref<128x128xf32, #tpu.memory_space<vmem>>, vector<1x16xf32>,
      %swap3A_226 = vector.shape_cast %swap3A_225 : vector<1x16xf32> to vector<16xf32>
      %swap3A_227 = vector.shape_cast %broadcast_in_dim3A_222 : vector<16xf32> to vector<1x16xf32>
      tpu.vector_store %arg10[%swap3A_223, %swap3A_224], %swap3A_227 {strides = array<i32>} : memref<128x128xf32, #tpu.memory_space<vmem>>, vector<1x16xf32>,
      %broadcast_in_dim3A_228 = arith.constant 0.000000e+00 : f32
      %broadcast_in_dim3A_229 = vector.broadcast %broadcast_in_dim3A_228 : f32 to vector<16xf32>
      %swap3A_230 = arith.index_cast %scan3A_199 : i32 to index
      %swap3A_231 = arith.constant 64 : index
      %swap3A_232 = tpu.vector_load %arg10[%swap3A_230, %swap3A_231] {strides = array<i32>} : memref<128x128xf32, #tpu.memory_space<vmem>>, vector<1x16xf32>,
      %swap3A_233 = vector.shape_cast %swap3A_232 : vector<1x16xf32> to vector<16xf32>
      %swap3A_234 = vector.shape_cast %broadcast_in_dim3A_229 : vector<16xf32> to vector<1x16xf32>
      tpu.vector_store %arg10[%swap3A_230, %swap3A_231], %swap3A_234 {strides = array<i32>} : memref<128x128xf32, #tpu.memory_space<vmem>>, vector<1x16xf32>,
      %broadcast_in_dim3A_235 = arith.constant 0.000000e+00 : f32
      %broadcast_in_dim3A_236 = vector.broadcast %broadcast_in_dim3A_235 : f32 to vector<16xf32>
      %swap3A_237 = arith.index_cast %scan3A_199 : i32 to index
      %swap3A_238 = arith.constant 80 : index
      %swap3A_239 = tpu.vector_load %arg10[%swap3A_237, %swap3A_238] {strides = array<i32>} : memref<128x128xf32, #tpu.memory_space<vmem>>, vector<1x16xf32>,
      %swap3A_240 = vector.shape_cast %swap3A_239 : vector<1x16xf32> to vector<16xf32>
      %swap3A_241 = vector.shape_cast %broadcast_in_dim3A_236 : vector<16xf32> to vector<1x16xf32>
      tpu.vector_store %arg10[%swap3A_237, %swap3A_238], %swap3A_241 {strides = array<i32>} : memref<128x128xf32, #tpu.memory_space<vmem>>, vector<1x16xf32>,
      %broadcast_in_dim3A_242 = arith.constant 0.000000e+00 : f32
      %broadcast_in_dim3A_243 = vector.broadcast %broadcast_in_dim3A_242 : f32 to vector<16xf32>
      %swap3A_244 = arith.index_cast %scan3A_199 : i32 to index
      %swap3A_245 = arith.constant 96 : index
      %swap3A_246 = tpu.vector_load %arg10[%swap3A_244, %swap3A_245] {strides = array<i32>} : memref<128x128xf32, #tpu.memory_space<vmem>>, vector<1x16xf32>,
      %swap3A_247 = vector.shape_cast %swap3A_246 : vector<1x16xf32> to vector<16xf32>
      %swap3A_248 = vector.shape_cast %broadcast_in_dim3A_243 : vector<16xf32> to vector<1x16xf32>
      tpu.vector_store %arg10[%swap3A_244, %swap3A_245], %swap3A_248 {strides = array<i32>} : memref<128x128xf32, #tpu.memory_space<vmem>>, vector<1x16xf32>,
      %broadcast_in_dim3A_249 = arith.constant 0.000000e+00 : f32
      %broadcast_in_dim3A_250 = vector.broadcast %broadcast_in_dim3A_249 : f32 to vector<16xf32>
      %swap3A_251 = arith.index_cast %scan3A_199 : i32 to index
      %swap3A_252 = arith.constant 112 : index
      %swap3A_253 = tpu.vector_load %arg10[%swap3A_251, %swap3A_252] {strides = array<i32>} : memref<128x128xf32, #tpu.memory_space<vmem>>, vector<1x16xf32>,
      %swap3A_254 = vector.shape_cast %swap3A_253 : vector<1x16xf32> to vector<16xf32>
      %swap3A_255 = vector.shape_cast %broadcast_in_dim3A_250 : vector<16xf32> to vector<1x16xf32>
      tpu.vector_store %arg10[%swap3A_251, %swap3A_252], %swap3A_255 {strides = array<i32>} : memref<128x128xf32, #tpu.memory_space<vmem>>, vector<1x16xf32>,
      %scan3A_256 = arith.constant 0 : i32
      scf.yield %scan3A_256 : i32
    }
    %scan3A_6 = arith.constant 128 : i32
    %mul3A_7 = arith.constant 640 : i32
    %mul3A_8 = arith.muli %arg1, %mul3A_7 : i32
    %scan3A_9 = arith.constant 0 : i32
    %scan3A_10 = arith.constant 0 : i32
    %scan3A_11 = arith.constant 5 : i32
    %scan3A_12 = arith.addi %scan3A_10, %scan3A_11 : i32
    %scan3A_13 = arith.constant 1 : i32
    %scan3A_14 = scf.for %scan3A_199 = %scan3A_10 to %scan3A_12 step %scan3A_13 iter_args(%scan3A_200 = %scan3A_9) -> (i32)  : i32 {
      %mul3A_201 = arith.constant 128 : i32
      %mul3A_202 = arith.muli %scan3A_199, %mul3A_201 : i32
      %add3A_203 = arith.addi %mul3A_8, %mul3A_202 : i32
      "tpu.region"() ({
        %run_scoped3A = tpu.sem_alloc : memref<!tpu.dma_semaphore, #tpu.memory_space<semaphore_mem>>
        %dma_start3A_205 = arith.constant 0 : i32
        %dma_start3A_206 = tpu.memref_slice %arg12[%add3A_203, %dma_start3A_205] : memref<10240x128xf32, #tpu.memory_space<vmem_shared>> -> memref<128x128xf32, #tpu.memory_space<vmem_shared>>
        %dma_start3A_207 = arith.constant 0 : i32
        %dma_start3A_208 = tpu.memref_slice %arg12[%add3A_203, %dma_start3A_207] : memref<10240x128xf32, #tpu.memory_space<vmem_shared>> -> memref<128x128xf32, #tpu.memory_space<vmem_shared>>
        tpu.enqueue_dma source(%arg10 : memref<128x128xf32, #tpu.memory_space<vmem>>) target(%dma_start3A_208 : memref<128x128xf32, #tpu.memory_space<vmem_shared>>) target_semaphore(%run_scoped3A : memref<!tpu.dma_semaphore, #tpu.memory_space<semaphore_mem>>)
        %dma_wait3A_209 = arith.constant 0 : i32
        %dma_wait3A_210 = tpu.memref_slice %arg12[%add3A_203, %dma_wait3A_209] : memref<10240x128xf32, #tpu.memory_space<vmem_shared>> -> memref<128x128xf32, #tpu.memory_space<vmem_shared>>
        %dma_wait3A_211 = arith.constant 0 : i32
        %dma_wait3A_212 = tpu.memref_slice %arg12[%add3A_203, %dma_wait3A_211] : memref<10240x128xf32, #tpu.memory_space<vmem_shared>> -> memref<128x128xf32, #tpu.memory_space<vmem_shared>>
        tpu.wait_dma2 semaphore(%run_scoped3A : memref<!tpu.dma_semaphore, #tpu.memory_space<semaphore_mem>>) src(%arg10 : memref<128x128xf32, #tpu.memory_space<vmem>>) dst(%dma_wait3A_212 : memref<128x128xf32, #tpu.memory_space<vmem_shared>>)
        tpu.yield
      }) : () -> ()
      %scan3A_204 = arith.constant 0 : i32
      scf.yield %scan3A_204 : i32
    }
    %scan3A_15 = arith.constant 5 : i32
    %barrier3A = arith.constant 0 : index
    tpu.barrier barrier_id(%barrier3A)
    %get3A = arith.constant 0 : i32
    %get3A_16 = arith.index_cast %get3A : i32 to index
    %get3A_17 = arith.constant 0 : index
    %get3A_18 = tpu.vector_load %arg5[%get3A_16, %get3A_17] {strides = array<i32>} : memref<80x128xi32, #tpu.memory_space<vmem>>, vector<1x16xi32>,
    %get3A_19 = vector.shape_cast %get3A_18 : vector<1x16xi32> to vector<16xi32>
    %and3A = arith.constant 65535 : i32
    %and3A_20 = vector.broadcast %and3A : i32 to vector<16xi32>
    %and3A_21 = arith.andi %get3A_19, %and3A_20 : vector<16xi32>
    %add3A = vector.broadcast %mul3A_0 : i32 to vector<16xi32>
    %add3A_22 = arith.addi %and3A_21, %add3A : vector<16xi32>
    %swap3A = arith.constant 0 : index
    %swap3A_23 = tpu.vector_load %arg6[%swap3A] {strides = array<i32>} : memref<128xi32, #tpu.memory_space<vmem>>, vector<16xi32>,
    %swap3A_24 = vector.shape_cast %swap3A_23 : vector<16xi32> to vector<16xi32>
    %swap3A_25 = vector.shape_cast %add3A_22 : vector<16xi32> to vector<16xi32>
    tpu.vector_store %arg6[%swap3A], %swap3A_25 {strides = array<i32>} : memref<128xi32, #tpu.memory_space<vmem>>, vector<16xi32>,
    %shift_right_arithmetic3A = arith.constant 16 : i32
    %shift_right_arithmetic3A_26 = vector.broadcast %shift_right_arithmetic3A : i32 to vector<16xi32>
    %shift_right_arithmetic3A_27 = arith.shrsi %get3A_19, %shift_right_arithmetic3A_26 : vector<16xi32>
    %swap3A_28 = arith.constant 0 : index
    %swap3A_29 = tpu.vector_load %arg8[%swap3A_28] {strides = array<i32>} : memref<128xi32, #tpu.memory_space<vmem>>, vector<16xi32>,
    %swap3A_30 = vector.shape_cast %swap3A_29 : vector<16xi32> to vector<16xi32>
    %swap3A_31 = vector.shape_cast %shift_right_arithmetic3A_27 : vector<16xi32> to vector<16xi32>
    tpu.vector_store %arg8[%swap3A_28], %swap3A_31 {strides = array<i32>} : memref<128xi32, #tpu.memory_space<vmem>>, vector<16xi32>,
    %get3A_32 = arith.constant 0 : i32
    %get3A_33 = arith.index_cast %get3A_32 : i32 to index
    %get3A_34 = arith.constant 16 : index
    %get3A_35 = tpu.vector_load %arg5[%get3A_33, %get3A_34] {strides = array<i32>} : memref<80x128xi32, #tpu.memory_space<vmem>>, vector<1x16xi32>,
    %get3A_36 = vector.shape_cast %get3A_35 : vector<1x16xi32> to vector<16xi32>
    %and3A_37 = arith.constant 65535 : i32
    %and3A_38 = vector.broadcast %and3A_37 : i32 to vector<16xi32>
    %and3A_39 = arith.andi %get3A_36, %and3A_38 : vector<16xi32>
    %add3A_40 = vector.broadcast %mul3A_0 : i32 to vector<16xi32>
    %add3A_41 = arith.addi %and3A_39, %add3A_40 : vector<16xi32>
    %swap3A_42 = arith.constant 16 : index
    %swap3A_43 = tpu.vector_load %arg6[%swap3A_42] {strides = array<i32>} : memref<128xi32, #tpu.memory_space<vmem>>, vector<16xi32>,
    %swap3A_44 = vector.shape_cast %swap3A_43 : vector<16xi32> to vector<16xi32>
    %swap3A_45 = vector.shape_cast %add3A_41 : vector<16xi32> to vector<16xi32>
    tpu.vector_store %arg6[%swap3A_42], %swap3A_45 {strides = array<i32>} : memref<128xi32, #tpu.memory_space<vmem>>, vector<16xi32>,
    %shift_right_arithmetic3A_46 = arith.constant 16 : i32
    %shift_right_arithmetic3A_47 = vector.broadcast %shift_right_arithmetic3A_46 : i32 to vector<16xi32>
    %shift_right_arithmetic3A_48 = arith.shrsi %get3A_36, %shift_right_arithmetic3A_47 : vector<16xi32>
    %swap3A_49 = arith.constant 16 : index
    %swap3A_50 = tpu.vector_load %arg8[%swap3A_49] {strides = array<i32>} : memref<128xi32, #tpu.memory_space<vmem>>, vector<16xi32>,
    %swap3A_51 = vector.shape_cast %swap3A_50 : vector<16xi32> to vector<16xi32>
    %swap3A_52 = vector.shape_cast %shift_right_arithmetic3A_48 : vector<16xi32> to vector<16xi32>
    tpu.vector_store %arg8[%swap3A_49], %swap3A_52 {strides = array<i32>} : memref<128xi32, #tpu.memory_space<vmem>>, vector<16xi32>,
    %get3A_53 = arith.constant 0 : i32
    %get3A_54 = arith.index_cast %get3A_53 : i32 to index
    %get3A_55 = arith.constant 32 : index
    %get3A_56 = tpu.vector_load %arg5[%get3A_54, %get3A_55] {strides = array<i32>} : memref<80x128xi32, #tpu.memory_space<vmem>>, vector<1x16xi32>,
    %get3A_57 = vector.shape_cast %get3A_56 : vector<1x16xi32> to vector<16xi32>
    %and3A_58 = arith.constant 65535 : i32
    %and3A_59 = vector.broadcast %and3A_58 : i32 to vector<16xi32>
    %and3A_60 = arith.andi %get3A_57, %and3A_59 : vector<16xi32>
    %add3A_61 = vector.broadcast %mul3A_0 : i32 to vector<16xi32>
    %add3A_62 = arith.addi %and3A_60, %add3A_61 : vector<16xi32>
    %swap3A_63 = arith.constant 32 : index
    %swap3A_64 = tpu.vector_load %arg6[%swap3A_63] {strides = array<i32>} : memref<128xi32, #tpu.memory_space<vmem>>, vector<16xi32>,
    %swap3A_65 = vector.shape_cast %swap3A_64 : vector<16xi32> to vector<16xi32>
    %swap3A_66 = vector.shape_cast %add3A_62 : vector<16xi32> to vector<16xi32>
    tpu.vector_store %arg6[%swap3A_63], %swap3A_66 {strides = array<i32>} : memref<128xi32, #tpu.memory_space<vmem>>, vector<16xi32>,
    %shift_right_arithmetic3A_67 = arith.constant 16 : i32
    %shift_right_arithmetic3A_68 = vector.broadcast %shift_right_arithmetic3A_67 : i32 to vector<16xi32>
    %shift_right_arithmetic3A_69 = arith.shrsi %get3A_57, %shift_right_arithmetic3A_68 : vector<16xi32>
    %swap3A_70 = arith.constant 32 : index
    %swap3A_71 = tpu.vector_load %arg8[%swap3A_70] {strides = array<i32>} : memref<128xi32, #tpu.memory_space<vmem>>, vector<16xi32>,
    %swap3A_72 = vector.shape_cast %swap3A_71 : vector<16xi32> to vector<16xi32>
    %swap3A_73 = vector.shape_cast %shift_right_arithmetic3A_69 : vector<16xi32> to vector<16xi32>
    tpu.vector_store %arg8[%swap3A_70], %swap3A_73 {strides = array<i32>} : memref<128xi32, #tpu.memory_space<vmem>>, vector<16xi32>,
    %get3A_74 = arith.constant 0 : i32
    %get3A_75 = arith.index_cast %get3A_74 : i32 to index
    %get3A_76 = arith.constant 48 : index
    %get3A_77 = tpu.vector_load %arg5[%get3A_75, %get3A_76] {strides = array<i32>} : memref<80x128xi32, #tpu.memory_space<vmem>>, vector<1x16xi32>,
    %get3A_78 = vector.shape_cast %get3A_77 : vector<1x16xi32> to vector<16xi32>
    %and3A_79 = arith.constant 65535 : i32
    %and3A_80 = vector.broadcast %and3A_79 : i32 to vector<16xi32>
    %and3A_81 = arith.andi %get3A_78, %and3A_80 : vector<16xi32>
    %add3A_82 = vector.broadcast %mul3A_0 : i32 to vector<16xi32>
    %add3A_83 = arith.addi %and3A_81, %add3A_82 : vector<16xi32>
    %swap3A_84 = arith.constant 48 : index
    %swap3A_85 = tpu.vector_load %arg6[%swap3A_84] {strides = array<i32>} : memref<128xi32, #tpu.memory_space<vmem>>, vector<16xi32>,
    %swap3A_86 = vector.shape_cast %swap3A_85 : vector<16xi32> to vector<16xi32>
    %swap3A_87 = vector.shape_cast %add3A_83 : vector<16xi32> to vector<16xi32>
    tpu.vector_store %arg6[%swap3A_84], %swap3A_87 {strides = array<i32>} : memref<128xi32, #tpu.memory_space<vmem>>, vector<16xi32>,
    %shift_right_arithmetic3A_88 = arith.constant 16 : i32
    %shift_right_arithmetic3A_89 = vector.broadcast %shift_right_arithmetic3A_88 : i32 to vector<16xi32>
    %shift_right_arithmetic3A_90 = arith.shrsi %get3A_78, %shift_right_arithmetic3A_89 : vector<16xi32>
    %swap3A_91 = arith.constant 48 : index
    %swap3A_92 = tpu.vector_load %arg8[%swap3A_91] {strides = array<i32>} : memref<128xi32, #tpu.memory_space<vmem>>, vector<16xi32>,
    %swap3A_93 = vector.shape_cast %swap3A_92 : vector<16xi32> to vector<16xi32>
    %swap3A_94 = vector.shape_cast %shift_right_arithmetic3A_90 : vector<16xi32> to vector<16xi32>
    tpu.vector_store %arg8[%swap3A_91], %swap3A_94 {strides = array<i32>} : memref<128xi32, #tpu.memory_space<vmem>>, vector<16xi32>,
    %get3A_95 = arith.constant 0 : i32
    %get3A_96 = arith.index_cast %get3A_95 : i32 to index
    %get3A_97 = arith.constant 64 : index
    %get3A_98 = tpu.vector_load %arg5[%get3A_96, %get3A_97] {strides = array<i32>} : memref<80x128xi32, #tpu.memory_space<vmem>>, vector<1x16xi32>,
    %get3A_99 = vector.shape_cast %get3A_98 : vector<1x16xi32> to vector<16xi32>
    %and3A_100 = arith.constant 65535 : i32
    %and3A_101 = vector.broadcast %and3A_100 : i32 to vector<16xi32>
    %and3A_102 = arith.andi %get3A_99, %and3A_101 : vector<16xi32>
    %add3A_103 = vector.broadcast %mul3A_0 : i32 to vector<16xi32>
    %add3A_104 = arith.addi %and3A_102, %add3A_103 : vector<16xi32>
    %swap3A_105 = arith.constant 64 : index
    %swap3A_106 = tpu.vector_load %arg6[%swap3A_105] {strides = array<i32>} : memref<128xi32, #tpu.memory_space<vmem>>, vector<16xi32>,
    %swap3A_107 = vector.shape_cast %swap3A_106 : vector<16xi32> to vector<16xi32>
    %swap3A_108 = vector.shape_cast %add3A_104 : vector<16xi32> to vector<16xi32>
    tpu.vector_store %arg6[%swap3A_105], %swap3A_108 {strides = array<i32>} : memref<128xi32, #tpu.memory_space<vmem>>, vector<16xi32>,
    %shift_right_arithmetic3A_109 = arith.constant 16 : i32
    %shift_right_arithmetic3A_110 = vector.broadcast %shift_right_arithmetic3A_109 : i32 to vector<16xi32>
    %shift_right_arithmetic3A_111 = arith.shrsi %get3A_99, %shift_right_arithmetic3A_110 : vector<16xi32>
    %swap3A_112 = arith.constant 64 : index
    %swap3A_113 = tpu.vector_load %arg8[%swap3A_112] {strides = array<i32>} : memref<128xi32, #tpu.memory_space<vmem>>, vector<16xi32>,
    %swap3A_114 = vector.shape_cast %swap3A_113 : vector<16xi32> to vector<16xi32>
    %swap3A_115 = vector.shape_cast %shift_right_arithmetic3A_111 : vector<16xi32> to vector<16xi32>
    tpu.vector_store %arg8[%swap3A_112], %swap3A_115 {strides = array<i32>} : memref<128xi32, #tpu.memory_space<vmem>>, vector<16xi32>,
    %get3A_116 = arith.constant 0 : i32
    %get3A_117 = arith.index_cast %get3A_116 : i32 to index
    %get3A_118 = arith.constant 80 : index
    %get3A_119 = tpu.vector_load %arg5[%get3A_117, %get3A_118] {strides = array<i32>} : memref<80x128xi32, #tpu.memory_space<vmem>>, vector<1x16xi32>,
    %get3A_120 = vector.shape_cast %get3A_119 : vector<1x16xi32> to vector<16xi32>
    %and3A_121 = arith.constant 65535 : i32
    %and3A_122 = vector.broadcast %and3A_121 : i32 to vector<16xi32>
    %and3A_123 = arith.andi %get3A_120, %and3A_122 : vector<16xi32>
    %add3A_124 = vector.broadcast %mul3A_0 : i32 to vector<16xi32>
    %add3A_125 = arith.addi %and3A_123, %add3A_124 : vector<16xi32>
    %swap3A_126 = arith.constant 80 : index
    %swap3A_127 = tpu.vector_load %arg6[%swap3A_126] {strides = array<i32>} : memref<128xi32, #tpu.memory_space<vmem>>, vector<16xi32>,
    %swap3A_128 = vector.shape_cast %swap3A_127 : vector<16xi32> to vector<16xi32>
    %swap3A_129 = vector.shape_cast %add3A_125 : vector<16xi32> to vector<16xi32>
    tpu.vector_store %arg6[%swap3A_126], %swap3A_129 {strides = array<i32>} : memref<128xi32, #tpu.memory_space<vmem>>, vector<16xi32>,
    %shift_right_arithmetic3A_130 = arith.constant 16 : i32
    %shift_right_arithmetic3A_131 = vector.broadcast %shift_right_arithmetic3A_130 : i32 to vector<16xi32>
    %shift_right_arithmetic3A_132 = arith.shrsi %get3A_120, %shift_right_arithmetic3A_131 : vector<16xi32>
    %swap3A_133 = arith.constant 80 : index
    %swap3A_134 = tpu.vector_load %arg8[%swap3A_133] {strides = array<i32>} : memref<128xi32, #tpu.memory_space<vmem>>, vector<16xi32>,
    %swap3A_135 = vector.shape_cast %swap3A_134 : vector<16xi32> to vector<16xi32>
    %swap3A_136 = vector.shape_cast %shift_right_arithmetic3A_132 : vector<16xi32> to vector<16xi32>
    tpu.vector_store %arg8[%swap3A_133], %swap3A_136 {strides = array<i32>} : memref<128xi32, #tpu.memory_space<vmem>>, vector<16xi32>,
    %get3A_137 = arith.constant 0 : i32
    %get3A_138 = arith.index_cast %get3A_137 : i32 to index
    %get3A_139 = arith.constant 96 : index
    %get3A_140 = tpu.vector_load %arg5[%get3A_138, %get3A_139] {strides = array<i32>} : memref<80x128xi32, #tpu.memory_space<vmem>>, vector<1x16xi32>,
    %get3A_141 = vector.shape_cast %get3A_140 : vector<1x16xi32> to vector<16xi32>
    %and3A_142 = arith.constant 65535 : i32
    %and3A_143 = vector.broadcast %and3A_142 : i32 to vector<16xi32>
    %and3A_144 = arith.andi %get3A_141, %and3A_143 : vector<16xi32>
    %add3A_145 = vector.broadcast %mul3A_0 : i32 to vector<16xi32>
    %add3A_146 = arith.addi %and3A_144, %add3A_145 : vector<16xi32>
    %swap3A_147 = arith.constant 96 : index
    %swap3A_148 = tpu.vector_load %arg6[%swap3A_147] {strides = array<i32>} : memref<128xi32, #tpu.memory_space<vmem>>, vector<16xi32>,
    %swap3A_149 = vector.shape_cast %swap3A_148 : vector<16xi32> to vector<16xi32>
    %swap3A_150 = vector.shape_cast %add3A_146 : vector<16xi32> to vector<16xi32>
    tpu.vector_store %arg6[%swap3A_147], %swap3A_150 {strides = array<i32>} : memref<128xi32, #tpu.memory_space<vmem>>, vector<16xi32>,
    %shift_right_arithmetic3A_151 = arith.constant 16 : i32
    %shift_right_arithmetic3A_152 = vector.broadcast %shift_right_arithmetic3A_151 : i32 to vector<16xi32>
    %shift_right_arithmetic3A_153 = arith.shrsi %get3A_141, %shift_right_arithmetic3A_152 : vector<16xi32>
    %swap3A_154 = arith.constant 96 : index
    %swap3A_155 = tpu.vector_load %arg8[%swap3A_154] {strides = array<i32>} : memref<128xi32, #tpu.memory_space<vmem>>, vector<16xi32>,
    %swap3A_156 = vector.shape_cast %swap3A_155 : vector<16xi32> to vector<16xi32>
    %swap3A_157 = vector.shape_cast %shift_right_arithmetic3A_153 : vector<16xi32> to vector<16xi32>
    tpu.vector_store %arg8[%swap3A_154], %swap3A_157 {strides = array<i32>} : memref<128xi32, #tpu.memory_space<vmem>>, vector<16xi32>,
    %get3A_158 = arith.constant 0 : i32
    %get3A_159 = arith.index_cast %get3A_158 : i32 to index
    %get3A_160 = arith.constant 112 : index
    %get3A_161 = tpu.vector_load %arg5[%get3A_159, %get3A_160] {strides = array<i32>} : memref<80x128xi32, #tpu.memory_space<vmem>>, vector<1x16xi32>,
    %get3A_162 = vector.shape_cast %get3A_161 : vector<1x16xi32> to vector<16xi32>
    %and3A_163 = arith.constant 65535 : i32
    %and3A_164 = vector.broadcast %and3A_163 : i32 to vector<16xi32>
    %and3A_165 = arith.andi %get3A_162, %and3A_164 : vector<16xi32>
    %add3A_166 = vector.broadcast %mul3A_0 : i32 to vector<16xi32>
    %add3A_167 = arith.addi %and3A_165, %add3A_166 : vector<16xi32>
    %swap3A_168 = arith.constant 112 : index
    %swap3A_169 = tpu.vector_load %arg6[%swap3A_168] {strides = array<i32>} : memref<128xi32, #tpu.memory_space<vmem>>, vector<16xi32>,
    %swap3A_170 = vector.shape_cast %swap3A_169 : vector<16xi32> to vector<16xi32>
    %swap3A_171 = vector.shape_cast %add3A_167 : vector<16xi32> to vector<16xi32>
    tpu.vector_store %arg6[%swap3A_168], %swap3A_171 {strides = array<i32>} : memref<128xi32, #tpu.memory_space<vmem>>, vector<16xi32>,
    %shift_right_arithmetic3A_172 = arith.constant 16 : i32
    %shift_right_arithmetic3A_173 = vector.broadcast %shift_right_arithmetic3A_172 : i32 to vector<16xi32>
    %shift_right_arithmetic3A_174 = arith.shrsi %get3A_162, %shift_right_arithmetic3A_173 : vector<16xi32>
    %swap3A_175 = arith.constant 112 : index
    %swap3A_176 = tpu.vector_load %arg8[%swap3A_175] {strides = array<i32>} : memref<128xi32, #tpu.memory_space<vmem>>, vector<16xi32>,
    %swap3A_177 = vector.shape_cast %swap3A_176 : vector<16xi32> to vector<16xi32>
    %swap3A_178 = vector.shape_cast %shift_right_arithmetic3A_174 : vector<16xi32> to vector<16xi32>
    tpu.vector_store %arg8[%swap3A_175], %swap3A_178 {strides = array<i32>} : memref<128xi32, #tpu.memory_space<vmem>>, vector<16xi32>,
    %dma_start3A = arith.constant 0 : i32
    %dma_start3A_179 = arith.constant 0 : i32
    %dma_start3A_180 = tpu.memref_slice %arg2[%dma_start3A, %dma_start3A_179] : memref<20480x128xf32, #tpu.memory_space<hbm>> -> memref<20480x128xf32, #tpu.memory_space<hbm>>
    tpu.enqueue_indirect_dma source(%dma_start3A_180 : memref<20480x128xf32, #tpu.memory_space<hbm>>) target(%arg10 : memref<128x128xf32, #tpu.memory_space<vmem>>) offsets(%arg6 : memref<128xi32, #tpu.memory_space<vmem>>) semaphore(%arg13 : memref<!tpu.dma_semaphore, #tpu.memory_space<semaphore_mem>>)
    %scan3A_181 = arith.constant 0 : i32
    %scan3A_182 = arith.constant 0 : i32
    %scan3A_183 = arith.constant 40 : i32
    %scan3A_184 = arith.addi %scan3A_182, %scan3A_183 : i32
    %scan3A_185 = arith.constant 1 : i32
    %scan3A_186 = scf.for %scan3A_199 = %scan3A_182 to %scan3A_184 step %scan3A_185 iter_args(%scan3A_200 = %scan3A_181) -> (i32)  : i32 {
      %mul3A_201 = arith.constant 2 : i32
      %mul3A_202 = arith.muli %scan3A_199, %mul3A_201 : i32
      %add3A_203 = arith.constant 0 : i32
      %add3A_204 = arith.addi %mul3A_202, %add3A_203 : i32
      %add3A_205 = arith.constant 1 : i32
      %add3A_206 = arith.addi %add3A_204, %add3A_205 : i32
      %lt3A = arith.constant 80 : i32
      %lt3A_207 = arith.cmpi slt, %add3A_206, %lt3A : i32
      %convert_element_type3A = arith.extui %lt3A_207 : i1 to i32
      %cond3A = arith.constant 0 : i32
      %cond3A_208 = arith.cmpi ne, %convert_element_type3A, %cond3A : i32
      scf.if %cond3A_208 {
        %add3A_233 = arith.constant 1 : i32
        %add3A_234 = arith.addi %add3A_204, %add3A_233 : i32
        %ge3A = arith.constant 2 : i32
        %ge3A_235 = arith.cmpi sge, %add3A_234, %ge3A : i32
        %convert_element_type3A_236 = arith.extui %ge3A_235 : i1 to i32
        %cond3A_237 = arith.constant 0 : i32
        %cond3A_238 = arith.cmpi ne, %convert_element_type3A_236, %cond3A_237 : i32
        scf.if %cond3A_238 {
          %dma_wait3A_404 = arith.constant 0 : i32
          %dma_wait3A_405 = arith.constant 0 : i32
          %dma_wait3A_406 = tpu.memref_slice %arg12[%dma_wait3A_404, %dma_wait3A_405] : memref<10240x128xf32, #tpu.memory_space<vmem_shared>> -> memref<10240x128xf32, #tpu.memory_space<vmem_shared>>
          tpu.wait_indirect_dma semaphore(%arg16 : memref<!tpu.dma_semaphore, #tpu.memory_space<semaphore_mem>>) src(%arg11 : memref<128x128xf32, #tpu.memory_space<vmem>>) dst(%dma_wait3A_406 : memref<10240x128xf32, #tpu.memory_space<vmem_shared>>)
        } else {
        }
        %add3A_239 = arith.constant 1 : i32
        %add3A_240 = arith.addi %add3A_204, %add3A_239 : i32
        %get3A_241 = arith.index_cast %add3A_240 : i32 to index
        %get3A_242 = arith.constant 0 : index
        %get3A_243 = tpu.vector_load %arg5[%get3A_241, %get3A_242] {strides = array<i32>} : memref<80x128xi32, #tpu.memory_space<vmem>>, vector<1x16xi32>,
        %get3A_244 = vector.shape_cast %get3A_243 : vector<1x16xi32> to vector<16xi32>
        %and3A_245 = arith.constant 65535 : i32
        %and3A_246 = vector.broadcast %and3A_245 : i32 to vector<16xi32>
        %and3A_247 = arith.andi %get3A_244, %and3A_246 : vector<16xi32>
        %add3A_248 = vector.broadcast %mul3A_0 : i32 to vector<16xi32>
        %add3A_249 = arith.addi %and3A_247, %add3A_248 : vector<16xi32>
        %swap3A_250 = arith.constant 0 : index
        %swap3A_251 = tpu.vector_load %arg7[%swap3A_250] {strides = array<i32>} : memref<128xi32, #tpu.memory_space<vmem>>, vector<16xi32>,
        %swap3A_252 = vector.shape_cast %swap3A_251 : vector<16xi32> to vector<16xi32>
        %swap3A_253 = vector.shape_cast %add3A_249 : vector<16xi32> to vector<16xi32>
        tpu.vector_store %arg7[%swap3A_250], %swap3A_253 {strides = array<i32>} : memref<128xi32, #tpu.memory_space<vmem>>, vector<16xi32>,
        %shift_right_arithmetic3A_254 = arith.constant 16 : i32
        %shift_right_arithmetic3A_255 = vector.broadcast %shift_right_arithmetic3A_254 : i32 to vector<16xi32>
        %shift_right_arithmetic3A_256 = arith.shrsi %get3A_244, %shift_right_arithmetic3A_255 : vector<16xi32>
        %swap3A_257 = arith.constant 0 : index
        %swap3A_258 = tpu.vector_load %arg9[%swap3A_257] {strides = array<i32>} : memref<128xi32, #tpu.memory_space<vmem>>, vector<16xi32>,
        %swap3A_259 = vector.shape_cast %swap3A_258 : vector<16xi32> to vector<16xi32>
        %swap3A_260 = vector.shape_cast %shift_right_arithmetic3A_256 : vector<16xi32> to vector<16xi32>
        tpu.vector_store %arg9[%swap3A_257], %swap3A_260 {strides = array<i32>} : memref<128xi32, #tpu.memory_space<vmem>>, vector<16xi32>,
        %get3A_261 = arith.index_cast %add3A_240 : i32 to index
        %get3A_262 = arith.constant 16 : index
        %get3A_263 = tpu.vector_load %arg5[%get3A_261, %get3A_262] {strides = array<i32>} : memref<80x128xi32, #tpu.memory_space<vmem>>, vector<1x16xi32>,
        %get3A_264 = vector.shape_cast %get3A_263 : vector<1x16xi32> to vector<16xi32>
        %and3A_265 = arith.constant 65535 : i32
        %and3A_266 = vector.broadcast %and3A_265 : i32 to vector<16xi32>
        %and3A_267 = arith.andi %get3A_264, %and3A_266 : vector<16xi32>
        %add3A_268 = vector.broadcast %mul3A_0 : i32 to vector<16xi32>
        %add3A_269 = arith.addi %and3A_267, %add3A_268 : vector<16xi32>
        %swap3A_270 = arith.constant 16 : index
        %swap3A_271 = tpu.vector_load %arg7[%swap3A_270] {strides = array<i32>} : memref<128xi32, #tpu.memory_space<vmem>>, vector<16xi32>,
        %swap3A_272 = vector.shape_cast %swap3A_271 : vector<16xi32> to vector<16xi32>
        %swap3A_273 = vector.shape_cast %add3A_269 : vector<16xi32> to vector<16xi32>
        tpu.vector_store %arg7[%swap3A_270], %swap3A_273 {strides = array<i32>} : memref<128xi32, #tpu.memory_space<vmem>>, vector<16xi32>,
        %shift_right_arithmetic3A_274 = arith.constant 16 : i32
        %shift_right_arithmetic3A_275 = vector.broadcast %shift_right_arithmetic3A_274 : i32 to vector<16xi32>
        %shift_right_arithmetic3A_276 = arith.shrsi %get3A_264, %shift_right_arithmetic3A_275 : vector<16xi32>
        %swap3A_277 = arith.constant 16 : index
        %swap3A_278 = tpu.vector_load %arg9[%swap3A_277] {strides = array<i32>} : memref<128xi32, #tpu.memory_space<vmem>>, vector<16xi32>,
        %swap3A_279 = vector.shape_cast %swap3A_278 : vector<16xi32> to vector<16xi32>
        %swap3A_280 = vector.shape_cast %shift_right_arithmetic3A_276 : vector<16xi32> to vector<16xi32>
        tpu.vector_store %arg9[%swap3A_277], %swap3A_280 {strides = array<i32>} : memref<128xi32, #tpu.memory_space<vmem>>, vector<16xi32>,
        %get3A_281 = arith.index_cast %add3A_240 : i32 to index
        %get3A_282 = arith.constant 32 : index
        %get3A_283 = tpu.vector_load %arg5[%get3A_281, %get3A_282] {strides = array<i32>} : memref<80x128xi32, #tpu.memory_space<vmem>>, vector<1x16xi32>,
        %get3A_284 = vector.shape_cast %get3A_283 : vector<1x16xi32> to vector<16xi32>
        %and3A_285 = arith.constant 65535 : i32
        %and3A_286 = vector.broadcast %and3A_285 : i32 to vector<16xi32>
        %and3A_287 = arith.andi %get3A_284, %and3A_286 : vector<16xi32>
        %add3A_288 = vector.broadcast %mul3A_0 : i32 to vector<16xi32>
        %add3A_289 = arith.addi %and3A_287, %add3A_288 : vector<16xi32>
        %swap3A_290 = arith.constant 32 : index
        %swap3A_291 = tpu.vector_load %arg7[%swap3A_290] {strides = array<i32>} : memref<128xi32, #tpu.memory_space<vmem>>, vector<16xi32>,
        %swap3A_292 = vector.shape_cast %swap3A_291 : vector<16xi32> to vector<16xi32>
        %swap3A_293 = vector.shape_cast %add3A_289 : vector<16xi32> to vector<16xi32>
        tpu.vector_store %arg7[%swap3A_290], %swap3A_293 {strides = array<i32>} : memref<128xi32, #tpu.memory_space<vmem>>, vector<16xi32>,
        %shift_right_arithmetic3A_294 = arith.constant 16 : i32
        %shift_right_arithmetic3A_295 = vector.broadcast %shift_right_arithmetic3A_294 : i32 to vector<16xi32>
        %shift_right_arithmetic3A_296 = arith.shrsi %get3A_284, %shift_right_arithmetic3A_295 : vector<16xi32>
        %swap3A_297 = arith.constant 32 : index
        %swap3A_298 = tpu.vector_load %arg9[%swap3A_297] {strides = array<i32>} : memref<128xi32, #tpu.memory_space<vmem>>, vector<16xi32>,
        %swap3A_299 = vector.shape_cast %swap3A_298 : vector<16xi32> to vector<16xi32>
        %swap3A_300 = vector.shape_cast %shift_right_arithmetic3A_296 : vector<16xi32> to vector<16xi32>
        tpu.vector_store %arg9[%swap3A_297], %swap3A_300 {strides = array<i32>} : memref<128xi32, #tpu.memory_space<vmem>>, vector<16xi32>,
        %get3A_301 = arith.index_cast %add3A_240 : i32 to index
        %get3A_302 = arith.constant 48 : index
        %get3A_303 = tpu.vector_load %arg5[%get3A_301, %get3A_302] {strides = array<i32>} : memref<80x128xi32, #tpu.memory_space<vmem>>, vector<1x16xi32>,
        %get3A_304 = vector.shape_cast %get3A_303 : vector<1x16xi32> to vector<16xi32>
        %and3A_305 = arith.constant 65535 : i32
        %and3A_306 = vector.broadcast %and3A_305 : i32 to vector<16xi32>
        %and3A_307 = arith.andi %get3A_304, %and3A_306 : vector<16xi32>
        %add3A_308 = vector.broadcast %mul3A_0 : i32 to vector<16xi32>
        %add3A_309 = arith.addi %and3A_307, %add3A_308 : vector<16xi32>
        %swap3A_310 = arith.constant 48 : index
        %swap3A_311 = tpu.vector_load %arg7[%swap3A_310] {strides = array<i32>} : memref<128xi32, #tpu.memory_space<vmem>>, vector<16xi32>,
        %swap3A_312 = vector.shape_cast %swap3A_311 : vector<16xi32> to vector<16xi32>
        %swap3A_313 = vector.shape_cast %add3A_309 : vector<16xi32> to vector<16xi32>
        tpu.vector_store %arg7[%swap3A_310], %swap3A_313 {strides = array<i32>} : memref<128xi32, #tpu.memory_space<vmem>>, vector<16xi32>,
        %shift_right_arithmetic3A_314 = arith.constant 16 : i32
        %shift_right_arithmetic3A_315 = vector.broadcast %shift_right_arithmetic3A_314 : i32 to vector<16xi32>
        %shift_right_arithmetic3A_316 = arith.shrsi %get3A_304, %shift_right_arithmetic3A_315 : vector<16xi32>
        %swap3A_317 = arith.constant 48 : index
        %swap3A_318 = tpu.vector_load %arg9[%swap3A_317] {strides = array<i32>} : memref<128xi32, #tpu.memory_space<vmem>>, vector<16xi32>,
        %swap3A_319 = vector.shape_cast %swap3A_318 : vector<16xi32> to vector<16xi32>
        %swap3A_320 = vector.shape_cast %shift_right_arithmetic3A_316 : vector<16xi32> to vector<16xi32>
        tpu.vector_store %arg9[%swap3A_317], %swap3A_320 {strides = array<i32>} : memref<128xi32, #tpu.memory_space<vmem>>, vector<16xi32>,
        %get3A_321 = arith.index_cast %add3A_240 : i32 to index
        %get3A_322 = arith.constant 64 : index
        %get3A_323 = tpu.vector_load %arg5[%get3A_321, %get3A_322] {strides = array<i32>} : memref<80x128xi32, #tpu.memory_space<vmem>>, vector<1x16xi32>,
        %get3A_324 = vector.shape_cast %get3A_323 : vector<1x16xi32> to vector<16xi32>
        %and3A_325 = arith.constant 65535 : i32
        %and3A_326 = vector.broadcast %and3A_325 : i32 to vector<16xi32>
        %and3A_327 = arith.andi %get3A_324, %and3A_326 : vector<16xi32>
        %add3A_328 = vector.broadcast %mul3A_0 : i32 to vector<16xi32>
        %add3A_329 = arith.addi %and3A_327, %add3A_328 : vector<16xi32>
        %swap3A_330 = arith.constant 64 : index
        %swap3A_331 = tpu.vector_load %arg7[%swap3A_330] {strides = array<i32>} : memref<128xi32, #tpu.memory_space<vmem>>, vector<16xi32>,
        %swap3A_332 = vector.shape_cast %swap3A_331 : vector<16xi32> to vector<16xi32>
        %swap3A_333 = vector.shape_cast %add3A_329 : vector<16xi32> to vector<16xi32>
        tpu.vector_store %arg7[%swap3A_330], %swap3A_333 {strides = array<i32>} : memref<128xi32, #tpu.memory_space<vmem>>, vector<16xi32>,
        %shift_right_arithmetic3A_334 = arith.constant 16 : i32
        %shift_right_arithmetic3A_335 = vector.broadcast %shift_right_arithmetic3A_334 : i32 to vector<16xi32>
        %shift_right_arithmetic3A_336 = arith.shrsi %get3A_324, %shift_right_arithmetic3A_335 : vector<16xi32>
        %swap3A_337 = arith.constant 64 : index
        %swap3A_338 = tpu.vector_load %arg9[%swap3A_337] {strides = array<i32>} : memref<128xi32, #tpu.memory_space<vmem>>, vector<16xi32>,
        %swap3A_339 = vector.shape_cast %swap3A_338 : vector<16xi32> to vector<16xi32>
        %swap3A_340 = vector.shape_cast %shift_right_arithmetic3A_336 : vector<16xi32> to vector<16xi32>
        tpu.vector_store %arg9[%swap3A_337], %swap3A_340 {strides = array<i32>} : memref<128xi32, #tpu.memory_space<vmem>>, vector<16xi32>,
        %get3A_341 = arith.index_cast %add3A_240 : i32 to index
        %get3A_342 = arith.constant 80 : index
        %get3A_343 = tpu.vector_load %arg5[%get3A_341, %get3A_342] {strides = array<i32>} : memref<80x128xi32, #tpu.memory_space<vmem>>, vector<1x16xi32>,
        %get3A_344 = vector.shape_cast %get3A_343 : vector<1x16xi32> to vector<16xi32>
        %and3A_345 = arith.constant 65535 : i32
        %and3A_346 = vector.broadcast %and3A_345 : i32 to vector<16xi32>
        %and3A_347 = arith.andi %get3A_344, %and3A_346 : vector<16xi32>
        %add3A_348 = vector.broadcast %mul3A_0 : i32 to vector<16xi32>
        %add3A_349 = arith.addi %and3A_347, %add3A_348 : vector<16xi32>
        %swap3A_350 = arith.constant 80 : index
        %swap3A_351 = tpu.vector_load %arg7[%swap3A_350] {strides = array<i32>} : memref<128xi32, #tpu.memory_space<vmem>>, vector<16xi32>,
        %swap3A_352 = vector.shape_cast %swap3A_351 : vector<16xi32> to vector<16xi32>
        %swap3A_353 = vector.shape_cast %add3A_349 : vector<16xi32> to vector<16xi32>
        tpu.vector_store %arg7[%swap3A_350], %swap3A_353 {strides = array<i32>} : memref<128xi32, #tpu.memory_space<vmem>>, vector<16xi32>,
        %shift_right_arithmetic3A_354 = arith.constant 16 : i32
        %shift_right_arithmetic3A_355 = vector.broadcast %shift_right_arithmetic3A_354 : i32 to vector<16xi32>
        %shift_right_arithmetic3A_356 = arith.shrsi %get3A_344, %shift_right_arithmetic3A_355 : vector<16xi32>
        %swap3A_357 = arith.constant 80 : index
        %swap3A_358 = tpu.vector_load %arg9[%swap3A_357] {strides = array<i32>} : memref<128xi32, #tpu.memory_space<vmem>>, vector<16xi32>,
        %swap3A_359 = vector.shape_cast %swap3A_358 : vector<16xi32> to vector<16xi32>
        %swap3A_360 = vector.shape_cast %shift_right_arithmetic3A_356 : vector<16xi32> to vector<16xi32>
        tpu.vector_store %arg9[%swap3A_357], %swap3A_360 {strides = array<i32>} : memref<128xi32, #tpu.memory_space<vmem>>, vector<16xi32>,
        %get3A_361 = arith.index_cast %add3A_240 : i32 to index
        %get3A_362 = arith.constant 96 : index
        %get3A_363 = tpu.vector_load %arg5[%get3A_361, %get3A_362] {strides = array<i32>} : memref<80x128xi32, #tpu.memory_space<vmem>>, vector<1x16xi32>,
        %get3A_364 = vector.shape_cast %get3A_363 : vector<1x16xi32> to vector<16xi32>
        %and3A_365 = arith.constant 65535 : i32
        %and3A_366 = vector.broadcast %and3A_365 : i32 to vector<16xi32>
        %and3A_367 = arith.andi %get3A_364, %and3A_366 : vector<16xi32>
        %add3A_368 = vector.broadcast %mul3A_0 : i32 to vector<16xi32>
        %add3A_369 = arith.addi %and3A_367, %add3A_368 : vector<16xi32>
        %swap3A_370 = arith.constant 96 : index
        %swap3A_371 = tpu.vector_load %arg7[%swap3A_370] {strides = array<i32>} : memref<128xi32, #tpu.memory_space<vmem>>, vector<16xi32>,
        %swap3A_372 = vector.shape_cast %swap3A_371 : vector<16xi32> to vector<16xi32>
        %swap3A_373 = vector.shape_cast %add3A_369 : vector<16xi32> to vector<16xi32>
        tpu.vector_store %arg7[%swap3A_370], %swap3A_373 {strides = array<i32>} : memref<128xi32, #tpu.memory_space<vmem>>, vector<16xi32>,
        %shift_right_arithmetic3A_374 = arith.constant 16 : i32
        %shift_right_arithmetic3A_375 = vector.broadcast %shift_right_arithmetic3A_374 : i32 to vector<16xi32>
        %shift_right_arithmetic3A_376 = arith.shrsi %get3A_364, %shift_right_arithmetic3A_375 : vector<16xi32>
        %swap3A_377 = arith.constant 96 : index
        %swap3A_378 = tpu.vector_load %arg9[%swap3A_377] {strides = array<i32>} : memref<128xi32, #tpu.memory_space<vmem>>, vector<16xi32>,
        %swap3A_379 = vector.shape_cast %swap3A_378 : vector<16xi32> to vector<16xi32>
        %swap3A_380 = vector.shape_cast %shift_right_arithmetic3A_376 : vector<16xi32> to vector<16xi32>
        tpu.vector_store %arg9[%swap3A_377], %swap3A_380 {strides = array<i32>} : memref<128xi32, #tpu.memory_space<vmem>>, vector<16xi32>,
        %get3A_381 = arith.index_cast %add3A_240 : i32 to index
        %get3A_382 = arith.constant 112 : index
        %get3A_383 = tpu.vector_load %arg5[%get3A_381, %get3A_382] {strides = array<i32>} : memref<80x128xi32, #tpu.memory_space<vmem>>, vector<1x16xi32>,
        %get3A_384 = vector.shape_cast %get3A_383 : vector<1x16xi32> to vector<16xi32>
        %and3A_385 = arith.constant 65535 : i32
        %and3A_386 = vector.broadcast %and3A_385 : i32 to vector<16xi32>
        %and3A_387 = arith.andi %get3A_384, %and3A_386 : vector<16xi32>
        %add3A_388 = vector.broadcast %mul3A_0 : i32 to vector<16xi32>
        %add3A_389 = arith.addi %and3A_387, %add3A_388 : vector<16xi32>
        %swap3A_390 = arith.constant 112 : index
        %swap3A_391 = tpu.vector_load %arg7[%swap3A_390] {strides = array<i32>} : memref<128xi32, #tpu.memory_space<vmem>>, vector<16xi32>,
        %swap3A_392 = vector.shape_cast %swap3A_391 : vector<16xi32> to vector<16xi32>
        %swap3A_393 = vector.shape_cast %add3A_389 : vector<16xi32> to vector<16xi32>
        tpu.vector_store %arg7[%swap3A_390], %swap3A_393 {strides = array<i32>} : memref<128xi32, #tpu.memory_space<vmem>>, vector<16xi32>,
        %shift_right_arithmetic3A_394 = arith.constant 16 : i32
        %shift_right_arithmetic3A_395 = vector.broadcast %shift_right_arithmetic3A_394 : i32 to vector<16xi32>
        %shift_right_arithmetic3A_396 = arith.shrsi %get3A_384, %shift_right_arithmetic3A_395 : vector<16xi32>
        %swap3A_397 = arith.constant 112 : index
        %swap3A_398 = tpu.vector_load %arg9[%swap3A_397] {strides = array<i32>} : memref<128xi32, #tpu.memory_space<vmem>>, vector<16xi32>,
        %swap3A_399 = vector.shape_cast %swap3A_398 : vector<16xi32> to vector<16xi32>
        %swap3A_400 = vector.shape_cast %shift_right_arithmetic3A_396 : vector<16xi32> to vector<16xi32>
        tpu.vector_store %arg9[%swap3A_397], %swap3A_400 {strides = array<i32>} : memref<128xi32, #tpu.memory_space<vmem>>, vector<16xi32>,
        %dma_start3A_401 = arith.constant 0 : i32
        %dma_start3A_402 = arith.constant 0 : i32
        %dma_start3A_403 = tpu.memref_slice %arg2[%dma_start3A_401, %dma_start3A_402] : memref<20480x128xf32, #tpu.memory_space<hbm>> -> memref<20480x128xf32, #tpu.memory_space<hbm>>
        tpu.enqueue_indirect_dma source(%dma_start3A_403 : memref<20480x128xf32, #tpu.memory_space<hbm>>) target(%arg11 : memref<128x128xf32, #tpu.memory_space<vmem>>) offsets(%arg7 : memref<128xi32, #tpu.memory_space<vmem>>) semaphore(%arg14 : memref<!tpu.dma_semaphore, #tpu.memory_space<semaphore_mem>>)
      } else {
      }
      %dma_wait3A_209 = arith.constant 0 : i32
      %dma_wait3A_210 = arith.constant 0 : i32
      %dma_wait3A_211 = tpu.memref_slice %arg2[%dma_wait3A_209, %dma_wait3A_210] : memref<20480x128xf32, #tpu.memory_space<hbm>> -> memref<20480x128xf32, #tpu.memory_space<hbm>>
      tpu.wait_indirect_dma semaphore(%arg13 : memref<!tpu.dma_semaphore, #tpu.memory_space<semaphore_mem>>) src(%dma_wait3A_211 : memref<20480x128xf32, #tpu.memory_space<hbm>>) dst(%arg10 : memref<128x128xf32, #tpu.memory_space<vmem>>)
      %dma_start3A_212 = arith.constant 0 : i32
      %dma_start3A_213 = arith.constant 0 : i32
      %dma_start3A_214 = tpu.memref_slice %arg12[%dma_start3A_212, %dma_start3A_213] : memref<10240x128xf32, #tpu.memory_space<vmem_shared>> -> memref<10240x128xf32, #tpu.memory_space<vmem_shared>>
      tpu.enqueue_indirect_dma source(%arg10 : memref<128x128xf32, #tpu.memory_space<vmem>>) target(%dma_start3A_214 : memref<10240x128xf32, #tpu.memory_space<vmem_shared>>) offsets(%arg8 : memref<128xi32, #tpu.memory_space<vmem>>) semaphore(%arg15 : memref<!tpu.dma_semaphore, #tpu.memory_space<semaphore_mem>>) {add = true}
      %mul3A_215 = arith.constant 2 : i32
      %mul3A_216 = arith.muli %scan3A_199, %mul3A_215 : i32
      %add3A_217 = arith.constant 1 : i32
      %add3A_218 = arith.addi %mul3A_216, %add3A_217 : i32
      %add3A_219 = arith.constant 1 : i32
      %add3A_220 = arith.addi %add3A_218, %add3A_219 : i32
      %lt3A_221 = arith.constant 80 : i32
      %lt3A_222 = arith.cmpi slt, %add3A_220, %lt3A_221 : i32
      %convert_element_type3A_223 = arith.extui %lt3A_222 : i1 to i32
      %cond3A_224 = arith.constant 0 : i32
      %cond3A_225 = arith.cmpi ne, %convert_element_type3A_223, %cond3A_224 : i32
      scf.if %cond3A_225 {
        %add3A_233 = arith.constant 1 : i32
        %add3A_234 = arith.addi %add3A_218, %add3A_233 : i32
        %ge3A = arith.constant 2 : i32
        %ge3A_235 = arith.cmpi sge, %add3A_234, %ge3A : i32
        %convert_element_type3A_236 = arith.extui %ge3A_235 : i1 to i32
        %cond3A_237 = arith.constant 0 : i32
        %cond3A_238 = arith.cmpi ne, %convert_element_type3A_236, %cond3A_237 : i32
        scf.if %cond3A_238 {
          %dma_wait3A_404 = arith.constant 0 : i32
          %dma_wait3A_405 = arith.constant 0 : i32
          %dma_wait3A_406 = tpu.memref_slice %arg12[%dma_wait3A_404, %dma_wait3A_405] : memref<10240x128xf32, #tpu.memory_space<vmem_shared>> -> memref<10240x128xf32, #tpu.memory_space<vmem_shared>>
          tpu.wait_indirect_dma semaphore(%arg15 : memref<!tpu.dma_semaphore, #tpu.memory_space<semaphore_mem>>) src(%arg10 : memref<128x128xf32, #tpu.memory_space<vmem>>) dst(%dma_wait3A_406 : memref<10240x128xf32, #tpu.memory_space<vmem_shared>>)
        } else {
        }
        %add3A_239 = arith.constant 1 : i32
        %add3A_240 = arith.addi %add3A_218, %add3A_239 : i32
        %get3A_241 = arith.index_cast %add3A_240 : i32 to index
        %get3A_242 = arith.constant 0 : index
        %get3A_243 = tpu.vector_load %arg5[%get3A_241, %get3A_242] {strides = array<i32>} : memref<80x128xi32, #tpu.memory_space<vmem>>, vector<1x16xi32>,
        %get3A_244 = vector.shape_cast %get3A_243 : vector<1x16xi32> to vector<16xi32>
        %and3A_245 = arith.constant 65535 : i32
        %and3A_246 = vector.broadcast %and3A_245 : i32 to vector<16xi32>
        %and3A_247 = arith.andi %get3A_244, %and3A_246 : vector<16xi32>
        %add3A_248 = vector.broadcast %mul3A_0 : i32 to vector<16xi32>
        %add3A_249 = arith.addi %and3A_247, %add3A_248 : vector<16xi32>
        %swap3A_250 = arith.constant 0 : index
        %swap3A_251 = tpu.vector_load %arg6[%swap3A_250] {strides = array<i32>} : memref<128xi32, #tpu.memory_space<vmem>>, vector<16xi32>,
        %swap3A_252 = vector.shape_cast %swap3A_251 : vector<16xi32> to vector<16xi32>
        %swap3A_253 = vector.shape_cast %add3A_249 : vector<16xi32> to vector<16xi32>
        tpu.vector_store %arg6[%swap3A_250], %swap3A_253 {strides = array<i32>} : memref<128xi32, #tpu.memory_space<vmem>>, vector<16xi32>,
        %shift_right_arithmetic3A_254 = arith.constant 16 : i32
        %shift_right_arithmetic3A_255 = vector.broadcast %shift_right_arithmetic3A_254 : i32 to vector<16xi32>
        %shift_right_arithmetic3A_256 = arith.shrsi %get3A_244, %shift_right_arithmetic3A_255 : vector<16xi32>
        %swap3A_257 = arith.constant 0 : index
        %swap3A_258 = tpu.vector_load %arg8[%swap3A_257] {strides = array<i32>} : memref<128xi32, #tpu.memory_space<vmem>>, vector<16xi32>,
        %swap3A_259 = vector.shape_cast %swap3A_258 : vector<16xi32> to vector<16xi32>
        %swap3A_260 = vector.shape_cast %shift_right_arithmetic3A_256 : vector<16xi32> to vector<16xi32>
        tpu.vector_store %arg8[%swap3A_257], %swap3A_260 {strides = array<i32>} : memref<128xi32, #tpu.memory_space<vmem>>, vector<16xi32>,
        %get3A_261 = arith.index_cast %add3A_240 : i32 to index
        %get3A_262 = arith.constant 16 : index
        %get3A_263 = tpu.vector_load %arg5[%get3A_261, %get3A_262] {strides = array<i32>} : memref<80x128xi32, #tpu.memory_space<vmem>>, vector<1x16xi32>,
        %get3A_264 = vector.shape_cast %get3A_263 : vector<1x16xi32> to vector<16xi32>
        %and3A_265 = arith.constant 65535 : i32
        %and3A_266 = vector.broadcast %and3A_265 : i32 to vector<16xi32>
        %and3A_267 = arith.andi %get3A_264, %and3A_266 : vector<16xi32>
        %add3A_268 = vector.broadcast %mul3A_0 : i32 to vector<16xi32>
        %add3A_269 = arith.addi %and3A_267, %add3A_268 : vector<16xi32>
        %swap3A_270 = arith.constant 16 : index
        %swap3A_271 = tpu.vector_load %arg6[%swap3A_270] {strides = array<i32>} : memref<128xi32, #tpu.memory_space<vmem>>, vector<16xi32>,
        %swap3A_272 = vector.shape_cast %swap3A_271 : vector<16xi32> to vector<16xi32>
        %swap3A_273 = vector.shape_cast %add3A_269 : vector<16xi32> to vector<16xi32>
        tpu.vector_store %arg6[%swap3A_270], %swap3A_273 {strides = array<i32>} : memref<128xi32, #tpu.memory_space<vmem>>, vector<16xi32>,
        %shift_right_arithmetic3A_274 = arith.constant 16 : i32
        %shift_right_arithmetic3A_275 = vector.broadcast %shift_right_arithmetic3A_274 : i32 to vector<16xi32>
        %shift_right_arithmetic3A_276 = arith.shrsi %get3A_264, %shift_right_arithmetic3A_275 : vector<16xi32>
        %swap3A_277 = arith.constant 16 : index
        %swap3A_278 = tpu.vector_load %arg8[%swap3A_277] {strides = array<i32>} : memref<128xi32, #tpu.memory_space<vmem>>, vector<16xi32>,
        %swap3A_279 = vector.shape_cast %swap3A_278 : vector<16xi32> to vector<16xi32>
        %swap3A_280 = vector.shape_cast %shift_right_arithmetic3A_276 : vector<16xi32> to vector<16xi32>
        tpu.vector_store %arg8[%swap3A_277], %swap3A_280 {strides = array<i32>} : memref<128xi32, #tpu.memory_space<vmem>>, vector<16xi32>,
        %get3A_281 = arith.index_cast %add3A_240 : i32 to index
        %get3A_282 = arith.constant 32 : index
        %get3A_283 = tpu.vector_load %arg5[%get3A_281, %get3A_282] {strides = array<i32>} : memref<80x128xi32, #tpu.memory_space<vmem>>, vector<1x16xi32>,
        %get3A_284 = vector.shape_cast %get3A_283 : vector<1x16xi32> to vector<16xi32>
        %and3A_285 = arith.constant 65535 : i32
        %and3A_286 = vector.broadcast %and3A_285 : i32 to vector<16xi32>
        %and3A_287 = arith.andi %get3A_284, %and3A_286 : vector<16xi32>
        %add3A_288 = vector.broadcast %mul3A_0 : i32 to vector<16xi32>
        %add3A_289 = arith.addi %and3A_287, %add3A_288 : vector<16xi32>
        %swap3A_290 = arith.constant 32 : index
        %swap3A_291 = tpu.vector_load %arg6[%swap3A_290] {strides = array<i32>} : memref<128xi32, #tpu.memory_space<vmem>>, vector<16xi32>,
        %swap3A_292 = vector.shape_cast %swap3A_291 : vector<16xi32> to vector<16xi32>
        %swap3A_293 = vector.shape_cast %add3A_289 : vector<16xi32> to vector<16xi32>
        tpu.vector_store %arg6[%swap3A_290], %swap3A_293 {strides = array<i32>} : memref<128xi32, #tpu.memory_space<vmem>>, vector<16xi32>,
        %shift_right_arithmetic3A_294 = arith.constant 16 : i32
        %shift_right_arithmetic3A_295 = vector.broadcast %shift_right_arithmetic3A_294 : i32 to vector<16xi32>
        %shift_right_arithmetic3A_296 = arith.shrsi %get3A_284, %shift_right_arithmetic3A_295 : vector<16xi32>
        %swap3A_297 = arith.constant 32 : index
        %swap3A_298 = tpu.vector_load %arg8[%swap3A_297] {strides = array<i32>} : memref<128xi32, #tpu.memory_space<vmem>>, vector<16xi32>,
        %swap3A_299 = vector.shape_cast %swap3A_298 : vector<16xi32> to vector<16xi32>
        %swap3A_300 = vector.shape_cast %shift_right_arithmetic3A_296 : vector<16xi32> to vector<16xi32>
        tpu.vector_store %arg8[%swap3A_297], %swap3A_300 {strides = array<i32>} : memref<128xi32, #tpu.memory_space<vmem>>, vector<16xi32>,
        %get3A_301 = arith.index_cast %add3A_240 : i32 to index
        %get3A_302 = arith.constant 48 : index
        %get3A_303 = tpu.vector_load %arg5[%get3A_301, %get3A_302] {strides = array<i32>} : memref<80x128xi32, #tpu.memory_space<vmem>>, vector<1x16xi32>,
        %get3A_304 = vector.shape_cast %get3A_303 : vector<1x16xi32> to vector<16xi32>
        %and3A_305 = arith.constant 65535 : i32
        %and3A_306 = vector.broadcast %and3A_305 : i32 to vector<16xi32>
        %and3A_307 = arith.andi %get3A_304, %and3A_306 : vector<16xi32>
        %add3A_308 = vector.broadcast %mul3A_0 : i32 to vector<16xi32>
        %add3A_309 = arith.addi %and3A_307, %add3A_308 : vector<16xi32>
        %swap3A_310 = arith.constant 48 : index
        %swap3A_311 = tpu.vector_load %arg6[%swap3A_310] {strides = array<i32>} : memref<128xi32, #tpu.memory_space<vmem>>, vector<16xi32>,
        %swap3A_312 = vector.shape_cast %swap3A_311 : vector<16xi32> to vector<16xi32>
        %swap3A_313 = vector.shape_cast %add3A_309 : vector<16xi32> to vector<16xi32>
        tpu.vector_store %arg6[%swap3A_310], %swap3A_313 {strides = array<i32>} : memref<128xi32, #tpu.memory_space<vmem>>, vector<16xi32>,
        %shift_right_arithmetic3A_314 = arith.constant 16 : i32
        %shift_right_arithmetic3A_315 = vector.broadcast %shift_right_arithmetic3A_314 : i32 to vector<16xi32>
        %shift_right_arithmetic3A_316 = arith.shrsi %get3A_304, %shift_right_arithmetic3A_315 : vector<16xi32>
        %swap3A_317 = arith.constant 48 : index
        %swap3A_318 = tpu.vector_load %arg8[%swap3A_317] {strides = array<i32>} : memref<128xi32, #tpu.memory_space<vmem>>, vector<16xi32>,
        %swap3A_319 = vector.shape_cast %swap3A_318 : vector<16xi32> to vector<16xi32>
        %swap3A_320 = vector.shape_cast %shift_right_arithmetic3A_316 : vector<16xi32> to vector<16xi32>
        tpu.vector_store %arg8[%swap3A_317], %swap3A_320 {strides = array<i32>} : memref<128xi32, #tpu.memory_space<vmem>>, vector<16xi32>,
        %get3A_321 = arith.index_cast %add3A_240 : i32 to index
        %get3A_322 = arith.constant 64 : index
        %get3A_323 = tpu.vector_load %arg5[%get3A_321, %get3A_322] {strides = array<i32>} : memref<80x128xi32, #tpu.memory_space<vmem>>, vector<1x16xi32>,
        %get3A_324 = vector.shape_cast %get3A_323 : vector<1x16xi32> to vector<16xi32>
        %and3A_325 = arith.constant 65535 : i32
        %and3A_326 = vector.broadcast %and3A_325 : i32 to vector<16xi32>
        %and3A_327 = arith.andi %get3A_324, %and3A_326 : vector<16xi32>
        %add3A_328 = vector.broadcast %mul3A_0 : i32 to vector<16xi32>
        %add3A_329 = arith.addi %and3A_327, %add3A_328 : vector<16xi32>
        %swap3A_330 = arith.constant 64 : index
        %swap3A_331 = tpu.vector_load %arg6[%swap3A_330] {strides = array<i32>} : memref<128xi32, #tpu.memory_space<vmem>>, vector<16xi32>,
        %swap3A_332 = vector.shape_cast %swap3A_331 : vector<16xi32> to vector<16xi32>
        %swap3A_333 = vector.shape_cast %add3A_329 : vector<16xi32> to vector<16xi32>
        tpu.vector_store %arg6[%swap3A_330], %swap3A_333 {strides = array<i32>} : memref<128xi32, #tpu.memory_space<vmem>>, vector<16xi32>,
        %shift_right_arithmetic3A_334 = arith.constant 16 : i32
        %shift_right_arithmetic3A_335 = vector.broadcast %shift_right_arithmetic3A_334 : i32 to vector<16xi32>
        %shift_right_arithmetic3A_336 = arith.shrsi %get3A_324, %shift_right_arithmetic3A_335 : vector<16xi32>
        %swap3A_337 = arith.constant 64 : index
        %swap3A_338 = tpu.vector_load %arg8[%swap3A_337] {strides = array<i32>} : memref<128xi32, #tpu.memory_space<vmem>>, vector<16xi32>,
        %swap3A_339 = vector.shape_cast %swap3A_338 : vector<16xi32> to vector<16xi32>
        %swap3A_340 = vector.shape_cast %shift_right_arithmetic3A_336 : vector<16xi32> to vector<16xi32>
        tpu.vector_store %arg8[%swap3A_337], %swap3A_340 {strides = array<i32>} : memref<128xi32, #tpu.memory_space<vmem>>, vector<16xi32>,
        %get3A_341 = arith.index_cast %add3A_240 : i32 to index
        %get3A_342 = arith.constant 80 : index
        %get3A_343 = tpu.vector_load %arg5[%get3A_341, %get3A_342] {strides = array<i32>} : memref<80x128xi32, #tpu.memory_space<vmem>>, vector<1x16xi32>,
        %get3A_344 = vector.shape_cast %get3A_343 : vector<1x16xi32> to vector<16xi32>
        %and3A_345 = arith.constant 65535 : i32
        %and3A_346 = vector.broadcast %and3A_345 : i32 to vector<16xi32>
        %and3A_347 = arith.andi %get3A_344, %and3A_346 : vector<16xi32>
        %add3A_348 = vector.broadcast %mul3A_0 : i32 to vector<16xi32>
        %add3A_349 = arith.addi %and3A_347, %add3A_348 : vector<16xi32>
        %swap3A_350 = arith.constant 80 : index
        %swap3A_351 = tpu.vector_load %arg6[%swap3A_350] {strides = array<i32>} : memref<128xi32, #tpu.memory_space<vmem>>, vector<16xi32>,
        %swap3A_352 = vector.shape_cast %swap3A_351 : vector<16xi32> to vector<16xi32>
        %swap3A_353 = vector.shape_cast %add3A_349 : vector<16xi32> to vector<16xi32>
        tpu.vector_store %arg6[%swap3A_350], %swap3A_353 {strides = array<i32>} : memref<128xi32, #tpu.memory_space<vmem>>, vector<16xi32>,
        %shift_right_arithmetic3A_354 = arith.constant 16 : i32
        %shift_right_arithmetic3A_355 = vector.broadcast %shift_right_arithmetic3A_354 : i32 to vector<16xi32>
        %shift_right_arithmetic3A_356 = arith.shrsi %get3A_344, %shift_right_arithmetic3A_355 : vector<16xi32>
        %swap3A_357 = arith.constant 80 : index
        %swap3A_358 = tpu.vector_load %arg8[%swap3A_357] {strides = array<i32>} : memref<128xi32, #tpu.memory_space<vmem>>, vector<16xi32>,
        %swap3A_359 = vector.shape_cast %swap3A_358 : vector<16xi32> to vector<16xi32>
        %swap3A_360 = vector.shape_cast %shift_right_arithmetic3A_356 : vector<16xi32> to vector<16xi32>
        tpu.vector_store %arg8[%swap3A_357], %swap3A_360 {strides = array<i32>} : memref<128xi32, #tpu.memory_space<vmem>>, vector<16xi32>,
        %get3A_361 = arith.index_cast %add3A_240 : i32 to index
        %get3A_362 = arith.constant 96 : index
        %get3A_363 = tpu.vector_load %arg5[%get3A_361, %get3A_362] {strides = array<i32>} : memref<80x128xi32, #tpu.memory_space<vmem>>, vector<1x16xi32>,
        %get3A_364 = vector.shape_cast %get3A_363 : vector<1x16xi32> to vector<16xi32>
        %and3A_365 = arith.constant 65535 : i32
        %and3A_366 = vector.broadcast %and3A_365 : i32 to vector<16xi32>
        %and3A_367 = arith.andi %get3A_364, %and3A_366 : vector<16xi32>
        %add3A_368 = vector.broadcast %mul3A_0 : i32 to vector<16xi32>
        %add3A_369 = arith.addi %and3A_367, %add3A_368 : vector<16xi32>
        %swap3A_370 = arith.constant 96 : index
        %swap3A_371 = tpu.vector_load %arg6[%swap3A_370] {strides = array<i32>} : memref<128xi32, #tpu.memory_space<vmem>>, vector<16xi32>,
        %swap3A_372 = vector.shape_cast %swap3A_371 : vector<16xi32> to vector<16xi32>
        %swap3A_373 = vector.shape_cast %add3A_369 : vector<16xi32> to vector<16xi32>
        tpu.vector_store %arg6[%swap3A_370], %swap3A_373 {strides = array<i32>} : memref<128xi32, #tpu.memory_space<vmem>>, vector<16xi32>,
        %shift_right_arithmetic3A_374 = arith.constant 16 : i32
        %shift_right_arithmetic3A_375 = vector.broadcast %shift_right_arithmetic3A_374 : i32 to vector<16xi32>
        %shift_right_arithmetic3A_376 = arith.shrsi %get3A_364, %shift_right_arithmetic3A_375 : vector<16xi32>
        %swap3A_377 = arith.constant 96 : index
        %swap3A_378 = tpu.vector_load %arg8[%swap3A_377] {strides = array<i32>} : memref<128xi32, #tpu.memory_space<vmem>>, vector<16xi32>,
        %swap3A_379 = vector.shape_cast %swap3A_378 : vector<16xi32> to vector<16xi32>
        %swap3A_380 = vector.shape_cast %shift_right_arithmetic3A_376 : vector<16xi32> to vector<16xi32>
        tpu.vector_store %arg8[%swap3A_377], %swap3A_380 {strides = array<i32>} : memref<128xi32, #tpu.memory_space<vmem>>, vector<16xi32>,
        %get3A_381 = arith.index_cast %add3A_240 : i32 to index
        %get3A_382 = arith.constant 112 : index
        %get3A_383 = tpu.vector_load %arg5[%get3A_381, %get3A_382] {strides = array<i32>} : memref<80x128xi32, #tpu.memory_space<vmem>>, vector<1x16xi32>,
        %get3A_384 = vector.shape_cast %get3A_383 : vector<1x16xi32> to vector<16xi32>
        %and3A_385 = arith.constant 65535 : i32
        %and3A_386 = vector.broadcast %and3A_385 : i32 to vector<16xi32>
        %and3A_387 = arith.andi %get3A_384, %and3A_386 : vector<16xi32>
        %add3A_388 = vector.broadcast %mul3A_0 : i32 to vector<16xi32>
        %add3A_389 = arith.addi %and3A_387, %add3A_388 : vector<16xi32>
        %swap3A_390 = arith.constant 112 : index
        %swap3A_391 = tpu.vector_load %arg6[%swap3A_390] {strides = array<i32>} : memref<128xi32, #tpu.memory_space<vmem>>, vector<16xi32>,
        %swap3A_392 = vector.shape_cast %swap3A_391 : vector<16xi32> to vector<16xi32>
        %swap3A_393 = vector.shape_cast %add3A_389 : vector<16xi32> to vector<16xi32>
        tpu.vector_store %arg6[%swap3A_390], %swap3A_393 {strides = array<i32>} : memref<128xi32, #tpu.memory_space<vmem>>, vector<16xi32>,
        %shift_right_arithmetic3A_394 = arith.constant 16 : i32
        %shift_right_arithmetic3A_395 = vector.broadcast %shift_right_arithmetic3A_394 : i32 to vector<16xi32>
        %shift_right_arithmetic3A_396 = arith.shrsi %get3A_384, %shift_right_arithmetic3A_395 : vector<16xi32>
        %swap3A_397 = arith.constant 112 : index
        %swap3A_398 = tpu.vector_load %arg8[%swap3A_397] {strides = array<i32>} : memref<128xi32, #tpu.memory_space<vmem>>, vector<16xi32>,
        %swap3A_399 = vector.shape_cast %swap3A_398 : vector<16xi32> to vector<16xi32>
        %swap3A_400 = vector.shape_cast %shift_right_arithmetic3A_396 : vector<16xi32> to vector<16xi32>
        tpu.vector_store %arg8[%swap3A_397], %swap3A_400 {strides = array<i32>} : memref<128xi32, #tpu.memory_space<vmem>>, vector<16xi32>,
        %dma_start3A_401 = arith.constant 0 : i32
        %dma_start3A_402 = arith.constant 0 : i32
        %dma_start3A_403 = tpu.memref_slice %arg2[%dma_start3A_401, %dma_start3A_402] : memref<20480x128xf32, #tpu.memory_space<hbm>> -> memref<20480x128xf32, #tpu.memory_space<hbm>>
        tpu.enqueue_indirect_dma source(%dma_start3A_403 : memref<20480x128xf32, #tpu.memory_space<hbm>>) target(%arg10 : memref<128x128xf32, #tpu.memory_space<vmem>>) offsets(%arg6 : memref<128xi32, #tpu.memory_space<vmem>>) semaphore(%arg13 : memref<!tpu.dma_semaphore, #tpu.memory_space<semaphore_mem>>)
      } else {
      }
      %dma_wait3A_226 = arith.constant 0 : i32
      %dma_wait3A_227 = arith.constant 0 : i32
      %dma_wait3A_228 = tpu.memref_slice %arg2[%dma_wait3A_226, %dma_wait3A_227] : memref<20480x128xf32, #tpu.memory_space<hbm>> -> memref<20480x128xf32, #tpu.memory_space<hbm>>
      tpu.wait_indirect_dma semaphore(%arg14 : memref<!tpu.dma_semaphore, #tpu.memory_space<semaphore_mem>>) src(%dma_wait3A_228 : memref<20480x128xf32, #tpu.memory_space<hbm>>) dst(%arg11 : memref<128x128xf32, #tpu.memory_space<vmem>>)
      %dma_start3A_229 = arith.constant 0 : i32
      %dma_start3A_230 = arith.constant 0 : i32
      %dma_start3A_231 = tpu.memref_slice %arg12[%dma_start3A_229, %dma_start3A_230] : memref<10240x128xf32, #tpu.memory_space<vmem_shared>> -> memref<10240x128xf32, #tpu.memory_space<vmem_shared>>
      tpu.enqueue_indirect_dma source(%arg11 : memref<128x128xf32, #tpu.memory_space<vmem>>) target(%dma_start3A_231 : memref<10240x128xf32, #tpu.memory_space<vmem_shared>>) offsets(%arg9 : memref<128xi32, #tpu.memory_space<vmem>>) semaphore(%arg16 : memref<!tpu.dma_semaphore, #tpu.memory_space<semaphore_mem>>) {add = true}
      %scan3A_232 = arith.constant 0 : i32
      scf.yield %scan3A_232 : i32
    }
    %scan3A_187 = arith.constant 40 : i32
    %dma_wait3A = arith.constant 0 : i32
    %dma_wait3A_188 = arith.constant 0 : i32
    %dma_wait3A_189 = tpu.memref_slice %arg12[%dma_wait3A, %dma_wait3A_188] : memref<10240x128xf32, #tpu.memory_space<vmem_shared>> -> memref<10240x128xf32, #tpu.memory_space<vmem_shared>>
    tpu.wait_indirect_dma semaphore(%arg15 : memref<!tpu.dma_semaphore, #tpu.memory_space<semaphore_mem>>) src(%arg10 : memref<128x128xf32, #tpu.memory_space<vmem>>) dst(%dma_wait3A_189 : memref<10240x128xf32, #tpu.memory_space<vmem_shared>>)
    %dma_wait3A_190 = arith.constant 0 : i32
    %dma_wait3A_191 = arith.constant 0 : i32
    %dma_wait3A_192 = tpu.memref_slice %arg12[%dma_wait3A_190, %dma_wait3A_191] : memref<10240x128xf32, #tpu.memory_space<vmem_shared>> -> memref<10240x128xf32, #tpu.memory_space<vmem_shared>>
    tpu.wait_indirect_dma semaphore(%arg16 : memref<!tpu.dma_semaphore, #tpu.memory_space<semaphore_mem>>) src(%arg11 : memref<128x128xf32, #tpu.memory_space<vmem>>) dst(%dma_wait3A_192 : memref<10240x128xf32, #tpu.memory_space<vmem_shared>>)
    %barrier3A_193 = arith.constant 0 : index
    tpu.barrier barrier_id(%barrier3A_193)
    %mul3A_194 = arith.constant 640 : i32
    %mul3A_195 = arith.muli %arg1, %mul3A_194 : i32
    %mul3A_196 = arith.constant 10240 : i32
    %mul3A_197 = arith.muli %arg0, %mul3A_196 : i32
    %add3A_198 = arith.addi %mul3A_197, %mul3A_195 : i32
    "tpu.region"() ({
      %run_scoped3A = tpu.sem_alloc : memref<!tpu.dma_semaphore, #tpu.memory_space<semaphore_mem>>
      %dma_start3A_199 = arith.constant 0 : i32
      %dma_start3A_200 = tpu.memref_slice %arg4[%add3A_198, %dma_start3A_199] : memref<20480x128xf32, #tpu.memory_space<hbm>> -> memref<640x128xf32, #tpu.memory_space<hbm>>
      %dma_start3A_201 = arith.constant 0 : i32
      %dma_start3A_202 = tpu.memref_slice %arg12[%mul3A_195, %dma_start3A_201] : memref<10240x128xf32, #tpu.memory_space<vmem_shared>> -> memref<640x128xf32, #tpu.memory_space<vmem_shared>>
      tpu.enqueue_dma source(%dma_start3A_202 : memref<640x128xf32, #tpu.memory_space<vmem_shared>>) target(%dma_start3A_200 : memref<640x128xf32, #tpu.memory_space<hbm>>) target_semaphore(%run_scoped3A : memref<!tpu.dma_semaphore, #tpu.memory_space<semaphore_mem>>)
      %dma_wait3A_203 = arith.constant 0 : i32
      %dma_wait3A_204 = tpu.memref_slice %arg4[%add3A_198, %dma_wait3A_203] : memref<20480x128xf32, #tpu.memory_space<hbm>> -> memref<640x128xf32, #tpu.memory_space<hbm>>
      %dma_wait3A_205 = arith.constant 0 : i32
      %dma_wait3A_206 = tpu.memref_slice %arg12[%mul3A_195, %dma_wait3A_205] : memref<10240x128xf32, #tpu.memory_space<vmem_shared>> -> memref<640x128xf32, #tpu.memory_space<vmem_shared>>
      tpu.wait_dma2 semaphore(%run_scoped3A : memref<!tpu.dma_semaphore, #tpu.memory_space<semaphore_mem>>) src(%dma_wait3A_206 : memref<640x128xf32, #tpu.memory_space<vmem_shared>>) dst(%dma_wait3A_204 : memref<640x128xf32, #tpu.memory_space<hbm>>)
      tpu.yield
    }) : () -> ()
    return
  }
}

module attributes {stable_mosaic.version = 14 : i64} {
  func.func @_mlp_body(%arg0: i32, %arg1: memref<2x1024x128xf32, #tpu.memory_space<vmem>>, %arg2: memref<2x128x128xf32, #tpu.memory_space<vmem>>, %arg3: memref<2x1x128xf32, #tpu.memory_space<vmem>>, %arg4: memref<2x128x128xf32, #tpu.memory_space<vmem>>, %arg5: memref<2x1x128xf32, #tpu.memory_space<vmem>>, %arg6: memref<2x1024x128xf32, #tpu.memory_space<vmem>>, %arg7: memref<2x1024x128xf32, #tpu.memory_space<vmem>>, %arg8: memref<2x1024x128xf32, #tpu.memory_space<vmem>>, %arg9: memref<2x1024x128xf32, #tpu.memory_space<vmem>>) attributes {dimension_semantics = [#tpu.dimension_semantics<arbitrary>], iteration_bounds = array<i64: 10>, scalar_prefetch = 0 : i64, scratch_operands = 0 : i64, tpu.core_type = #tpu.core_type<tc>, window_params = [{transform_indices = @transform_0, window_bounds = array<i64: 2, 1024, 128>}, {pipeline_mode = #tpu.pipeline_mode<synchronous>, transform_indices = @transform_1, window_bounds = array<i64: 2, 128, 128>}, {pipeline_mode = #tpu.pipeline_mode<synchronous>, transform_indices = @transform_2, window_bounds = array<i64: 2, 1, 128>}, {pipeline_mode = #tpu.pipeline_mode<synchronous>, transform_indices = @transform_3, window_bounds = array<i64: 2, 128, 128>}, {pipeline_mode = #tpu.pipeline_mode<synchronous>, transform_indices = @transform_4, window_bounds = array<i64: 2, 1, 128>}, {transform_indices = @transform_5, window_bounds = array<i64: 2, 1024, 128>}, {transform_indices = @transform_6, window_bounds = array<i64: 2, 1024, 128>}, {transform_indices = @transform_7, window_bounds = array<i64: 2, 1024, 128>}, {transform_indices = @transform_8, window_bounds = array<i64: 2, 1024, 128>}]} {
    %get3A = arith.constant 0 : index
    %get3A_0 = arith.constant 0 : index
    %get3A_1 = arith.constant 0 : index
    %get3A_2 = vector.load %arg1[%get3A, %get3A_0, %get3A_1] : memref<2x1024x128xf32, #tpu.memory_space<vmem>>, vector<1x1024x128xf32>
    %get3A_3 = vector.shape_cast %get3A_2 : vector<1x1024x128xf32> to vector<1024x128xf32>
    %get3A_4 = arith.constant 0 : index
    %get3A_5 = arith.constant 0 : index
    %get3A_6 = arith.constant 0 : index
    %get3A_7 = vector.load %arg2[%get3A_4, %get3A_5, %get3A_6] : memref<2x128x128xf32, #tpu.memory_space<vmem>>, vector<1x128x128xf32>
    %get3A_8 = vector.shape_cast %get3A_7 : vector<1x128x128xf32> to vector<128x128xf32>
    %dot_general3A = arith.constant dense<0.000000e+00> : vector<1024x128xf32>
    %dot_general3A_9 = tpu.matmul %get3A_3, %get3A_8, %dot_general3A {dimension_numbers = #tpu.dot_dimension_numbers<[1], [1], [0], [0], [0, 0, 1, 0], [], []>, transpose_lhs_hint = false} : vector<1024x128xf32>, vector<128x128xf32>, vector<1024x128xf32> -> vector<1024x128xf32>
    %get3A_10 = arith.constant 0 : index
    %get3A_11 = arith.constant 0 : index
    %get3A_12 = arith.constant 0 : index
    %get3A_13 = vector.load %arg3[%get3A_10, %get3A_11, %get3A_12] : memref<2x1x128xf32, #tpu.memory_space<vmem>>, vector<1x1x128xf32>
    %get3A_14 = vector.shape_cast %get3A_13 : vector<1x1x128xf32> to vector<1x128xf32>
    %add3A = vector.broadcast %get3A_14 : vector<1x128xf32> to vector<1024x128xf32>
    %add3A_15 = arith.addf %dot_general3A_9, %add3A : vector<1024x128xf32>
    %ge3A = arith.constant 0.000000e+00 : f32
    %ge3A_16 = vector.broadcast %ge3A : f32 to vector<1024x128xf32>
    %ge3A_17 = arith.cmpf oge, %add3A_15, %ge3A_16 : vector<1024x128xf32>
    %mul3A = arith.constant 0.00999999977 : f32
    %mul3A_18 = vector.broadcast %mul3A : f32 to vector<1024x128xf32>
    %mul3A_19 = arith.mulf %mul3A_18, %add3A_15 : vector<1024x128xf32>
    %select_n3A = arith.select %ge3A_17, %add3A_15, %mul3A_19 : vector<1024x128xi1>, vector<1024x128xf32>
    %get3A_20 = arith.constant 0 : index
    %get3A_21 = arith.constant 0 : index
    %get3A_22 = arith.constant 0 : index
    %get3A_23 = vector.load %arg4[%get3A_20, %get3A_21, %get3A_22] : memref<2x128x128xf32, #tpu.memory_space<vmem>>, vector<1x128x128xf32>
    %get3A_24 = vector.shape_cast %get3A_23 : vector<1x128x128xf32> to vector<128x128xf32>
    %dot_general3A_25 = arith.constant dense<0.000000e+00> : vector<1024x128xf32>
    %dot_general3A_26 = tpu.matmul %select_n3A, %get3A_24, %dot_general3A_25 {dimension_numbers = #tpu.dot_dimension_numbers<[1], [1], [0], [0], [0, 0, 1, 0], [], []>, transpose_lhs_hint = false} : vector<1024x128xf32>, vector<128x128xf32>, vector<1024x128xf32> -> vector<1024x128xf32>
    %get3A_27 = arith.constant 0 : index
    %get3A_28 = arith.constant 0 : index
    %get3A_29 = arith.constant 0 : index
    %get3A_30 = vector.load %arg5[%get3A_27, %get3A_28, %get3A_29] : memref<2x1x128xf32, #tpu.memory_space<vmem>>, vector<1x1x128xf32>
    %get3A_31 = vector.shape_cast %get3A_30 : vector<1x1x128xf32> to vector<1x128xf32>
    %add3A_32 = vector.broadcast %get3A_31 : vector<1x128xf32> to vector<1024x128xf32>
    %add3A_33 = arith.addf %dot_general3A_26, %add3A_32 : vector<1024x128xf32>
    %ge3A_34 = arith.constant 0.000000e+00 : f32
    %ge3A_35 = vector.broadcast %ge3A_34 : f32 to vector<1024x128xf32>
    %ge3A_36 = arith.cmpf oge, %add3A_33, %ge3A_35 : vector<1024x128xf32>
    %mul3A_37 = arith.constant 0.00999999977 : f32
    %mul3A_38 = vector.broadcast %mul3A_37 : f32 to vector<1024x128xf32>
    %mul3A_39 = arith.mulf %mul3A_38, %add3A_33 : vector<1024x128xf32>
    %select_n3A_40 = arith.select %ge3A_36, %add3A_33, %mul3A_39 : vector<1024x128xi1>, vector<1024x128xf32>
    %get3A_41 = arith.constant 0 : index
    %get3A_42 = arith.constant 0 : index
    %get3A_43 = arith.constant 0 : index
    %get3A_44 = vector.load %arg6[%get3A_41, %get3A_42, %get3A_43] : memref<2x1024x128xf32, #tpu.memory_space<vmem>>, vector<1x1024x128xf32>
    %get3A_45 = vector.shape_cast %get3A_44 : vector<1x1024x128xf32> to vector<1024x128xf32>
    %max3A = arith.constant 1.000000e+00 : f32
    %max3A_46 = vector.broadcast %max3A : f32 to vector<1024x128xf32>
    %max3A_47 = arith.maximumf %get3A_45, %max3A_46 : vector<1024x128xf32>
    %rsqrt3A = math.rsqrt %max3A_47 : vector<1024x128xf32>
    %swap3A = arith.constant 0 : index
    %swap3A_48 = arith.constant 0 : index
    %swap3A_49 = arith.constant 0 : index
    %swap3A_50 = vector.load %arg7[%swap3A, %swap3A_48, %swap3A_49] : memref<2x1024x128xf32, #tpu.memory_space<vmem>>, vector<1x1024x128xf32>
    %swap3A_51 = vector.shape_cast %swap3A_50 : vector<1x1024x128xf32> to vector<1024x128xf32>
    %swap3A_52 = vector.shape_cast %select_n3A_40 : vector<1024x128xf32> to vector<1x1024x128xf32>
    tpu.vector_store %arg7[%swap3A, %swap3A_48, %swap3A_49], %swap3A_52 {strides = array<i32>} : memref<2x1024x128xf32, #tpu.memory_space<vmem>>, vector<1x1024x128xf32>,
    %mul3A_53 = arith.mulf %select_n3A_40, %rsqrt3A : vector<1024x128xf32>
    %swap3A_54 = arith.constant 0 : index
    %swap3A_55 = arith.constant 0 : index
    %swap3A_56 = arith.constant 0 : index
    %swap3A_57 = vector.load %arg8[%swap3A_54, %swap3A_55, %swap3A_56] : memref<2x1024x128xf32, #tpu.memory_space<vmem>>, vector<1x1024x128xf32>
    %swap3A_58 = vector.shape_cast %swap3A_57 : vector<1x1024x128xf32> to vector<1024x128xf32>
    %swap3A_59 = vector.shape_cast %mul3A_53 : vector<1024x128xf32> to vector<1x1024x128xf32>
    tpu.vector_store %arg8[%swap3A_54, %swap3A_55, %swap3A_56], %swap3A_59 {strides = array<i32>} : memref<2x1024x128xf32, #tpu.memory_space<vmem>>, vector<1x1024x128xf32>,
    %swap3A_60 = arith.constant 0 : index
    %swap3A_61 = arith.constant 0 : index
    %swap3A_62 = arith.constant 0 : index
    %swap3A_63 = vector.load %arg9[%swap3A_60, %swap3A_61, %swap3A_62] : memref<2x1024x128xf32, #tpu.memory_space<vmem>>, vector<1x1024x128xf32>
    %swap3A_64 = vector.shape_cast %swap3A_63 : vector<1x1024x128xf32> to vector<1024x128xf32>
    %swap3A_65 = vector.shape_cast %rsqrt3A : vector<1024x128xf32> to vector<1x1024x128xf32>
    tpu.vector_store %arg9[%swap3A_60, %swap3A_61, %swap3A_62], %swap3A_65 {strides = array<i32>} : memref<2x1024x128xf32, #tpu.memory_space<vmem>>, vector<1x1024x128xf32>,
    %get3A_66 = arith.constant 1 : index
    %get3A_67 = arith.constant 0 : index
    %get3A_68 = arith.constant 0 : index
    %get3A_69 = vector.load %arg1[%get3A_66, %get3A_67, %get3A_68] : memref<2x1024x128xf32, #tpu.memory_space<vmem>>, vector<1x1024x128xf32>
    %get3A_70 = vector.shape_cast %get3A_69 : vector<1x1024x128xf32> to vector<1024x128xf32>
    %get3A_71 = arith.constant 1 : index
    %get3A_72 = arith.constant 0 : index
    %get3A_73 = arith.constant 0 : index
    %get3A_74 = vector.load %arg2[%get3A_71, %get3A_72, %get3A_73] : memref<2x128x128xf32, #tpu.memory_space<vmem>>, vector<1x128x128xf32>
    %get3A_75 = vector.shape_cast %get3A_74 : vector<1x128x128xf32> to vector<128x128xf32>
    %dot_general3A_76 = arith.constant dense<0.000000e+00> : vector<1024x128xf32>
    %dot_general3A_77 = tpu.matmul %get3A_70, %get3A_75, %dot_general3A_76 {dimension_numbers = #tpu.dot_dimension_numbers<[1], [1], [0], [0], [0, 0, 1, 0], [], []>, transpose_lhs_hint = false} : vector<1024x128xf32>, vector<128x128xf32>, vector<1024x128xf32> -> vector<1024x128xf32>
    %get3A_78 = arith.constant 1 : index
    %get3A_79 = arith.constant 0 : index
    %get3A_80 = arith.constant 0 : index
    %get3A_81 = vector.load %arg3[%get3A_78, %get3A_79, %get3A_80] : memref<2x1x128xf32, #tpu.memory_space<vmem>>, vector<1x1x128xf32>
    %get3A_82 = vector.shape_cast %get3A_81 : vector<1x1x128xf32> to vector<1x128xf32>
    %add3A_83 = vector.broadcast %get3A_82 : vector<1x128xf32> to vector<1024x128xf32>
    %add3A_84 = arith.addf %dot_general3A_77, %add3A_83 : vector<1024x128xf32>
    %ge3A_85 = arith.constant 0.000000e+00 : f32
    %ge3A_86 = vector.broadcast %ge3A_85 : f32 to vector<1024x128xf32>
    %ge3A_87 = arith.cmpf oge, %add3A_84, %ge3A_86 : vector<1024x128xf32>
    %mul3A_88 = arith.constant 0.00999999977 : f32
    %mul3A_89 = vector.broadcast %mul3A_88 : f32 to vector<1024x128xf32>
    %mul3A_90 = arith.mulf %mul3A_89, %add3A_84 : vector<1024x128xf32>
    %select_n3A_91 = arith.select %ge3A_87, %add3A_84, %mul3A_90 : vector<1024x128xi1>, vector<1024x128xf32>
    %get3A_92 = arith.constant 1 : index
    %get3A_93 = arith.constant 0 : index
    %get3A_94 = arith.constant 0 : index
    %get3A_95 = vector.load %arg4[%get3A_92, %get3A_93, %get3A_94] : memref<2x128x128xf32, #tpu.memory_space<vmem>>, vector<1x128x128xf32>
    %get3A_96 = vector.shape_cast %get3A_95 : vector<1x128x128xf32> to vector<128x128xf32>
    %dot_general3A_97 = arith.constant dense<0.000000e+00> : vector<1024x128xf32>
    %dot_general3A_98 = tpu.matmul %select_n3A_91, %get3A_96, %dot_general3A_97 {dimension_numbers = #tpu.dot_dimension_numbers<[1], [1], [0], [0], [0, 0, 1, 0], [], []>, transpose_lhs_hint = false} : vector<1024x128xf32>, vector<128x128xf32>, vector<1024x128xf32> -> vector<1024x128xf32>
    %get3A_99 = arith.constant 1 : index
    %get3A_100 = arith.constant 0 : index
    %get3A_101 = arith.constant 0 : index
    %get3A_102 = vector.load %arg5[%get3A_99, %get3A_100, %get3A_101] : memref<2x1x128xf32, #tpu.memory_space<vmem>>, vector<1x1x128xf32>
    %get3A_103 = vector.shape_cast %get3A_102 : vector<1x1x128xf32> to vector<1x128xf32>
    %add3A_104 = vector.broadcast %get3A_103 : vector<1x128xf32> to vector<1024x128xf32>
    %add3A_105 = arith.addf %dot_general3A_98, %add3A_104 : vector<1024x128xf32>
    %ge3A_106 = arith.constant 0.000000e+00 : f32
    %ge3A_107 = vector.broadcast %ge3A_106 : f32 to vector<1024x128xf32>
    %ge3A_108 = arith.cmpf oge, %add3A_105, %ge3A_107 : vector<1024x128xf32>
    %mul3A_109 = arith.constant 0.00999999977 : f32
    %mul3A_110 = vector.broadcast %mul3A_109 : f32 to vector<1024x128xf32>
    %mul3A_111 = arith.mulf %mul3A_110, %add3A_105 : vector<1024x128xf32>
    %select_n3A_112 = arith.select %ge3A_108, %add3A_105, %mul3A_111 : vector<1024x128xi1>, vector<1024x128xf32>
    %get3A_113 = arith.constant 1 : index
    %get3A_114 = arith.constant 0 : index
    %get3A_115 = arith.constant 0 : index
    %get3A_116 = vector.load %arg6[%get3A_113, %get3A_114, %get3A_115] : memref<2x1024x128xf32, #tpu.memory_space<vmem>>, vector<1x1024x128xf32>
    %get3A_117 = vector.shape_cast %get3A_116 : vector<1x1024x128xf32> to vector<1024x128xf32>
    %max3A_118 = arith.constant 1.000000e+00 : f32
    %max3A_119 = vector.broadcast %max3A_118 : f32 to vector<1024x128xf32>
    %max3A_120 = arith.maximumf %get3A_117, %max3A_119 : vector<1024x128xf32>
    %rsqrt3A_121 = math.rsqrt %max3A_120 : vector<1024x128xf32>
    %swap3A_122 = arith.constant 1 : index
    %swap3A_123 = arith.constant 0 : index
    %swap3A_124 = arith.constant 0 : index
    %swap3A_125 = vector.load %arg7[%swap3A_122, %swap3A_123, %swap3A_124] : memref<2x1024x128xf32, #tpu.memory_space<vmem>>, vector<1x1024x128xf32>
    %swap3A_126 = vector.shape_cast %swap3A_125 : vector<1x1024x128xf32> to vector<1024x128xf32>
    %swap3A_127 = vector.shape_cast %select_n3A_112 : vector<1024x128xf32> to vector<1x1024x128xf32>
    tpu.vector_store %arg7[%swap3A_122, %swap3A_123, %swap3A_124], %swap3A_127 {strides = array<i32>} : memref<2x1024x128xf32, #tpu.memory_space<vmem>>, vector<1x1024x128xf32>,
    %mul3A_128 = arith.mulf %select_n3A_112, %rsqrt3A_121 : vector<1024x128xf32>
    %swap3A_129 = arith.constant 1 : index
    %swap3A_130 = arith.constant 0 : index
    %swap3A_131 = arith.constant 0 : index
    %swap3A_132 = vector.load %arg8[%swap3A_129, %swap3A_130, %swap3A_131] : memref<2x1024x128xf32, #tpu.memory_space<vmem>>, vector<1x1024x128xf32>
    %swap3A_133 = vector.shape_cast %swap3A_132 : vector<1x1024x128xf32> to vector<1024x128xf32>
    %swap3A_134 = vector.shape_cast %mul3A_128 : vector<1024x128xf32> to vector<1x1024x128xf32>
    tpu.vector_store %arg8[%swap3A_129, %swap3A_130, %swap3A_131], %swap3A_134 {strides = array<i32>} : memref<2x1024x128xf32, #tpu.memory_space<vmem>>, vector<1x1024x128xf32>,
    %swap3A_135 = arith.constant 1 : index
    %swap3A_136 = arith.constant 0 : index
    %swap3A_137 = arith.constant 0 : index
    %swap3A_138 = vector.load %arg9[%swap3A_135, %swap3A_136, %swap3A_137] : memref<2x1024x128xf32, #tpu.memory_space<vmem>>, vector<1x1024x128xf32>
    %swap3A_139 = vector.shape_cast %swap3A_138 : vector<1x1024x128xf32> to vector<1024x128xf32>
    %swap3A_140 = vector.shape_cast %rsqrt3A_121 : vector<1024x128xf32> to vector<1x1024x128xf32>
    tpu.vector_store %arg9[%swap3A_135, %swap3A_136, %swap3A_137], %swap3A_140 {strides = array<i32>} : memref<2x1024x128xf32, #tpu.memory_space<vmem>>, vector<1x1024x128xf32>,
    return
  }
  func.func @transform_0(%arg0: i32) -> (i32, i32, i32) {
    %c0_i32 = arith.constant 0 : i32
    %c0_i32_0 = arith.constant 0 : i32
    %c0_i32_1 = arith.constant 0 : i32
    return %c0_i32, %arg0, %c0_i32_0 : i32, i32, i32
  }
  func.func @transform_1(%arg0: i32) -> (i32, i32, i32) {
    %c0_i32 = arith.constant 0 : i32
    %c0_i32_0 = arith.constant 0 : i32
    %c0_i32_1 = arith.constant 0 : i32
    %c0_i32_2 = arith.constant 0 : i32
    return %c0_i32, %c0_i32_0, %c0_i32_1 : i32, i32, i32
  }
  func.func @transform_2(%arg0: i32) -> (i32, i32, i32) {
    %c0_i32 = arith.constant 0 : i32
    %c0_i32_0 = arith.constant 0 : i32
    %c0_i32_1 = arith.constant 0 : i32
    %c0_i32_2 = arith.constant 0 : i32
    return %c0_i32, %c0_i32_0, %c0_i32_1 : i32, i32, i32
  }
  func.func @transform_3(%arg0: i32) -> (i32, i32, i32) {
    %c0_i32 = arith.constant 0 : i32
    %c0_i32_0 = arith.constant 0 : i32
    %c0_i32_1 = arith.constant 0 : i32
    %c0_i32_2 = arith.constant 0 : i32
    return %c0_i32, %c0_i32_0, %c0_i32_1 : i32, i32, i32
  }
  func.func @transform_4(%arg0: i32) -> (i32, i32, i32) {
    %c0_i32 = arith.constant 0 : i32
    %c0_i32_0 = arith.constant 0 : i32
    %c0_i32_1 = arith.constant 0 : i32
    %c0_i32_2 = arith.constant 0 : i32
    return %c0_i32, %c0_i32_0, %c0_i32_1 : i32, i32, i32
  }
  func.func @transform_5(%arg0: i32) -> (i32, i32, i32) {
    %c0_i32 = arith.constant 0 : i32
    %c0_i32_0 = arith.constant 0 : i32
    %c0_i32_1 = arith.constant 0 : i32
    return %c0_i32, %arg0, %c0_i32_0 : i32, i32, i32
  }
  func.func @transform_6(%arg0: i32) -> (i32, i32, i32) {
    %c0_i32 = arith.constant 0 : i32
    %c0_i32_0 = arith.constant 0 : i32
    %c0_i32_1 = arith.constant 0 : i32
    return %c0_i32, %arg0, %c0_i32_0 : i32, i32, i32
  }
  func.func @transform_7(%arg0: i32) -> (i32, i32, i32) {
    %c0_i32 = arith.constant 0 : i32
    %c0_i32_0 = arith.constant 0 : i32
    %c0_i32_1 = arith.constant 0 : i32
    return %c0_i32, %arg0, %c0_i32_0 : i32, i32, i32
  }
  func.func @transform_8(%arg0: i32) -> (i32, i32, i32) {
    %c0_i32 = arith.constant 0 : i32
    %c0_i32_0 = arith.constant 0 : i32
    %c0_i32_1 = arith.constant 0 : i32
    return %c0_i32, %arg0, %c0_i32_0 : i32, i32, i32
  }
}

module attributes {stable_mosaic.version = 14 : i64} {
  func.func @_update_body(%arg0: i32, %arg1: memref<2x1024x128xf32, #tpu.memory_space<vmem>>, %arg2: memref<2x1024x128xf32, #tpu.memory_space<vmem>>, %arg3: memref<2x1024x128xf32, #tpu.memory_space<vmem>>, %arg4: memref<2x1024x128xf32, #tpu.memory_space<vmem>>, %arg5: memref<2x1024x128xf32, #tpu.memory_space<vmem>>) attributes {dimension_semantics = [#tpu.dimension_semantics<arbitrary>], iteration_bounds = array<i64: 10>, scalar_prefetch = 0 : i64, scratch_operands = 0 : i64, tpu.core_type = #tpu.core_type<tc>, window_params = [{transform_indices = @transform_0, window_bounds = array<i64: 2, 1024, 128>}, {transform_indices = @transform_1, window_bounds = array<i64: 2, 1024, 128>}, {transform_indices = @transform_2, window_bounds = array<i64: 2, 1024, 128>}, {transform_indices = @transform_3, window_bounds = array<i64: 2, 1024, 128>}, {transform_indices = @transform_4, window_bounds = array<i64: 2, 1024, 128>}]} {
    %get3A = arith.constant 0 : index
    %get3A_0 = arith.constant 0 : index
    %get3A_1 = arith.constant 0 : index
    %get3A_2 = vector.load %arg1[%get3A, %get3A_0, %get3A_1] : memref<2x1024x128xf32, #tpu.memory_space<vmem>>, vector<1x1024x128xf32>
    %get3A_3 = vector.shape_cast %get3A_2 : vector<1x1024x128xf32> to vector<1024x128xf32>
    %get3A_4 = arith.constant 0 : index
    %get3A_5 = arith.constant 0 : index
    %get3A_6 = arith.constant 0 : index
    %get3A_7 = vector.load %arg2[%get3A_4, %get3A_5, %get3A_6] : memref<2x1024x128xf32, #tpu.memory_space<vmem>>, vector<1x1024x128xf32>
    %get3A_8 = vector.shape_cast %get3A_7 : vector<1x1024x128xf32> to vector<1024x128xf32>
    %get3A_9 = arith.constant 0 : index
    %get3A_10 = arith.constant 0 : index
    %get3A_11 = arith.constant 0 : index
    %get3A_12 = vector.load %arg3[%get3A_9, %get3A_10, %get3A_11] : memref<2x1024x128xf32, #tpu.memory_space<vmem>>, vector<1x1024x128xf32>
    %get3A_13 = vector.shape_cast %get3A_12 : vector<1x1024x128xf32> to vector<1024x128xf32>
    %mul3A = arith.mulf %get3A_8, %get3A_13 : vector<1024x128xf32>
    %sub3A = arith.subf %get3A_3, %mul3A : vector<1024x128xf32>
    %swap3A = arith.constant 0 : index
    %swap3A_14 = arith.constant 0 : index
    %swap3A_15 = arith.constant 0 : index
    %swap3A_16 = vector.load %arg4[%swap3A, %swap3A_14, %swap3A_15] : memref<2x1024x128xf32, #tpu.memory_space<vmem>>, vector<1x1024x128xf32>
    %swap3A_17 = vector.shape_cast %swap3A_16 : vector<1x1024x128xf32> to vector<1024x128xf32>
    %swap3A_18 = vector.shape_cast %sub3A : vector<1024x128xf32> to vector<1x1024x128xf32>
    tpu.vector_store %arg4[%swap3A, %swap3A_14, %swap3A_15], %swap3A_18 {strides = array<i32>} : memref<2x1024x128xf32, #tpu.memory_space<vmem>>, vector<1x1024x128xf32>,
    %get3A_19 = arith.constant 0 : index
    %get3A_20 = arith.constant 0 : index
    %get3A_21 = arith.constant 0 : index
    %get3A_22 = vector.load %arg3[%get3A_19, %get3A_20, %get3A_21] : memref<2x1024x128xf32, #tpu.memory_space<vmem>>, vector<1x1024x128xf32>
    %get3A_23 = vector.shape_cast %get3A_22 : vector<1x1024x128xf32> to vector<1024x128xf32>
    %mul3A_24 = arith.mulf %sub3A, %get3A_23 : vector<1024x128xf32>
    %swap3A_25 = arith.constant 0 : index
    %swap3A_26 = arith.constant 0 : index
    %swap3A_27 = arith.constant 0 : index
    %swap3A_28 = vector.load %arg5[%swap3A_25, %swap3A_26, %swap3A_27] : memref<2x1024x128xf32, #tpu.memory_space<vmem>>, vector<1x1024x128xf32>
    %swap3A_29 = vector.shape_cast %swap3A_28 : vector<1x1024x128xf32> to vector<1024x128xf32>
    %swap3A_30 = vector.shape_cast %mul3A_24 : vector<1024x128xf32> to vector<1x1024x128xf32>
    tpu.vector_store %arg5[%swap3A_25, %swap3A_26, %swap3A_27], %swap3A_30 {strides = array<i32>} : memref<2x1024x128xf32, #tpu.memory_space<vmem>>, vector<1x1024x128xf32>,
    %get3A_31 = arith.constant 1 : index
    %get3A_32 = arith.constant 0 : index
    %get3A_33 = arith.constant 0 : index
    %get3A_34 = vector.load %arg1[%get3A_31, %get3A_32, %get3A_33] : memref<2x1024x128xf32, #tpu.memory_space<vmem>>, vector<1x1024x128xf32>
    %get3A_35 = vector.shape_cast %get3A_34 : vector<1x1024x128xf32> to vector<1024x128xf32>
    %get3A_36 = arith.constant 1 : index
    %get3A_37 = arith.constant 0 : index
    %get3A_38 = arith.constant 0 : index
    %get3A_39 = vector.load %arg2[%get3A_36, %get3A_37, %get3A_38] : memref<2x1024x128xf32, #tpu.memory_space<vmem>>, vector<1x1024x128xf32>
    %get3A_40 = vector.shape_cast %get3A_39 : vector<1x1024x128xf32> to vector<1024x128xf32>
    %get3A_41 = arith.constant 1 : index
    %get3A_42 = arith.constant 0 : index
    %get3A_43 = arith.constant 0 : index
    %get3A_44 = vector.load %arg3[%get3A_41, %get3A_42, %get3A_43] : memref<2x1024x128xf32, #tpu.memory_space<vmem>>, vector<1x1024x128xf32>
    %get3A_45 = vector.shape_cast %get3A_44 : vector<1x1024x128xf32> to vector<1024x128xf32>
    %mul3A_46 = arith.mulf %get3A_40, %get3A_45 : vector<1024x128xf32>
    %sub3A_47 = arith.subf %get3A_35, %mul3A_46 : vector<1024x128xf32>
    %swap3A_48 = arith.constant 1 : index
    %swap3A_49 = arith.constant 0 : index
    %swap3A_50 = arith.constant 0 : index
    %swap3A_51 = vector.load %arg4[%swap3A_48, %swap3A_49, %swap3A_50] : memref<2x1024x128xf32, #tpu.memory_space<vmem>>, vector<1x1024x128xf32>
    %swap3A_52 = vector.shape_cast %swap3A_51 : vector<1x1024x128xf32> to vector<1024x128xf32>
    %swap3A_53 = vector.shape_cast %sub3A_47 : vector<1024x128xf32> to vector<1x1024x128xf32>
    tpu.vector_store %arg4[%swap3A_48, %swap3A_49, %swap3A_50], %swap3A_53 {strides = array<i32>} : memref<2x1024x128xf32, #tpu.memory_space<vmem>>, vector<1x1024x128xf32>,
    %get3A_54 = arith.constant 1 : index
    %get3A_55 = arith.constant 0 : index
    %get3A_56 = arith.constant 0 : index
    %get3A_57 = vector.load %arg3[%get3A_54, %get3A_55, %get3A_56] : memref<2x1024x128xf32, #tpu.memory_space<vmem>>, vector<1x1024x128xf32>
    %get3A_58 = vector.shape_cast %get3A_57 : vector<1x1024x128xf32> to vector<1024x128xf32>
    %mul3A_59 = arith.mulf %sub3A_47, %get3A_58 : vector<1024x128xf32>
    %swap3A_60 = arith.constant 1 : index
    %swap3A_61 = arith.constant 0 : index
    %swap3A_62 = arith.constant 0 : index
    %swap3A_63 = vector.load %arg5[%swap3A_60, %swap3A_61, %swap3A_62] : memref<2x1024x128xf32, #tpu.memory_space<vmem>>, vector<1x1024x128xf32>
    %swap3A_64 = vector.shape_cast %swap3A_63 : vector<1x1024x128xf32> to vector<1024x128xf32>
    %swap3A_65 = vector.shape_cast %mul3A_59 : vector<1024x128xf32> to vector<1x1024x128xf32>
    tpu.vector_store %arg5[%swap3A_60, %swap3A_61, %swap3A_62], %swap3A_65 {strides = array<i32>} : memref<2x1024x128xf32, #tpu.memory_space<vmem>>, vector<1x1024x128xf32>,
    return
  }
  func.func @transform_0(%arg0: i32) -> (i32, i32, i32) {
    %c0_i32 = arith.constant 0 : i32
    %c0_i32_0 = arith.constant 0 : i32
    %c0_i32_1 = arith.constant 0 : i32
    return %c0_i32, %arg0, %c0_i32_0 : i32, i32, i32
  }
  func.func @transform_1(%arg0: i32) -> (i32, i32, i32) {
    %c0_i32 = arith.constant 0 : i32
    %c0_i32_0 = arith.constant 0 : i32
    %c0_i32_1 = arith.constant 0 : i32
    return %c0_i32, %arg0, %c0_i32_0 : i32, i32, i32
  }
  func.func @transform_2(%arg0: i32) -> (i32, i32, i32) {
    %c0_i32 = arith.constant 0 : i32
    %c0_i32_0 = arith.constant 0 : i32
    %c0_i32_1 = arith.constant 0 : i32
    return %c0_i32, %arg0, %c0_i32_0 : i32, i32, i32
  }
  func.func @transform_3(%arg0: i32) -> (i32, i32, i32) {
    %c0_i32 = arith.constant 0 : i32
    %c0_i32_0 = arith.constant 0 : i32
    %c0_i32_1 = arith.constant 0 : i32
    return %c0_i32, %arg0, %c0_i32_0 : i32, i32, i32
  }
  func.func @transform_4(%arg0: i32) -> (i32, i32, i32) {
    %c0_i32 = arith.constant 0 : i32
    %c0_i32_0 = arith.constant 0 : i32
    %c0_i32_1 = arith.constant 0 : i32
    return %c0_i32, %arg0, %c0_i32_0 : i32, i32, i32
  }
}

module attributes {stable_mosaic.version = 14 : i64} {
  func.func @_final_body(%arg0: i32, %arg1: memref<2x1024x128xf32, #tpu.memory_space<vmem>>, %arg2: memref<2x1024x128xf32, #tpu.memory_space<vmem>>, %arg3: memref<2x1024x128xf32, #tpu.memory_space<vmem>>, %arg4: memref<2x1024x128xf32, #tpu.memory_space<vmem>>, %arg5: memref<3x128x128xf32, #tpu.memory_space<vmem>>, %arg6: memref<1x128xf32, #tpu.memory_space<vmem>>, %arg7: memref<1024x128xf32, #tpu.memory_space<vmem>>) attributes {dimension_semantics = [#tpu.dimension_semantics<arbitrary>], iteration_bounds = array<i64: 10>, scalar_prefetch = 0 : i64, scratch_operands = 0 : i64, tpu.core_type = #tpu.core_type<tc>, window_params = [{transform_indices = @transform_0, window_bounds = array<i64: 2, 1024, 128>}, {transform_indices = @transform_1, window_bounds = array<i64: 2, 1024, 128>}, {transform_indices = @transform_2, window_bounds = array<i64: 2, 1024, 128>}, {transform_indices = @transform_3, window_bounds = array<i64: 2, 1024, 128>}, {pipeline_mode = #tpu.pipeline_mode<synchronous>, transform_indices = @transform_4, window_bounds = array<i64: 3, 128, 128>}, {pipeline_mode = #tpu.pipeline_mode<synchronous>, transform_indices = @transform_5, window_bounds = array<i64: 1, 128>}, {transform_indices = @transform_6, window_bounds = array<i64: 1024, 128>}]} {
    %get3A = arith.constant 0 : index
    %get3A_0 = arith.constant 0 : index
    %get3A_1 = vector.load %arg6[%get3A, %get3A_0] : memref<1x128xf32, #tpu.memory_space<vmem>>, vector<1x128xf32>
    %get3A_2 = vector.shape_cast %get3A_1 : vector<1x128xf32> to vector<128xf32>
    %mul3A = arith.constant 2.000000e+00 : f32
    %mul3A_3 = vector.broadcast %mul3A : f32 to vector<128xf32>
    %mul3A_4 = arith.mulf %mul3A_3, %get3A_2 : vector<128xf32>
    %broadcast_in_dim3A = vector.shape_cast %mul3A_4 : vector<128xf32> to vector<1x128xf32>
    %broadcast_in_dim3A_5 = vector.broadcast %broadcast_in_dim3A : vector<1x128xf32> to vector<1024x128xf32>
    %get3A_6 = arith.constant 0 : index
    %get3A_7 = arith.constant 0 : index
    %get3A_8 = arith.constant 0 : index
    %get3A_9 = vector.load %arg2[%get3A_6, %get3A_7, %get3A_8] : memref<2x1024x128xf32, #tpu.memory_space<vmem>>, vector<1x1024x128xf32>
    %get3A_10 = vector.shape_cast %get3A_9 : vector<1x1024x128xf32> to vector<1024x128xf32>
    %get3A_11 = arith.constant 0 : index
    %get3A_12 = arith.constant 0 : index
    %get3A_13 = arith.constant 0 : index
    %get3A_14 = vector.load %arg3[%get3A_11, %get3A_12, %get3A_13] : memref<2x1024x128xf32, #tpu.memory_space<vmem>>, vector<1x1024x128xf32>
    %get3A_15 = vector.shape_cast %get3A_14 : vector<1x1024x128xf32> to vector<1024x128xf32>
    %get3A_16 = arith.constant 0 : index
    %get3A_17 = arith.constant 0 : index
    %get3A_18 = arith.constant 0 : index
    %get3A_19 = vector.load %arg4[%get3A_16, %get3A_17, %get3A_18] : memref<2x1024x128xf32, #tpu.memory_space<vmem>>, vector<1x1024x128xf32>
    %get3A_20 = vector.shape_cast %get3A_19 : vector<1x1024x128xf32> to vector<1024x128xf32>
    %mul3A_21 = arith.mulf %get3A_15, %get3A_20 : vector<1024x128xf32>
    %sub3A = arith.subf %get3A_10, %mul3A_21 : vector<1024x128xf32>
    %get3A_22 = arith.constant 0 : index
    %get3A_23 = arith.constant 0 : index
    %get3A_24 = arith.constant 0 : index
    %get3A_25 = vector.load %arg1[%get3A_22, %get3A_23, %get3A_24] : memref<2x1024x128xf32, #tpu.memory_space<vmem>>, vector<1x1024x128xf32>
    %get3A_26 = vector.shape_cast %get3A_25 : vector<1x1024x128xf32> to vector<1024x128xf32>
    %get3A_27 = arith.constant 0 : index
    %get3A_28 = arith.constant 0 : index
    %get3A_29 = arith.constant 0 : index
    %get3A_30 = vector.load %arg5[%get3A_27, %get3A_28, %get3A_29] : memref<3x128x128xf32, #tpu.memory_space<vmem>>, vector<1x128x128xf32>
    %get3A_31 = vector.shape_cast %get3A_30 : vector<1x128x128xf32> to vector<128x128xf32>
    %dot_general3A = arith.constant dense<0.000000e+00> : vector<1024x128xf32>
    %dot_general3A_32 = tpu.matmul %get3A_26, %get3A_31, %dot_general3A {dimension_numbers = #tpu.dot_dimension_numbers<[1], [1], [0], [0], [0, 0, 1, 0], [], []>, transpose_lhs_hint = false} : vector<1024x128xf32>, vector<128x128xf32>, vector<1024x128xf32> -> vector<1024x128xf32>
    %add3A = arith.addf %broadcast_in_dim3A_5, %dot_general3A_32 : vector<1024x128xf32>
    %get3A_33 = arith.constant 1 : index
    %get3A_34 = arith.constant 0 : index
    %get3A_35 = arith.constant 0 : index
    %get3A_36 = vector.load %arg5[%get3A_33, %get3A_34, %get3A_35] : memref<3x128x128xf32, #tpu.memory_space<vmem>>, vector<1x128x128xf32>
    %get3A_37 = vector.shape_cast %get3A_36 : vector<1x128x128xf32> to vector<128x128xf32>
    %dot_general3A_38 = arith.constant dense<0.000000e+00> : vector<1024x128xf32>
    %dot_general3A_39 = tpu.matmul %get3A_10, %get3A_37, %dot_general3A_38 {dimension_numbers = #tpu.dot_dimension_numbers<[1], [1], [0], [0], [0, 0, 1, 0], [], []>, transpose_lhs_hint = false} : vector<1024x128xf32>, vector<128x128xf32>, vector<1024x128xf32> -> vector<1024x128xf32>
    %add3A_40 = arith.addf %add3A, %dot_general3A_39 : vector<1024x128xf32>
    %get3A_41 = arith.constant 2 : index
    %get3A_42 = arith.constant 0 : index
    %get3A_43 = arith.constant 0 : index
    %get3A_44 = vector.load %arg5[%get3A_41, %get3A_42, %get3A_43] : memref<3x128x128xf32, #tpu.memory_space<vmem>>, vector<1x128x128xf32>
    %get3A_45 = vector.shape_cast %get3A_44 : vector<1x128x128xf32> to vector<128x128xf32>
    %dot_general3A_46 = arith.constant dense<0.000000e+00> : vector<1024x128xf32>
    %dot_general3A_47 = tpu.matmul %sub3A, %get3A_45, %dot_general3A_46 {dimension_numbers = #tpu.dot_dimension_numbers<[1], [1], [0], [0], [0, 0, 1, 0], [], []>, transpose_lhs_hint = false} : vector<1024x128xf32>, vector<128x128xf32>, vector<1024x128xf32> -> vector<1024x128xf32>
    %add3A_48 = arith.addf %add3A_40, %dot_general3A_47 : vector<1024x128xf32>
    %get3A_49 = arith.constant 1 : index
    %get3A_50 = arith.constant 0 : index
    %get3A_51 = arith.constant 0 : index
    %get3A_52 = vector.load %arg2[%get3A_49, %get3A_50, %get3A_51] : memref<2x1024x128xf32, #tpu.memory_space<vmem>>, vector<1x1024x128xf32>
    %get3A_53 = vector.shape_cast %get3A_52 : vector<1x1024x128xf32> to vector<1024x128xf32>
    %get3A_54 = arith.constant 1 : index
    %get3A_55 = arith.constant 0 : index
    %get3A_56 = arith.constant 0 : index
    %get3A_57 = vector.load %arg3[%get3A_54, %get3A_55, %get3A_56] : memref<2x1024x128xf32, #tpu.memory_space<vmem>>, vector<1x1024x128xf32>
    %get3A_58 = vector.shape_cast %get3A_57 : vector<1x1024x128xf32> to vector<1024x128xf32>
    %get3A_59 = arith.constant 1 : index
    %get3A_60 = arith.constant 0 : index
    %get3A_61 = arith.constant 0 : index
    %get3A_62 = vector.load %arg4[%get3A_59, %get3A_60, %get3A_61] : memref<2x1024x128xf32, #tpu.memory_space<vmem>>, vector<1x1024x128xf32>
    %get3A_63 = vector.shape_cast %get3A_62 : vector<1x1024x128xf32> to vector<1024x128xf32>
    %mul3A_64 = arith.mulf %get3A_58, %get3A_63 : vector<1024x128xf32>
    %sub3A_65 = arith.subf %get3A_53, %mul3A_64 : vector<1024x128xf32>
    %get3A_66 = arith.constant 1 : index
    %get3A_67 = arith.constant 0 : index
    %get3A_68 = arith.constant 0 : index
    %get3A_69 = vector.load %arg1[%get3A_66, %get3A_67, %get3A_68] : memref<2x1024x128xf32, #tpu.memory_space<vmem>>, vector<1x1024x128xf32>
    %get3A_70 = vector.shape_cast %get3A_69 : vector<1x1024x128xf32> to vector<1024x128xf32>
    %get3A_71 = arith.constant 0 : index
    %get3A_72 = arith.constant 0 : index
    %get3A_73 = arith.constant 0 : index
    %get3A_74 = vector.load %arg5[%get3A_71, %get3A_72, %get3A_73] : memref<3x128x128xf32, #tpu.memory_space<vmem>>, vector<1x128x128xf32>
    %get3A_75 = vector.shape_cast %get3A_74 : vector<1x128x128xf32> to vector<128x128xf32>
    %dot_general3A_76 = arith.constant dense<0.000000e+00> : vector<1024x128xf32>
    %dot_general3A_77 = tpu.matmul %get3A_70, %get3A_75, %dot_general3A_76 {dimension_numbers = #tpu.dot_dimension_numbers<[1], [1], [0], [0], [0, 0, 1, 0], [], []>, transpose_lhs_hint = false} : vector<1024x128xf32>, vector<128x128xf32>, vector<1024x128xf32> -> vector<1024x128xf32>
    %add3A_78 = arith.addf %add3A_48, %dot_general3A_77 : vector<1024x128xf32>
    %get3A_79 = arith.constant 1 : index
    %get3A_80 = arith.constant 0 : index
    %get3A_81 = arith.constant 0 : index
    %get3A_82 = vector.load %arg5[%get3A_79, %get3A_80, %get3A_81] : memref<3x128x128xf32, #tpu.memory_space<vmem>>, vector<1x128x128xf32>
    %get3A_83 = vector.shape_cast %get3A_82 : vector<1x128x128xf32> to vector<128x128xf32>
    %dot_general3A_84 = arith.constant dense<0.000000e+00> : vector<1024x128xf32>
    %dot_general3A_85 = tpu.matmul %get3A_53, %get3A_83, %dot_general3A_84 {dimension_numbers = #tpu.dot_dimension_numbers<[1], [1], [0], [0], [0, 0, 1, 0], [], []>, transpose_lhs_hint = false} : vector<1024x128xf32>, vector<128x128xf32>, vector<1024x128xf32> -> vector<1024x128xf32>
    %add3A_86 = arith.addf %add3A_78, %dot_general3A_85 : vector<1024x128xf32>
    %get3A_87 = arith.constant 2 : index
    %get3A_88 = arith.constant 0 : index
    %get3A_89 = arith.constant 0 : index
    %get3A_90 = vector.load %arg5[%get3A_87, %get3A_88, %get3A_89] : memref<3x128x128xf32, #tpu.memory_space<vmem>>, vector<1x128x128xf32>
    %get3A_91 = vector.shape_cast %get3A_90 : vector<1x128x128xf32> to vector<128x128xf32>
    %dot_general3A_92 = arith.constant dense<0.000000e+00> : vector<1024x128xf32>
    %dot_general3A_93 = tpu.matmul %sub3A_65, %get3A_91, %dot_general3A_92 {dimension_numbers = #tpu.dot_dimension_numbers<[1], [1], [0], [0], [0, 0, 1, 0], [], []>, transpose_lhs_hint = false} : vector<1024x128xf32>, vector<128x128xf32>, vector<1024x128xf32> -> vector<1024x128xf32>
    %add3A_94 = arith.addf %add3A_86, %dot_general3A_93 : vector<1024x128xf32>
    %ge3A = arith.constant 0.000000e+00 : f32
    %ge3A_95 = vector.broadcast %ge3A : f32 to vector<1024x128xf32>
    %ge3A_96 = arith.cmpf oge, %add3A_94, %ge3A_95 : vector<1024x128xf32>
    %mul3A_97 = arith.constant 0.00999999977 : f32
    %mul3A_98 = vector.broadcast %mul3A_97 : f32 to vector<1024x128xf32>
    %mul3A_99 = arith.mulf %mul3A_98, %add3A_94 : vector<1024x128xf32>
    %select_n3A = arith.select %ge3A_96, %add3A_94, %mul3A_99 : vector<1024x128xi1>, vector<1024x128xf32>
    %swap3A = arith.constant 0 : index
    %swap3A_100 = arith.constant 0 : index
    %swap3A_101 = vector.load %arg7[%swap3A, %swap3A_100] : memref<1024x128xf32, #tpu.memory_space<vmem>>, vector<1024x128xf32>
    tpu.vector_store %arg7[%swap3A, %swap3A_100], %select_n3A {strides = array<i32>} : memref<1024x128xf32, #tpu.memory_space<vmem>>, vector<1024x128xf32>,
    return
  }
  func.func @transform_0(%arg0: i32) -> (i32, i32, i32) {
    %c0_i32 = arith.constant 0 : i32
    %c0_i32_0 = arith.constant 0 : i32
    %c0_i32_1 = arith.constant 0 : i32
    return %c0_i32, %arg0, %c0_i32_0 : i32, i32, i32
  }
  func.func @transform_1(%arg0: i32) -> (i32, i32, i32) {
    %c0_i32 = arith.constant 0 : i32
    %c0_i32_0 = arith.constant 0 : i32
    %c0_i32_1 = arith.constant 0 : i32
    return %c0_i32, %arg0, %c0_i32_0 : i32, i32, i32
  }
  func.func @transform_2(%arg0: i32) -> (i32, i32, i32) {
    %c0_i32 = arith.constant 0 : i32
    %c0_i32_0 = arith.constant 0 : i32
    %c0_i32_1 = arith.constant 0 : i32
    return %c0_i32, %arg0, %c0_i32_0 : i32, i32, i32
  }
  func.func @transform_3(%arg0: i32) -> (i32, i32, i32) {
    %c0_i32 = arith.constant 0 : i32
    %c0_i32_0 = arith.constant 0 : i32
    %c0_i32_1 = arith.constant 0 : i32
    return %c0_i32, %arg0, %c0_i32_0 : i32, i32, i32
  }
  func.func @transform_4(%arg0: i32) -> (i32, i32, i32) {
    %c0_i32 = arith.constant 0 : i32
    %c0_i32_0 = arith.constant 0 : i32
    %c0_i32_1 = arith.constant 0 : i32
    %c0_i32_2 = arith.constant 0 : i32
    return %c0_i32, %c0_i32_0, %c0_i32_1 : i32, i32, i32
  }
  func.func @transform_5(%arg0: i32) -> (i32, i32) {
    %c0_i32 = arith.constant 0 : i32
    %c0_i32_0 = arith.constant 0 : i32
    %c0_i32_1 = arith.constant 0 : i32
    return %c0_i32, %c0_i32_0 : i32, i32
  }
  func.func @transform_6(%arg0: i32) -> (i32, i32) {
    %c0_i32 = arith.constant 0 : i32
    %c0_i32_0 = arith.constant 0 : i32
    return %arg0, %c0_i32 : i32, i32
  }
}

</mosaic_0001>

<sc_bundles>
// kernel: kernel.11.cloned.1.call-start
scs
__scs_entry_jumppad:
0x0: {  	(pc) =	sbr.rel $0x88, $3  }
0x1: {  	(tag) =	ssettag $0x0;
	lr =	simm.s32 $0x1  }
0x2: {  	[smem:$0x3F93] =	sst lr;
	_ =	strace $0xD0000000  }
0x3: {  	_ = 	snop  }
0x4: {  	_ = 	snop  }
0x5: {  	_ = 	snop  }
0x6: {  	_ = 	snop  }
0x7: {  	_ = 	snop  }
__scs_overlays_trampoline_lowered:
0x8: {  	[smem:$0x3FA2] =	sst s0  }
0x9: {  	[smem:$0x3FA3] =	sst s1  }
0xa: {  	[smem:$0x3FA4] =	sst s2  }
0xb: {  	[smem:$0x3FA5] =	sst s3  }
0xc: {  	[smem:$0x3FA6] =	sst s4  }
0xd: {  	[smem:$0x3FA7] =	sst s5  }
0xe: {  	[smem:$0x3FA8] =	sst s6  }
0xf: {  	[smem:$0x3FA9] =	sst s7  }
0x10: {  	[smem:$0x3FAA] =	sst s8  }
0x11: {  	[smem:$0x3FAB] =	sst s9;
	s0 =	simm.s32 @!p0 $0x0  }
0x12: {  	s1 =	sld [smem:$0x3F91];
	s0 =	simm.s32 @p0 $0x1  }
0x13: {  	[smem:$0x3FAC] =	sst s0;
	s0 =	simm.s32 @!p1 $0x0  }
0x14: {  	s2 =	sld [smem:$0x3F90];
	s0 =	simm.s32 @p1 $0x1  }
0x15: {  	[smem:$0x3FAD] =	sst s0;
	s0 =	simm.s32 @!p2 $0x0  }
0x16: {  	s3 =	sld [smem:$0x3FDB];
	s0 =	simm.s32 @p2 $0x1  }
0x17: {  	s4 =	simm.s32 $0x1BF5;
	[smem:$0x3FAF] =	sst s0  }
0x18: {  	s0 =	sld [smem:$0x3F92];
	_ =	swait.ge [sflag:s4], $0x0  }
0x19: {  	s7 =	sld [smem:$0x3F93]  }
0x1a: {  	s8 =	sadd.s32 $0xFFFFE003, lr  }
0x1b: {  	s9 =	sadd.s32 $0xFFFFFEF7, lr;
	s5 =	simm.s32 $0xFFFFFFFF;
	p2 =	slt.u32 s8, $0xFFFFF086  }
0x1c: {  	p1 =	slt.u32 s9, $0xF7A;
	s5 =	simm.s32 @!p2 $0x0  }
0x1d: {  	s5 =	simm.s32 @p1 $0x1;
	p0 =	seq.s32 s7, s2  }
0x1e: {  	s7 =	smul.u32 @!p0 $0xF7A, s2;
	p2 =	seq.s32 @!p0 s5, $0x0  }
0x1f: {  	s9 =	smul.u32 $0xF7A, s1;
	s8 =	simm.s32 @!p0 $0x1BF5;
	p2 =	por !p2, p0  }
0x20: {  	[sflag:s8] =	ssyncset.s32 @!p0 $0xFFFFF086;
	s6 =	sadd.s32 @!p0 s3, s7;
	s7 =	simm.s32 @!p0 $0x108  }
0x21: {  	s3 =	sadd.s32 s3, s9;
	s6 =	sadd.s32 @!p0 $0x88, s6;
	s7 =	simm.s32 @p2 $0x1082  }
0x22: {  	[simem:s7], [sflag:s8] =	dma.local @!p0 [hbm:s6], $0xF7A  }
0x23: {  	s9 =	sor.u32 $0xD0000000, s2;
	s6 =	simm.s32 $0x108;
	_ =	swait.ge @!p0 [sflag:s8], $0x0  }
0x24: {  	s3 =	sadd.s32 $0x88, s3;
	s6 =	simm.s32 @!p1 $0x1082;
	[sflag:s4] =	ssyncset.s32 $0xFFFFF086  }
0x25: {  	[simem:s6], [sflag:s4] =	dma.local [hbm:s3], $0xF7A  }
0x26: {  	[smem:$0x3F93] =	sst s1;
	(tag) =	ssettag s2;
	_ =	strace s9  }
0x27: {  	s1 =	sld [smem:$0x3FA3]  }
0x28: {  	s2 =	sld [smem:$0x3FA4]  }
0x29: {  	s4 =	sld [smem:$0x3FA6]  }
0x2a: {  	p0 =	seq.s32 s5, $0x0;
	s5 =	sld [smem:$0x3FA7]  }
0x2b: {  	s6 =	sld [smem:$0x3FA8]  }
0x2c: {  	s7 =	sld [smem:$0x3FA9]  }
0x2d: {  	s3 =	simm.s32 $0x108;
	s8 =	sld [smem:$0x3FAA]  }
0x2e: {  	s3 =	simm.s32 @!p0 $0x1082;
	s9 =	sld [smem:$0x3FAB]  }
0x2f: {  	lr =	sadd.s32 s0, s3;
	s0 =	sld [smem:$0x3FA2]  }
0x30: {  	s3 =	sld [smem:$0x3FA5]  }
0x31: {  	[smem:$0x3FAE] =	sst s10  }
0x32: {  	s10 =	sld [smem:$0x3FAC];
	_ =	sdelay $0x3  }
0x33: {  	p0 =	seq.s32 s10, $0x1;
	s10 =	sld [smem:$0x3FAE];
	_ =	sdelay $0x3  }
0x34: {  	[smem:$0x3FAE] =	sst s10  }
0x35: {  	s10 =	sld [smem:$0x3FAD];
	_ =	sdelay $0x3  }
0x36: {  	p1 =	seq.s32 s10, $0x1;
	s10 =	sld [smem:$0x3FAE];
	_ =	sdelay $0x3  }
0x37: {  	[smem:$0x3FAE] =	sst s10  }
0x38: {  	s10 =	sld [smem:$0x3FAF]  }
0x39: {  	_ = 	snop;
	(pc) =	sbr.ind lr, $3  }
0x3a: {  	_ = 	snop  }
0x3b: {  	_ = 	snop  }
0x3c: {  	p2 =	seq.s32 s10, $0x1;
	s10 =	sld [smem:$0x3FAE]  }
0x3d: {  	_ =	shalt  }
0x3e: {  	_ =	shalt  }
0x3f: {  	_ =	shalt  }
0x40: {  	_ =	shalt  }
0x41: {  	_ =	shalt  }
0x42: {  	_ =	shalt  }
0x43: {  	_ =	shalt  }
0x44: {  	_ =	shalt  }
0x45: {  	_ =	shalt  }
0x46: {  	_ =	shalt  }
0x47: {  	_ =	shalt  }
0x48: {  	_ =	shalt  }
0x49: {  	_ =	shalt  }
0x4a: {  	_ =	shalt  }
0x4b: {  	_ =	shalt  }
0x4c: {  	_ =	shalt  }
0x4d: {  	_ =	shalt  }
0x4e: {  	_ =	shalt  }
0x4f: {  	_ =	shalt  }
0x50: {  	_ =	shalt  }
0x51: {  	_ =	shalt  }
0x52: {  	_ =	shalt  }
0x53: {  	_ =	shalt  }
0x54: {  	_ =	shalt  }
0x55: {  	_ =	shalt  }
0x56: {  	_ =	shalt  }
0x57: {  	_ =	shalt  }
0x58: {  	_ =	shalt  }
0x59: {  	_ =	shalt  }
0x5a: {  	_ =	shalt  }
0x5b: {  	_ =	shalt  }
0x5c: {  	_ =	shalt  }
0x5d: {  	_ =	shalt  }
0x5e: {  	_ =	shalt  }
0x5f: {  	_ =	shalt  }
0x60: {  	_ =	shalt  }
0x61: {  	_ =	shalt  }
0x62: {  	_ =	shalt  }
0x63: {  	_ =	shalt  }
0x64: {  	_ =	shalt  }
0x65: {  	_ =	shalt  }
0x66: {  	_ =	shalt  }
0x67: {  	_ =	shalt  }
0x68: {  	_ =	shalt  }
0x69: {  	_ =	shalt  }
0x6a: {  	_ =	shalt  }
0x6b: {  	_ =	shalt  }
0x6c: {  	_ =	shalt  }
0x6d: {  	_ =	shalt  }
0x6e: {  	_ =	shalt  }
0x6f: {  	_ =	shalt  }
0x70: {  	_ =	shalt  }
0x71: {  	_ =	shalt  }
0x72: {  	_ =	shalt  }
0x73: {  	_ =	shalt  }
0x74: {  	_ =	shalt  }
0x75: {  	_ =	shalt  }
0x76: {  	_ =	shalt  }
0x77: {  	_ =	shalt  }
0x78: {  	_ =	shalt  }
0x79: {  	_ =	shalt  }
0x7a: {  	_ =	shalt  }
0x7b: {  	_ =	shalt  }
0x7c: {  	_ =	shalt  }
0x7d: {  	_ =	shalt  }
0x7e: {  	_ =	shalt  }
0x7f: {  	_ =	shalt  }
0x80: {  	_ =	shalt  }
0x81: {  	_ =	shalt  }
0x82: {  	_ =	shalt  }
0x83: {  	_ =	shalt  }
0x84: {  	_ =	shalt  }
0x85: {  	_ =	shalt  }
0x86: {  	_ =	shalt  }
0x87: {  	_ =	shalt  }
.Lfunc_end0:
.L_simem_size_0:
called_computation.1_lowered:
.L_overlay_start_0:
0x88: {  	s2 =	sld [smem:$0x3FD9]  }
0x89: {  	s3 =	sld [smem:$0x3FFE];
	_ =	sdelay $0x1  }
0x8a: {  	s1 =	srdreg.scid  }
0x8b: {  	s0 =	sand.u32 $0x1, s1  }
0x8c: {  	s17 =	sshll.u32 s0, $0xA;
	s2 =	sadd.s32 s3, s2  }
0x8d: {  	s2 =	sadd.s32 s2, s17  }
0x8e: {  	[smem:$0x3FBA] =	sst s2  }
0x8f: {  	_ = 	snop  }
0x90: {  	s2 =	sld [smem:$0x3FD0];
	(tm) =	ssettm $0x1  }
0x91: {  	s18 =	sld [smem:$0x3FFB];
	_ =	sdelay $0x3  }
0x92: {  	_ =	strace s18  }
0x93: {  	s3 =	sld [smem:$0x3FFC];
	_ =	sdelay $0x3  }
0x94: {  	_ =	strace s3  }
0x95: {  	s3 =	sld [smem:$0x3FFD];
	_ =	sdelay $0x3  }
0x96: {  	_ =	strace s3  }
0x97: {  	_ =	strace $0x8FFFFFFF  }
0x98: {  	s19 =	sld [smem:$0x3FDB];
	_ =	sdelay $0x1  }
0x99: {  	s4 =	simm.s32 $_scs_section_size  }
0x9a: {  	s5 =	simm.s32 $_size__tile_overlayer_lowered;
	s6 =	simm.s32 $_tile_overlayer_lowered  }
0x9b: {  	s22 =	simm.s32 $0x1BFF;
	s21 =	sshll.u32 s6, $0x1;
	s3 =	sadd.s32 s4, s19  }
0x9c: {  	s7 =	simm.s32 $0x0;
	s20 =	sshll.u32 s5, $0x1;
	s5 =	sadd.s32 s21, s3  }
0x9d: {  	[timem:s7], [sflag:s22] =	dma.local [hbm:s5], s20  }
0x9e: {  	_ =	swait.ge [sflag:s22], s20  }
0x9f: {  	s4 =	ssub.s32 $0x0, s20;
	[sflag:s22] =	ssyncset.done $0x0  }
0xa0: {  	[sflag:s22] =	ssyncadd.s32 s4;
	_ =	sdelay $0x1  }
0xa1: {  	s23 =	simm.s32 $0x1B8B  }
0xa2: {  	_ =	swait.ge [sflag:s23], $0x1  }
0xa3: {  	[sflag:s23] =	ssyncset.done $0x0  }
0xa4: {  	s25 =	simm.s32 $0x1B8E;
	s24 =	sld [smem:$0x3FFE];
	[sflag:s23] =	ssyncadd.s32 $0xFFFFFFFF  }
0xa5: {  	s26 =	simm.s32 $execute0_lowered;
	[smem:$0x3FD2] =	sst s25  }
0xa6: {  	s5 =	sshll.u32 s26, $0x1;
	_ =	strace $0x80000049;
	[dreg:$0x1] =	wrdreg $0xFFFFFFFF  }
0xa7: {  	s28 =	simm.s32 $_size_execute0_lowered;
	s3 =	sadd.s32 s3, s5;
	[dreg:$0x0] =	wrdreg $0x0  }
0xa8: {  	s5 =	sshll.u32 s28, $0x1;
	[dreg:$0x2] =	wrdreg s3  }
0xa9: {  	[dreg:$0x3] =	wrdreg s5  }
0xaa: {  	[dreg:$0x4] =	wrdreg $0xC0  }
0xab: {  	_ =	task [dreg:s7], $0x5FFFF  }
0xac: {  	[dreg:$0x1] =	wrdreg $0xFFFFFFFF  }
0xad: {  	[dreg:$0x0] =	wrdreg $0x60  }
0xae: {  	[dreg:$0x2] =	wrdreg s24  }
0xaf: {  	[dreg:$0x3] =	wrdreg s2  }
0xb0: {  	[dreg:$0x4] =	wrdreg $0xAA000  }
0xb1: {  	[dreg:$0x5] =	wrdreg $0x9  }
0xb2: {  	_ =	task.clear_ibuf [dreg:s7], $0x6FFFF;
	_ =	strace $0x90000049  }
0xb3: {  	s29 =	simm.s32 $0x9;
	_ =	strace $0x8000004B  }
0xb4: {  	_ =	swait.ge [sflag:s29], $0x1  }
0xb5: {  	[sflag:s29] =	ssyncadd.s32 $0xFFFFFFFF  }
0xb6: {  	_ =	strace $0x9000004B  }
0xb7: {  	_ =	sfence  }
0xb8: {  	s30 =	sld [smem:$0x0];
	_ =	sdelay $0x2  }
0xb9: {  	s31 =	sshll.u32 s1, $0xD;
	s1 =	sshrl.u32 s1, $0x2  }
0xba: {  	s3 =	sand.u32 $0x4000, s31;
	s1 =	sadd.s32 s1, s30  }
0xbb: {  	s0 =	sor.u32 s3, s0;
	s1 =	sshll.u32 s1, $0x11  }
0xbc: {  	s0 =	sor.u32 s1, s0  }
0xbd: {  	s0 =	sadd.s32 $0x8F2B, s0  }
0xbe: {  	[sflag:s0] =	ssyncadd.remote.s32 $0x1  }
0xbf: {  	_ =	sfence.sel $0xFFFF  }
0xc0: {  	[dreg:$0x0] =	wrdreg $0xFFFFFFFF;
	(pc) =	sbr.abs _section_cstart, $3  }
0xc1: {  	[dreg:$0x1] =	wrdreg $0xFFFFFFFF  }
0xc2: {  	_ =	task.clear_ibuf [dreg:s7], $0x2FFFF;
	_ =	strace $0x9FFFFFFF  }
0xc3: {  	(tm) =	ssettm $0x7FFFFFFF  }
tec
execute0_lowered:
.L_overlay_start_1:
0x0: {  	(tag) =	ssettag $0x1  }
0x1: {  	s5 =	rddreg [dreg:$0x0]  }
0x2: {  	s6 =	rddreg [dreg:$0x1]  }
0x3: {  	s1 =	rddreg [dreg:$0x2];
	s2 =	srdreg.scid  }
0x4: {  	s0 =	rddreg [dreg:$0x3];
	s3 =	simm.s32 $0x0;
	s13 =	simm.s32 $0x5  }
0x5: {  	s14 =	simm.s32 $0x2A00;
	s15 =	simm.s32 $0x80;
	s16 =	simm.s32 $0x2800  }
0x6: {  	s17 =	simm.s32 $0x2880;
	s18 =	simm.s32 $0x6A00;
	s7 =	sand.u32 $0x1, s2  }
0x7: {  	s19 =	simm.s32 $0x1;
	s2 =	stileid.u32;
	s23 =	smul.u32 $0x2800, s7  }
0x8: {  	s20 =	simm.s32 $0x2900;
	s21 =	simm.s32 $0x2;
	s8 =	smul.u32 $0x280, s2  }
0x9: {  	s22 =	simm.s32 $0x2980;
	s24 =	simm.s32 $0x4;
	s9 =	smul.u32 $0x28000, s7  }
0xa: {  	s25 =	simm.s32 $0x0;
	[smem:$0x7FF] =	sst s3;
	s10 =	smul.u32 $0x2800, s2  }
0xb: {  	s4 =	sadd.s32 $0x3A00, s5;
	s7 =	ssub.s32 $0x2, s7;
	s11 =	smul.u32 $0x50000, s2  }
0xc: {  	_ =	strace $0x8000004A;
	s28 =	sshrl.u32 s7, $0x1;
	s8 =	sadd.s32 s8, s23  }
0xd: {  	s9 =	sadd.s32 s10, s9;
	s29 =	ssub.s32 s7, s28;
	s31 =	sshrl.u32 s11, $0x2  }
0xe: {  	v0 =	vmov s23;
	s23 =	simm.s32 $0x3;
	s8 =	sshll.u32 s8, $0x4;
	s30 =	sshrl.u32 s9, $0x3  }
0xf: {  	s8 =	sadd.s32 s8, s5;
	s5 =	sadd.s32 s6, s30;
	s6 =	sadd.s32 s31, s1  }
0x10: {  	s7 =	sadd.s32 $0xFDA00, s8;
	s8 =	smax.u32 s29, $0x1;
	s9 =	sadd.s32 $0x4000, s6  }
0x11: {  	v1 =	vimm.f32 $0.0e+00;
	s10 =	sadd.s32 $0x8000, s6;
	s11 =	sadd.s32 $0xC000, s6;
	s12 =	sadd.s32 $0x10000, s6  }
.LBB2_1:
0x12: {  	[tilespmem:s3], [sflag:$0x5] =	stream.linear.gather [hbm4b:s5+s3], $0x2800, $0x38;
	[tilespmem:$0x1EA00] =	vst v63  }
0x13: {  	_ =	swait.ge [sflag:s13], $0x2800  }
0x14: {  	[sflag:s13] =	ssyncset.done $0x0  }
0x15: {  	s26 =	simm.s32 $0x0;
	s28 =	simm.s32 $0x200;
	[sflag:s13] =	ssyncadd.s32 $0xFFFFD800  }
.LBB2_2:
0x16: {  	p0 =	sne.s32 s28, $0xFE00;
	[tilespmem:s26+$0x2A70] =	vst v1  }
0x17: {  	[tilespmem:s26+$0x2A00] =	vst v1  }
0x18: {  	[tilespmem:s26+$0x2A10] =	vst v1  }
.Ltmp0:
0x19: {  	[tilespmem:s26+$0x2A20] =	vst v1;
	(pc) =	sbr.rel @p0 .LBB2_2-.Ltmp0, $4  }
0x1a: {  	[tilespmem:s26+$0x2A30] =	vst v1  }
0x1b: {  	[tilespmem:s26+$0x2A40] =	vst v1  }
0x1c: {  	[tilespmem:s26+$0x2A50] =	vst v1  }
0x1d: {  	[tilespmem:s26+$0x2A60] =	vst v1;
	s26 =	sshra.s32 s28, $0x2;
	s28 =	sadd.s32 $0x200, s28  }
0x1e: {  	[tilespmem:s26+$0x2A70] =	vst v1  }
0x1f: {  	[tilespmem:s26+$0x2A00] =	vst v1  }
0x20: {  	[tilespmem:s26+$0x2A10] =	vst v1  }
0x21: {  	[tilespmem:s26+$0x2A20] =	vst v1  }
0x22: {  	[tilespmem:s26+$0x2A30] =	vst v1  }
0x23: {  	[tilespmem:s26+$0x2A40] =	vst v1  }
0x24: {  	[tilespmem:s26+$0x2A50] =	vst v1  }
0x25: {  	[tilespmem:s26+$0x2A60] =	vst v1  }
0x26: {  	[spmem:s6] =	stream.linear.scatter [tilespmem:s14], [sflag:$0x5], $0x4000, $0x38;
	[tilespmem:$0x1EA00] =	vst v63  }
0x27: {  	_ =	swait.ge [sflag:s13], $0x4000  }
0x28: {  	[sflag:s13] =	ssyncset.done $0x0  }
0x29: {  	[sflag:s13] =	ssyncadd.s32 $0xFFFFC000  }
0x2a: {  	[spmem:s9] =	stream.linear.scatter [tilespmem:s14], [sflag:$0x5], $0x4000, $0x38;
	[tilespmem:$0x1EA00] =	vst v63  }
0x2b: {  	_ =	swait.ge [sflag:s13], $0x4000  }
0x2c: {  	[sflag:s13] =	ssyncset.done $0x0  }
0x2d: {  	[sflag:s13] =	ssyncadd.s32 $0xFFFFC000  }
0x2e: {  	[spmem:s10] =	stream.linear.scatter [tilespmem:s14], [sflag:$0x5], $0x4000, $0x38;
	[tilespmem:$0x1EA00] =	vst v63  }
0x2f: {  	_ =	swait.ge [sflag:s13], $0x4000  }
0x30: {  	[sflag:s13] =	ssyncset.done $0x0  }
0x31: {  	[sflag:s13] =	ssyncadd.s32 $0xFFFFC000  }
0x32: {  	[spmem:s11] =	stream.linear.scatter [tilespmem:s14], [sflag:$0x5], $0x4000, $0x38;
	[tilespmem:$0x1EA00] =	vst v63  }
0x33: {  	_ =	swait.ge [sflag:s13], $0x4000  }
0x34: {  	[sflag:s13] =	ssyncset.done $0x0  }
0x35: {  	[sflag:s13] =	ssyncadd.s32 $0xFFFFC000  }
0x36: {  	[spmem:s12] =	stream.linear.scatter [tilespmem:s14], [sflag:$0x5], $0x4000, $0x38;
	[tilespmem:$0x1EA00] =	vst v63  }
0x37: {  	_ =	swait.ge [sflag:s13], $0x4000  }
0x38: {  	[sflag:s13] =	ssyncset.done $0x0  }
0x39: {  	[sflag:s13] =	ssyncadd.s32 $0xFFFFC000  }
0x3a: {  	[bflag:$0x0] =	sbarrier.arrive $0xFFFF  }
0x3b: {  	v2 =	vld [tilespmem:$0x0]  }
0x3c: {  	v3 =	vld [tilespmem:$0x10];
	_ =	sdelay $0x1  }
0x3d: {  	v4 =	vld [tilespmem:$0x20];
	_ =	sdelay $0x1  }
0x3e: {  	v6 =	vld [tilespmem:$0x30];
	v5 =	vand.u32 $0xFFFF, v2;
	v2 =	vshra.s32 v2, $0x10  }
0x3f: {  	v57 =	vand.u32 $0xFFFF, v3;
	v5 =	vadd.s32 v0, v5;
	[tilespmem:$0x2900] =	vst v2  }
0x40: {  	v58 =	vld [tilespmem:$0x40];
	v2 =	vadd.s32 v0, v57;
	[tilespmem:$0x2800] =	vst v5  }
0x41: {  	[tilespmem:$0x2810] =	vst v2;
	v2 =	vshra.s32 v3, $0x10;
	v3 =	vand.u32 $0xFFFF, v4  }
0x42: {  	[tilespmem:$0x2910] =	vst v2;
	v2 =	vadd.s32 v0, v3;
	v3 =	vld [tilespmem:$0x50]  }
0x43: {  	v59 =	vand.u32 $0xFFFF, v6;
	[tilespmem:$0x2820] =	vst v2;
	v2 =	vshra.s32 v4, $0x10  }
0x44: {  	v60 =	vld [tilespmem:$0x60];
	[tilespmem:$0x2920] =	vst v2;
	v2 =	vadd.s32 v0, v59  }
0x45: {  	v61 =	vand.u32 $0xFFFF, v58;
	[tilespmem:$0x2830] =	vst v2;
	v2 =	vshra.s32 v6, $0x10  }
0x46: {  	v62 =	vld [tilespmem:$0x70];
	[tilespmem:$0x2930] =	vst v2;
	v2 =	vadd.s32 v0, v61  }
0x47: {  	[tilespmem:$0x2840] =	vst v2;
	v2 =	vshra.s32 v58, $0x10;
	v63 =	vand.u32 $0xFFFF, v3  }
0x48: {  	[tilespmem:$0x2940] =	vst v2;
	v2 =	vadd.s32 v0, v63  }
0x49: {  	[tilespmem:$0x2850] =	vst v2;
	v2 =	vshra.s32 v3, $0x10;
	v3 =	vand.u32 $0xFFFF, v60  }
0x4a: {  	[tilespmem:$0x2950] =	vst v2;
	v2 =	vadd.s32 v0, v3  }
0x4b: {  	v3 =	vand.u32 $0xFFFF, v62;
	[tilespmem:$0x2860] =	vst v2;
	v2 =	vshra.s32 v60, $0x10  }
0x4c: {  	[tilespmem:$0x2960] =	vst v2;
	v2 =	vadd.s32 v0, v3  }
0x4d: {  	p0 =	por $0x1, $0x1;
	[tilespmem:$0x2870] =	vst v2;
	v2 =	vshra.s32 v62, $0x10  }
0x4e: {  	s26 =	simm.s32 @!p0 $0x4;
	[tilespmem:$0x2970] =	vst v2  }
0x4f: {  	[tilespmem:s14], [sflag:$0x1] =	stream.indirect.gather [hbm4b:s4+s15], $0x80, s16, s15, $0xb8;
	[tilespmem:$0x1EA00] =	vst v63  }
0x50: {  	_ =	swait.ge @!p0 [sflag:s26], $0x4000  }
0x51: {  	[sflag:s26] =	ssyncset.done @!p0 $0x0  }
0x52: {  	s28 =	simm.s32 $0x0;
	[sflag:s26] =	ssyncadd.s32 @!p0 $0xFFFFC000  }
0x53: {  	v2 =	vld [tilespmem:s28+$0x80];
	_ =	sdelay $0x4  }
0x54: {  	v3 =	vand.u32 $0xFFFF, v2;
	v2 =	vshra.s32 v2, $0x10  }
0x55: {  	v3 =	vadd.s32 v0, v3;
	[tilespmem:$0x2980] =	vst v2  }
0x56: {  	[tilespmem:$0x2880] =	vst v3  }
0x57: {  	v2 =	vld [tilespmem:s28+$0x90];
	_ =	sdelay $0x4  }
0x58: {  	v3 =	vand.u32 $0xFFFF, v2;
	v2 =	vshra.s32 v2, $0x10  }
0x59: {  	v3 =	vadd.s32 v0, v3;
	[tilespmem:$0x2990] =	vst v2  }
0x5a: {  	[tilespmem:$0x2890] =	vst v3  }
0x5b: {  	v2 =	vld [tilespmem:s28+$0xA0];
	_ =	sdelay $0x4  }
0x5c: {  	v3 =	vand.u32 $0xFFFF, v2;
	v2 =	vshra.s32 v2, $0x10  }
0x5d: {  	v3 =	vadd.s32 v0, v3;
	[tilespmem:$0x29A0] =	vst v2  }
0x5e: {  	[tilespmem:$0x28A0] =	vst v3  }
0x5f: {  	v2 =	vld [tilespmem:s28+$0xB0];
	_ =	sdelay $0x4  }
0x60: {  	v3 =	vand.u32 $0xFFFF, v2;
	v2 =	vshra.s32 v2, $0x10  }
0x61: {  	v3 =	vadd.s32 v0, v3;
	[tilespmem:$0x29B0] =	vst v2  }
0x62: {  	[tilespmem:$0x28B0] =	vst v3  }
0x63: {  	v2 =	vld [tilespmem:s28+$0xC0];
	_ =	sdelay $0x4  }
0x64: {  	v3 =	vand.u32 $0xFFFF, v2;
	v2 =	vshra.s32 v2, $0x10  }
0x65: {  	v3 =	vadd.s32 v0, v3;
	[tilespmem:$0x29C0] =	vst v2  }
0x66: {  	[tilespmem:$0x28C0] =	vst v3  }
0x67: {  	v2 =	vld [tilespmem:s28+$0xD0];
	_ =	sdelay $0x4  }
0x68: {  	v3 =	vand.u32 $0xFFFF, v2;
	v2 =	vshra.s32 v2, $0x10  }
0x69: {  	v3 =	vadd.s32 v0, v3;
	[tilespmem:$0x29D0] =	vst v2  }
0x6a: {  	[tilespmem:$0x28D0] =	vst v3  }
0x6b: {  	v2 =	vld [tilespmem:s28+$0xE0];
	_ =	sdelay $0x4  }
0x6c: {  	v3 =	vand.u32 $0xFFFF, v2;
	v2 =	vshra.s32 v2, $0x10  }
0x6d: {  	v3 =	vadd.s32 v0, v3;
	[tilespmem:$0x29E0] =	vst v2  }
0x6e: {  	[tilespmem:$0x28E0] =	vst v3  }
0x6f: {  	v2 =	vld [tilespmem:s28+$0xF0];
	_ =	sdelay $0x4  }
0x70: {  	v3 =	vand.u32 $0xFFFF, v2;
	v2 =	vshra.s32 v2, $0x10  }
0x71: {  	v3 =	vadd.s32 v0, v3;
	[tilespmem:$0x29F0] =	vst v2  }
0x72: {  	[tilespmem:$0x28F0] =	vst v3  }
0x73: {  	[tilespmem:s18], [sflag:$0x2] =	stream.indirect.gather [hbm4b:s4+s15], $0x80, s17, s15, $0xb8;
	[tilespmem:$0x1EA00] =	vst v63  }
0x74: {  	_ =	swait.ge [sflag:s19], $0x4000  }
0x75: {  	p0 =	por $0x0, $0x0;
	[sflag:s19] =	ssyncset.done $0x0  }
0x76: {  	s26 =	simm.s32 @!p0 $0x3;
	[sflag:s19] =	ssyncadd.s32 $0xFFFFC000  }
0x77: {  	[spmem:s1] =	stream.indirect.scatter.add.f32 [tilespmem:s14], [sflag:$0x3], $0x80, s20, s15, $0xb8;
	[tilespmem:$0x1EA00] =	vst v63  }
0x78: {  	_ =	swait.ge @!p0 [sflag:s26], $0x4000  }
0x79: {  	[sflag:s26] =	ssyncset.done @!p0 $0x0  }
0x7a: {  	s28 =	simm.s32 @!p0 $0x0;
	[sflag:s26] =	ssyncadd.s32 @!p0 $0xFFFFC000  }
0x7b: {  	v2 =	vld @!p0 [tilespmem:s28+$0x100];
	_ =	sdelay $0x4  }
0x7c: {  	v3 =	vand.u32 @!p0 $0xFFFF, v2;
	v2 =	vshra.s32 @!p0 v2, $0x10  }
0x7d: {  	v3 =	vadd.s32 @!p0 v0, v3;
	[tilespmem:$0x2900] =	vst @!p0 v2  }
0x7e: {  	[tilespmem:$0x2800] =	vst @!p0 v3  }
0x7f: {  	v2 =	vld @!p0 [tilespmem:s28+$0x110];
	_ =	sdelay $0x4  }
0x80: {  	v3 =	vand.u32 @!p0 $0xFFFF, v2;
	v2 =	vshra.s32 @!p0 v2, $0x10  }
0x81: {  	v3 =	vadd.s32 @!p0 v0, v3;
	[tilespmem:$0x2910] =	vst @!p0 v2  }
0x82: {  	[tilespmem:$0x2810] =	vst @!p0 v3  }
0x83: {  	v2 =	vld @!p0 [tilespmem:s28+$0x120];
	_ =	sdelay $0x4  }
0x84: {  	v3 =	vand.u32 @!p0 $0xFFFF, v2;
	v2 =	vshra.s32 @!p0 v2, $0x10  }
0x85: {  	v3 =	vadd.s32 @!p0 v0, v3;
	[tilespmem:$0x2920] =	vst @!p0 v2  }
0x86: {  	[tilespmem:$0x2820] =	vst @!p0 v3  }
0x87: {  	v2 =	vld @!p0 [tilespmem:s28+$0x130];
	_ =	sdelay $0x4  }
0x88: {  	v3 =	vand.u32 @!p0 $0xFFFF, v2;
	v2 =	vshra.s32 @!p0 v2, $0x10  }
0x89: {  	v3 =	vadd.s32 @!p0 v0, v3;
	[tilespmem:$0x2930] =	vst @!p0 v2  }
0x8a: {  	[tilespmem:$0x2830] =	vst @!p0 v3  }
0x8b: {  	v2 =	vld @!p0 [tilespmem:s28+$0x140];
	_ =	sdelay $0x4  }
0x8c: {  	v3 =	vand.u32 @!p0 $0xFFFF, v2;
	v2 =	vshra.s32 @!p0 v2, $0x10  }
0x8d: {  	v3 =	vadd.s32 @!p0 v0, v3;
	[tilespmem:$0x2940] =	vst @!p0 v2  }
0x8e: {  	[tilespmem:$0x2840] =	vst @!p0 v3  }
0x8f: {  	v2 =	vld @!p0 [tilespmem:s28+$0x150];
	_ =	sdelay $0x4  }
0x90: {  	v3 =	vand.u32 @!p0 $0xFFFF, v2;
	v2 =	vshra.s32 @!p0 v2, $0x10  }
0x91: {  	v3 =	vadd.s32 @!p0 v0, v3;
	[tilespmem:$0x2950] =	vst @!p0 v2  }
0x92: {  	[tilespmem:$0x2850] =	vst @!p0 v3  }
0x93: {  	v2 =	vld @!p0 [tilespmem:s28+$0x160];
	_ =	sdelay $0x4  }
0x94: {  	v3 =	vand.u32 @!p0 $0xFFFF, v2;
	v2 =	vshra.s32 @!p0 v2, $0x10  }
0x95: {  	v3 =	vadd.s32 @!p0 v0, v3;
	[tilespmem:$0x2960] =	vst @!p0 v2  }
0x96: {  	[tilespmem:$0x2860] =	vst @!p0 v3  }
0x97: {  	v2 =	vld @!p0 [tilespmem:s28+$0x170];
	_ =	sdelay $0x4  }
0x98: {  	v3 =	vand.u32 @!p0 $0xFFFF, v2;
	v2 =	vshra.s32 @!p0 v2, $0x10  }
0x99: {  	p1 =	por $0x0, $0x0;
	v3 =	vadd.s32 @!p0 v0, v3;
	[tilespmem:$0x2970] =	vst @!p0 v2  }
0x9a: {  	s29 =	simm.s32 @!p0 $0x2A00;
	s26 =	simm.s32 @!p0 $0x80;
	s28 =	simm.s32 @!p0 $0x2800;
	[tilespmem:$0x2870] =	vst @!p0 v3  }
0x9b: {  	[tilespmem:s29], [sflag:$0x1] =	stream.indirect.gather @!p0 [hbm4b:s4+s26], $0x80, s28, s26, $0xb8;
	[tilespmem:$0x1EA00] =	vst v63  }
0x9c: {  	s26 =	simm.s32 $0x400;
	s28 =	simm.s32 $0x800;
	_ =	swait.ge [sflag:s21], $0x4000  }
.LBB2_4:
0x9d: {  	s31 =	simm.s32 @!p1 $0x4  }
0x9e: {  	[sflag:s21] =	ssyncset.done $0x0;
	s29 =	smov.u32 s28;
	s28 =	sadd.s32 $0x400, s28  }
0x9f: {  	p0 =	sne.s32 s28, $0xA000;
	[sflag:s21] =	ssyncadd.s32 $0xFFFFC000  }
0xa0: {  	[spmem:s1] =	stream.indirect.scatter.add.f32 [tilespmem:s18], [sflag:$0x4], $0x80, s22, s15, $0xb8;
	[tilespmem:$0x1EA00] =	vst v63  }
0xa1: {  	_ =	swait.ge @!p1 [sflag:s31], $0x4000  }
0xa2: {  	s30 =	sshra.s32 s26, $0x2;
	[sflag:s31] =	ssyncset.done @!p1 $0x0  }
0xa3: {  	[sflag:s31] =	ssyncadd.s32 @!p1 $0xFFFFC000  }
0xa4: {  	v2 =	vld [tilespmem:s30+$0x80];
	_ =	sdelay $0x4  }
0xa5: {  	v3 =	vand.u32 $0xFFFF, v2;
	v2 =	vshra.s32 v2, $0x10  }
0xa6: {  	v3 =	vadd.s32 v0, v3;
	[tilespmem:$0x2980] =	vst v2  }
0xa7: {  	[tilespmem:$0x2880] =	vst v3  }
0xa8: {  	v2 =	vld [tilespmem:s30+$0x90];
	_ =	sdelay $0x4  }
0xa9: {  	v3 =	vand.u32 $0xFFFF, v2;
	v2 =	vshra.s32 v2, $0x10  }
0xaa: {  	v3 =	vadd.s32 v0, v3;
	[tilespmem:$0x2990] =	vst v2  }
0xab: {  	[tilespmem:$0x2890] =	vst v3  }
0xac: {  	v2 =	vld [tilespmem:s30+$0xA0];
	_ =	sdelay $0x4  }
0xad: {  	v3 =	vand.u32 $0xFFFF, v2;
	v2 =	vshra.s32 v2, $0x10  }
0xae: {  	v3 =	vadd.s32 v0, v3;
	[tilespmem:$0x29A0] =	vst v2  }
0xaf: {  	[tilespmem:$0x28A0] =	vst v3  }
0xb0: {  	v2 =	vld [tilespmem:s30+$0xB0];
	_ =	sdelay $0x4  }
0xb1: {  	v3 =	vand.u32 $0xFFFF, v2;
	v2 =	vshra.s32 v2, $0x10  }
0xb2: {  	v3 =	vadd.s32 v0, v3;
	[tilespmem:$0x29B0] =	vst v2  }
0xb3: {  	[tilespmem:$0x28B0] =	vst v3  }
0xb4: {  	v2 =	vld [tilespmem:s30+$0xC0];
	_ =	sdelay $0x4  }
0xb5: {  	v3 =	vand.u32 $0xFFFF, v2;
	v2 =	vshra.s32 v2, $0x10  }
0xb6: {  	v3 =	vadd.s32 v0, v3;
	[tilespmem:$0x29C0] =	vst v2  }
0xb7: {  	[tilespmem:$0x28C0] =	vst v3  }
0xb8: {  	v2 =	vld [tilespmem:s30+$0xD0];
	_ =	sdelay $0x4  }
0xb9: {  	v3 =	vand.u32 $0xFFFF, v2;
	v2 =	vshra.s32 v2, $0x10  }
0xba: {  	v3 =	vadd.s32 v0, v3;
	[tilespmem:$0x29D0] =	vst v2  }
0xbb: {  	[tilespmem:$0x28D0] =	vst v3  }
0xbc: {  	v2 =	vld [tilespmem:s30+$0xE0];
	_ =	sdelay $0x4  }
0xbd: {  	v3 =	vand.u32 $0xFFFF, v2;
	v2 =	vshra.s32 v2, $0x10  }
0xbe: {  	v3 =	vadd.s32 v0, v3;
	[tilespmem:$0x29E0] =	vst v2  }
0xbf: {  	[tilespmem:$0x28E0] =	vst v3  }
0xc0: {  	v2 =	vld [tilespmem:s30+$0xF0];
	_ =	sdelay $0x4  }
0xc1: {  	v3 =	vand.u32 $0xFFFF, v2;
	v2 =	vshra.s32 v2, $0x10  }
0xc2: {  	v3 =	vadd.s32 v0, v3;
	[tilespmem:$0x29F0] =	vst v2  }
0xc3: {  	[tilespmem:$0x28F0] =	vst v3  }
0xc4: {  	[tilespmem:s18], [sflag:$0x2] =	stream.indirect.gather [hbm4b:s4+s15], $0x80, s17, s15, $0xb8;
	[tilespmem:$0x1EA00] =	vst v63  }
0xc5: {  	_ =	swait.ge [sflag:s19], $0x4000  }
0xc6: {  	p1 =	seq.s32 s26, $0x9C00;
	[sflag:s19] =	ssyncset.done $0x0  }
0xc7: {  	s31 =	simm.s32 @!p1 $0x3;
	[sflag:s19] =	ssyncadd.s32 $0xFFFFC000  }
0xc8: {  	[spmem:s1] =	stream.indirect.scatter.add.f32 [tilespmem:s14], [sflag:$0x3], $0x80, s20, s15, $0xb8;
	[tilespmem:$0x1EA00] =	vst v63  }
0xc9: {  	_ =	swait.ge @!p1 [sflag:s31], $0x4000  }
0xca: {  	s30 =	sshra.s32 @!p1 s26, $0x2;
	s26 =	smov.u32 s29;
	[sflag:s31] =	ssyncset.done @!p1 $0x0  }
0xcb: {  	[sflag:s31] =	ssyncadd.s32 @!p1 $0xFFFFC000  }
0xcc: {  	v2 =	vld @!p1 [tilespmem:s30+$0x100];
	_ =	sdelay $0x4  }
0xcd: {  	v3 =	vand.u32 @!p1 $0xFFFF, v2;
	v2 =	vshra.s32 @!p1 v2, $0x10  }
0xce: {  	v3 =	vadd.s32 @!p1 v0, v3;
	[tilespmem:$0x2900] =	vst @!p1 v2  }
0xcf: {  	[tilespmem:$0x2800] =	vst @!p1 v3  }
0xd0: {  	v2 =	vld @!p1 [tilespmem:s30+$0x110];
	_ =	sdelay $0x4  }
0xd1: {  	v3 =	vand.u32 @!p1 $0xFFFF, v2;
	v2 =	vshra.s32 @!p1 v2, $0x10  }
0xd2: {  	v3 =	vadd.s32 @!p1 v0, v3;
	[tilespmem:$0x2910] =	vst @!p1 v2  }
0xd3: {  	[tilespmem:$0x2810] =	vst @!p1 v3  }
0xd4: {  	v2 =	vld @!p1 [tilespmem:s30+$0x120];
	_ =	sdelay $0x4  }
0xd5: {  	v3 =	vand.u32 @!p1 $0xFFFF, v2;
	v2 =	vshra.s32 @!p1 v2, $0x10  }
0xd6: {  	v3 =	vadd.s32 @!p1 v0, v3;
	[tilespmem:$0x2920] =	vst @!p1 v2  }
0xd7: {  	[tilespmem:$0x2820] =	vst @!p1 v3  }
0xd8: {  	v2 =	vld @!p1 [tilespmem:s30+$0x130];
	_ =	sdelay $0x4  }
0xd9: {  	v3 =	vand.u32 @!p1 $0xFFFF, v2;
	v2 =	vshra.s32 @!p1 v2, $0x10  }
0xda: {  	v3 =	vadd.s32 @!p1 v0, v3;
	[tilespmem:$0x2930] =	vst @!p1 v2  }
0xdb: {  	[tilespmem:$0x2830] =	vst @!p1 v3  }
0xdc: {  	v2 =	vld @!p1 [tilespmem:s30+$0x140];
	_ =	sdelay $0x4  }
0xdd: {  	v3 =	vand.u32 @!p1 $0xFFFF, v2;
	v2 =	vshra.s32 @!p1 v2, $0x10  }
0xde: {  	v3 =	vadd.s32 @!p1 v0, v3;
	[tilespmem:$0x2940] =	vst @!p1 v2  }
0xdf: {  	[tilespmem:$0x2840] =	vst @!p1 v3  }
0xe0: {  	v2 =	vld @!p1 [tilespmem:s30+$0x150];
	_ =	sdelay $0x4  }
0xe1: {  	v3 =	vand.u32 @!p1 $0xFFFF, v2;
	v2 =	vshra.s32 @!p1 v2, $0x10  }
0xe2: {  	v3 =	vadd.s32 @!p1 v0, v3;
	[tilespmem:$0x2950] =	vst @!p1 v2  }
0xe3: {  	[tilespmem:$0x2850] =	vst @!p1 v3  }
0xe4: {  	v2 =	vld @!p1 [tilespmem:s30+$0x160];
	_ =	sdelay $0x4  }
0xe5: {  	v3 =	vand.u32 @!p1 $0xFFFF, v2;
	v2 =	vshra.s32 @!p1 v2, $0x10  }
0xe6: {  	v3 =	vadd.s32 @!p1 v0, v3;
	[tilespmem:$0x2960] =	vst @!p1 v2  }
0xe7: {  	[tilespmem:$0x2860] =	vst @!p1 v3  }
0xe8: {  	v2 =	vld @!p1 [tilespmem:s30+$0x170];
	_ =	sdelay $0x4  }
.Ltmp1:
0xe9: {  	v3 =	vand.u32 @!p1 $0xFFFF, v2;
	v2 =	vshra.s32 @!p1 v2, $0x10;
	(pc) =	sbr.rel @p0 .LBB2_4-.Ltmp1, $4  }
0xea: {  	s29 =	simm.s32 @!p1 $0x80;
	s31 =	simm.s32 @!p1 $0x2A00;
	s30 =	simm.s32 @!p1 $0x2800;
	v3 =	vadd.s32 @!p1 v0, v3;
	[tilespmem:$0x2970] =	vst @!p1 v2  }
0xeb: {  	[tilespmem:$0x2870] =	vst @!p1 v3  }
0xec: {  	[tilespmem:s31], [sflag:$0x1] =	stream.indirect.gather @!p1 [hbm4b:s4+s29], $0x80, s30, s29, $0xb8;
	[tilespmem:$0x1EA00] =	vst v63  }
0xed: {  	p1 =	seq.s32 s26, $0x0;
	_ =	swait.ge [sflag:s21], $0x4000  }
0xee: {  	[sflag:s21] =	ssyncset.done $0x0  }
0xef: {  	s28 =	simm.s32 @!p1 $0x4;
	[sflag:s21] =	ssyncadd.s32 $0xFFFFC000  }
0xf0: {  	[spmem:s1] =	stream.indirect.scatter.add.f32 [tilespmem:s18], [sflag:$0x4], $0x80, s22, s15, $0xb8;
	[tilespmem:$0x1EA00] =	vst v63  }
0xf1: {  	_ =	swait.ge @!p1 [sflag:s28], $0x4000  }
0xf2: {  	[sflag:s28] =	ssyncset.done @!p1 $0x0  }
0xf3: {  	s29 =	sshra.s32 s26, $0x2;
	[sflag:s28] =	ssyncadd.s32 @!p1 $0xFFFFC000  }
0xf4: {  	v2 =	vld [tilespmem:s29+$0x80];
	_ =	sdelay $0x4  }
0xf5: {  	v3 =	vand.u32 $0xFFFF, v2;
	v2 =	vshra.s32 v2, $0x10  }
0xf6: {  	v3 =	vadd.s32 v0, v3;
	[tilespmem:$0x2980] =	vst v2  }
0xf7: {  	[tilespmem:$0x2880] =	vst v3  }
0xf8: {  	v2 =	vld [tilespmem:s29+$0x90];
	_ =	sdelay $0x4  }
0xf9: {  	v3 =	vand.u32 $0xFFFF, v2;
	v2 =	vshra.s32 v2, $0x10  }
0xfa: {  	v3 =	vadd.s32 v0, v3;
	[tilespmem:$0x2990] =	vst v2  }
0xfb: {  	[tilespmem:$0x2890] =	vst v3  }
0xfc: {  	v2 =	vld [tilespmem:s29+$0xA0];
	_ =	sdelay $0x4  }
0xfd: {  	v3 =	vand.u32 $0xFFFF, v2;
	v2 =	vshra.s32 v2, $0x10  }
0xfe: {  	v3 =	vadd.s32 v0, v3;
	[tilespmem:$0x29A0] =	vst v2  }
0xff: {  	[tilespmem:$0x28A0] =	vst v3  }
0x100: {  	v2 =	vld [tilespmem:s29+$0xB0];
	_ =	sdelay $0x4  }
0x101: {  	v3 =	vand.u32 $0xFFFF, v2;
	v2 =	vshra.s32 v2, $0x10  }
0x102: {  	v3 =	vadd.s32 v0, v3;
	[tilespmem:$0x29B0] =	vst v2  }
0x103: {  	[tilespmem:$0x28B0] =	vst v3  }
0x104: {  	v2 =	vld [tilespmem:s29+$0xC0];
	_ =	sdelay $0x4  }
0x105: {  	v3 =	vand.u32 $0xFFFF, v2;
	v2 =	vshra.s32 v2, $0x10  }
0x106: {  	v3 =	vadd.s32 v0, v3;
	[tilespmem:$0x29C0] =	vst v2  }
0x107: {  	[tilespmem:$0x28C0] =	vst v3  }
0x108: {  	v2 =	vld [tilespmem:s29+$0xD0];
	_ =	sdelay $0x4  }
0x109: {  	v3 =	vand.u32 $0xFFFF, v2;
	v2 =	vshra.s32 v2, $0x10  }
0x10a: {  	v3 =	vadd.s32 v0, v3;
	[tilespmem:$0x29D0] =	vst v2  }
0x10b: {  	[tilespmem:$0x28D0] =	vst v3  }
0x10c: {  	v2 =	vld [tilespmem:s29+$0xE0];
	_ =	sdelay $0x4  }
0x10d: {  	v3 =	vand.u32 $0xFFFF, v2;
	v2 =	vshra.s32 v2, $0x10  }
0x10e: {  	v3 =	vadd.s32 v0, v3;
	[tilespmem:$0x29E0] =	vst v2  }
0x10f: {  	[tilespmem:$0x28E0] =	vst v3  }
0x110: {  	v2 =	vld [tilespmem:s29+$0xF0];
	_ =	sdelay $0x4  }
0x111: {  	v3 =	vand.u32 $0xFFFF, v2;
	v2 =	vshra.s32 v2, $0x10  }
0x112: {  	v3 =	vadd.s32 v0, v3;
	[tilespmem:$0x29F0] =	vst v2  }
0x113: {  	[tilespmem:$0x28F0] =	vst v3  }
0x114: {  	[tilespmem:s18], [sflag:$0x2] =	stream.indirect.gather [hbm4b:s4+s15], $0x80, s17, s15, $0xb8;
	[tilespmem:$0x1EA00] =	vst v63  }
0x115: {  	_ =	swait.ge [sflag:s19], $0x4000  }
0x116: {  	p0 =	seq.s32 s26, $0x9C00;
	[sflag:s19] =	ssyncset.done $0x0  }
0x117: {  	s28 =	simm.s32 @!p0 $0x3;
	[sflag:s19] =	ssyncadd.s32 $0xFFFFC000  }
0x118: {  	[spmem:s1] =	stream.indirect.scatter.add.f32 [tilespmem:s14], [sflag:$0x3], $0x80, s20, s15, $0xb8;
	[tilespmem:$0x1EA00] =	vst v63  }
0x119: {  	_ =	swait.ge @!p0 [sflag:s28], $0x4000  }
0x11a: {  	[sflag:s28] =	ssyncset.done @!p0 $0x0  }
0x11b: {  	s26 =	sshra.s32 @!p0 s26, $0x2;
	[sflag:s28] =	ssyncadd.s32 @!p0 $0xFFFFC000  }
0x11c: {  	v2 =	vld @!p0 [tilespmem:s26+$0x100];
	_ =	sdelay $0x4  }
0x11d: {  	v3 =	vand.u32 @!p0 $0xFFFF, v2;
	v2 =	vshra.s32 @!p0 v2, $0x10  }
0x11e: {  	v3 =	vadd.s32 @!p0 v0, v3;
	[tilespmem:$0x2900] =	vst @!p0 v2  }
0x11f: {  	[tilespmem:$0x2800] =	vst @!p0 v3  }
0x120: {  	v2 =	vld @!p0 [tilespmem:s26+$0x110];
	_ =	sdelay $0x4  }
0x121: {  	v3 =	vand.u32 @!p0 $0xFFFF, v2;
	v2 =	vshra.s32 @!p0 v2, $0x10  }
0x122: {  	v3 =	vadd.s32 @!p0 v0, v3;
	[tilespmem:$0x2910] =	vst @!p0 v2  }
0x123: {  	[tilespmem:$0x2810] =	vst @!p0 v3  }
0x124: {  	v2 =	vld @!p0 [tilespmem:s26+$0x120];
	_ =	sdelay $0x4  }
0x125: {  	v3 =	vand.u32 @!p0 $0xFFFF, v2;
	v2 =	vshra.s32 @!p0 v2, $0x10  }
0x126: {  	v3 =	vadd.s32 @!p0 v0, v3;
	[tilespmem:$0x2920] =	vst @!p0 v2  }
0x127: {  	[tilespmem:$0x2820] =	vst @!p0 v3  }
0x128: {  	v2 =	vld @!p0 [tilespmem:s26+$0x130];
	_ =	sdelay $0x4  }
0x129: {  	v3 =	vand.u32 @!p0 $0xFFFF, v2;
	v2 =	vshra.s32 @!p0 v2, $0x10  }
0x12a: {  	v3 =	vadd.s32 @!p0 v0, v3;
	[tilespmem:$0x2930] =	vst @!p0 v2  }
0x12b: {  	[tilespmem:$0x2830] =	vst @!p0 v3  }
0x12c: {  	v2 =	vld @!p0 [tilespmem:s26+$0x140];
	_ =	sdelay $0x4  }
0x12d: {  	v3 =	vand.u32 @!p0 $0xFFFF, v2;
	v2 =	vshra.s32 @!p0 v2, $0x10  }
0x12e: {  	v3 =	vadd.s32 @!p0 v0, v3;
	[tilespmem:$0x2940] =	vst @!p0 v2  }
0x12f: {  	[tilespmem:$0x2840] =	vst @!p0 v3  }
0x130: {  	v2 =	vld @!p0 [tilespmem:s26+$0x150];
	_ =	sdelay $0x4  }
0x131: {  	v3 =	vand.u32 @!p0 $0xFFFF, v2;
	v2 =	vshra.s32 @!p0 v2, $0x10  }
0x132: {  	v3 =	vadd.s32 @!p0 v0, v3;
	[tilespmem:$0x2950] =	vst @!p0 v2  }
0x133: {  	[tilespmem:$0x2850] =	vst @!p0 v3  }
0x134: {  	v2 =	vld @!p0 [tilespmem:s26+$0x160];
	_ =	sdelay $0x4  }
0x135: {  	v3 =	vand.u32 @!p0 $0xFFFF, v2;
	v2 =	vshra.s32 @!p0 v2, $0x10  }
0x136: {  	v3 =	vadd.s32 @!p0 v0, v3;
	[tilespmem:$0x2960] =	vst @!p0 v2  }
0x137: {  	[tilespmem:$0x2860] =	vst @!p0 v3  }
0x138: {  	v2 =	vld @!p0 [tilespmem:s26+$0x170];
	_ =	sdelay $0x4  }
0x139: {  	v3 =	vand.u32 @!p0 $0xFFFF, v2;
	v2 =	vshra.s32 @!p0 v2, $0x10  }
0x13a: {  	v3 =	vadd.s32 @!p0 v0, v3;
	[tilespmem:$0x2970] =	vst @!p0 v2  }
0x13b: {  	s29 =	simm.s32 @!p0 $0x2A00;
	s28 =	simm.s32 @!p0 $0x2800;
	s26 =	simm.s32 @!p0 $0x80;
	[tilespmem:$0x2870] =	vst @!p0 v3  }
0x13c: {  	[tilespmem:s29], [sflag:$0x1] =	stream.indirect.gather @!p0 [hbm4b:s4+s26], $0x80, s28, s26, $0xb8;
	[tilespmem:$0x1EA00] =	vst v63  }
0x13d: {  	_ =	swait.ge [sflag:s21], $0x4000  }
0x13e: {  	[sflag:s21] =	ssyncset.done $0x0  }
0x13f: {  	[sflag:s21] =	ssyncadd.s32 $0xFFFFC000  }
0x140: {  	[spmem:s1] =	stream.indirect.scatter.add.f32 [tilespmem:s18], [sflag:$0x4], $0x80, s22, s15, $0xb8;
	[tilespmem:$0x1EA00] =	vst v63  }
0x141: {  	_ =	swait.ge [sflag:s23], $0x4000  }
0x142: {  	[sflag:s23] =	ssyncset.done $0x0  }
0x143: {  	[sflag:s23] =	ssyncadd.s32 $0xFFFFC000  }
0x144: {  	_ =	swait.ge [sflag:s24], $0x4000  }
0x145: {  	s30 =	sshll.u32 s2, $0x6;
	s25 =	sadd.s32 $0x1, s25;
	[sflag:s24] =	ssyncset.done $0x0  }
0x146: {  	s31 =	sshrl.u32 s6, $0x3;
	p0 =	sne.s32 s25, s8;
	[sflag:s24] =	ssyncadd.s32 $0xFFFFC000  }
.Ltmp2:
0x147: {  	s26 =	sor.u32 $0x1C05, s30;
	[bflag:$0x0] =	sbarrier.arrive $0xFFFF;
	(pc) =	sbr.rel @p0 .LBB2_1-.Ltmp2, $4  }
0x148: {  	[hbm:s7], [sflag:s26] =	dma.local [spmem:s31], $0x2800  }
0x149: {  	_ =	swait.ge [sflag:s13], $0x2800  }
0x14a: {  	[sflag:s13] =	ssyncset.done $0x0  }
0x14b: {  	[sflag:s13] =	ssyncadd.s32 $0xFFFFD800  }
0x14c: {  	_ =	sfence.sel $0x180000  }
0x14d: {  	[bflag:$0x0] =	sbarrier.arrive $0xFFFF  }
0x14e: {  	p0 =	sne.s32 s2, $0x0;
	_ =	strace $0x9000004A  }
0x14f: {  	s0 =	sadd.s32 @!p0 $0x100000, s0;
	[bflag:$0x2] =	sbarrier.arrive $0xFFFF  }
0x150: {  	[sflag:s0] =	ssyncadd.tile.s32 @!p0 $0x1;
	_ =	shalt  }
.Lfunc_end2:
_tile_overlayer_lowered:
.L_overlay_start_2:
0x151: {  	(tag) =	ssettag $0x2  }
0x152: {  	s0 =	rddreg [dreg:$0x0];
	s2 =	stileid.u32  }
0x153: {  	s1 =	rddreg [dreg:$0x1];
	p0 =	sne.s32 s2, $0x0  }
0x154: {  	s3 =	rddreg [dreg:$0x2];
	[bflag:$0x3] =	sbarrier.arrive $0xFFFF;
	s2 =	simm.s32 @!p0 $0x1C05  }
0x155: {  	[timem:s3], [sflag:s2] =	dma.local @!p0 [hbm:s0], s1  }
0x156: {  	s0 =	simm.s32 @!p0 $0x5  }
0x157: {  	_ =	swait.ge @!p0 [sflag:s0], s1  }
0x158: {  	s1 =	ssub.s32 @!p0 $0x0, s1;
	[sflag:s0] =	ssyncset.done @!p0 $0x0  }
0x159: {  	[sflag:s0] =	ssyncadd.s32 @!p0 s1  }
0x15a: {  	[bflag:$0x3] =	sbarrier.arrive $0xFFFF  }
0x15b: {  	_ =	shalt  }

// kernel: kernel.14.cloned.1.call-start
scs
__scs_entry_jumppad:
0x0: {  	(pc) =	sbr.rel $0x88, $3  }
0x1: {  	(tag) =	ssettag $0x0;
	lr =	simm.s32 $0x1  }
0x2: {  	[smem:$0x3F93] =	sst lr;
	_ =	strace $0xD0000000  }
0x3: {  	_ = 	snop  }
0x4: {  	_ = 	snop  }
0x5: {  	_ = 	snop  }
0x6: {  	_ = 	snop  }
0x7: {  	_ = 	snop  }
__scs_overlays_trampoline_lowered:
0x8: {  	[smem:$0x3FA2] =	sst s0  }
0x9: {  	[smem:$0x3FA3] =	sst s1  }
0xa: {  	[smem:$0x3FA4] =	sst s2  }
0xb: {  	[smem:$0x3FA5] =	sst s3  }
0xc: {  	[smem:$0x3FA6] =	sst s4  }
0xd: {  	[smem:$0x3FA7] =	sst s5  }
0xe: {  	[smem:$0x3FA8] =	sst s6  }
0xf: {  	[smem:$0x3FA9] =	sst s7  }
0x10: {  	[smem:$0x3FAA] =	sst s8  }
0x11: {  	[smem:$0x3FAB] =	sst s9;
	s0 =	simm.s32 @!p0 $0x0  }
0x12: {  	s1 =	sld [smem:$0x3F91];
	s0 =	simm.s32 @p0 $0x1  }
0x13: {  	[smem:$0x3FAC] =	sst s0;
	s0 =	simm.s32 @!p1 $0x0  }
0x14: {  	s2 =	sld [smem:$0x3F90];
	s0 =	simm.s32 @p1 $0x1  }
0x15: {  	[smem:$0x3FAD] =	sst s0;
	s0 =	simm.s32 @!p2 $0x0  }
0x16: {  	s3 =	sld [smem:$0x3FDB];
	s0 =	simm.s32 @p2 $0x1  }
0x17: {  	s4 =	simm.s32 $0x1BF5;
	[smem:$0x3FAF] =	sst s0  }
0x18: {  	s0 =	sld [smem:$0x3F92];
	_ =	swait.ge [sflag:s4], $0x0  }
0x19: {  	s7 =	sld [smem:$0x3F93]  }
0x1a: {  	s8 =	sadd.s32 $0xFFFFE003, lr  }
0x1b: {  	s9 =	sadd.s32 $0xFFFFFEF7, lr;
	s5 =	simm.s32 $0xFFFFFFFF;
	p2 =	slt.u32 s8, $0xFFFFF086  }
0x1c: {  	p1 =	slt.u32 s9, $0xF7A;
	s5 =	simm.s32 @!p2 $0x0  }
0x1d: {  	s5 =	simm.s32 @p1 $0x1;
	p0 =	seq.s32 s7, s2  }
0x1e: {  	s7 =	smul.u32 @!p0 $0xF7A, s2;
	p2 =	seq.s32 @!p0 s5, $0x0  }
0x1f: {  	s9 =	smul.u32 $0xF7A, s1;
	s8 =	simm.s32 @!p0 $0x1BF5;
	p2 =	por !p2, p0  }
0x20: {  	[sflag:s8] =	ssyncset.s32 @!p0 $0xFFFFF086;
	s6 =	sadd.s32 @!p0 s3, s7;
	s7 =	simm.s32 @!p0 $0x108  }
0x21: {  	s3 =	sadd.s32 s3, s9;
	s6 =	sadd.s32 @!p0 $0x88, s6;
	s7 =	simm.s32 @p2 $0x1082  }
0x22: {  	[simem:s7], [sflag:s8] =	dma.local @!p0 [hbm:s6], $0xF7A  }
0x23: {  	s9 =	sor.u32 $0xD0000000, s2;
	s6 =	simm.s32 $0x108;
	_ =	swait.ge @!p0 [sflag:s8], $0x0  }
0x24: {  	s3 =	sadd.s32 $0x88, s3;
	s6 =	simm.s32 @!p1 $0x1082;
	[sflag:s4] =	ssyncset.s32 $0xFFFFF086  }
0x25: {  	[simem:s6], [sflag:s4] =	dma.local [hbm:s3], $0xF7A  }
0x26: {  	[smem:$0x3F93] =	sst s1;
	(tag) =	ssettag s2;
	_ =	strace s9  }
0x27: {  	s1 =	sld [smem:$0x3FA3]  }
0x28: {  	s2 =	sld [smem:$0x3FA4]  }
0x29: {  	s4 =	sld [smem:$0x3FA6]  }
0x2a: {  	p0 =	seq.s32 s5, $0x0;
	s5 =	sld [smem:$0x3FA7]  }
0x2b: {  	s6 =	sld [smem:$0x3FA8]  }
0x2c: {  	s7 =	sld [smem:$0x3FA9]  }
0x2d: {  	s3 =	simm.s32 $0x108;
	s8 =	sld [smem:$0x3FAA]  }
0x2e: {  	s3 =	simm.s32 @!p0 $0x1082;
	s9 =	sld [smem:$0x3FAB]  }
0x2f: {  	lr =	sadd.s32 s0, s3;
	s0 =	sld [smem:$0x3FA2]  }
0x30: {  	s3 =	sld [smem:$0x3FA5]  }
0x31: {  	[smem:$0x3FAE] =	sst s10  }
0x32: {  	s10 =	sld [smem:$0x3FAC];
	_ =	sdelay $0x3  }
0x33: {  	p0 =	seq.s32 s10, $0x1;
	s10 =	sld [smem:$0x3FAE];
	_ =	sdelay $0x3  }
0x34: {  	[smem:$0x3FAE] =	sst s10  }
0x35: {  	s10 =	sld [smem:$0x3FAD];
	_ =	sdelay $0x3  }
0x36: {  	p1 =	seq.s32 s10, $0x1;
	s10 =	sld [smem:$0x3FAE];
	_ =	sdelay $0x3  }
0x37: {  	[smem:$0x3FAE] =	sst s10  }
0x38: {  	s10 =	sld [smem:$0x3FAF]  }
0x39: {  	_ = 	snop;
	(pc) =	sbr.ind lr, $3  }
0x3a: {  	_ = 	snop  }
0x3b: {  	_ = 	snop  }
0x3c: {  	p2 =	seq.s32 s10, $0x1;
	s10 =	sld [smem:$0x3FAE]  }
0x3d: {  	_ =	shalt  }
0x3e: {  	_ =	shalt  }
0x3f: {  	_ =	shalt  }
0x40: {  	_ =	shalt  }
0x41: {  	_ =	shalt  }
0x42: {  	_ =	shalt  }
0x43: {  	_ =	shalt  }
0x44: {  	_ =	shalt  }
0x45: {  	_ =	shalt  }
0x46: {  	_ =	shalt  }
0x47: {  	_ =	shalt  }
0x48: {  	_ =	shalt  }
0x49: {  	_ =	shalt  }
0x4a: {  	_ =	shalt  }
0x4b: {  	_ =	shalt  }
0x4c: {  	_ =	shalt  }
0x4d: {  	_ =	shalt  }
0x4e: {  	_ =	shalt  }
0x4f: {  	_ =	shalt  }
0x50: {  	_ =	shalt  }
0x51: {  	_ =	shalt  }
0x52: {  	_ =	shalt  }
0x53: {  	_ =	shalt  }
0x54: {  	_ =	shalt  }
0x55: {  	_ =	shalt  }
0x56: {  	_ =	shalt  }
0x57: {  	_ =	shalt  }
0x58: {  	_ =	shalt  }
0x59: {  	_ =	shalt  }
0x5a: {  	_ =	shalt  }
0x5b: {  	_ =	shalt  }
0x5c: {  	_ =	shalt  }
0x5d: {  	_ =	shalt  }
0x5e: {  	_ =	shalt  }
0x5f: {  	_ =	shalt  }
0x60: {  	_ =	shalt  }
0x61: {  	_ =	shalt  }
0x62: {  	_ =	shalt  }
0x63: {  	_ =	shalt  }
0x64: {  	_ =	shalt  }
0x65: {  	_ =	shalt  }
0x66: {  	_ =	shalt  }
0x67: {  	_ =	shalt  }
0x68: {  	_ =	shalt  }
0x69: {  	_ =	shalt  }
0x6a: {  	_ =	shalt  }
0x6b: {  	_ =	shalt  }
0x6c: {  	_ =	shalt  }
0x6d: {  	_ =	shalt  }
0x6e: {  	_ =	shalt  }
0x6f: {  	_ =	shalt  }
0x70: {  	_ =	shalt  }
0x71: {  	_ =	shalt  }
0x72: {  	_ =	shalt  }
0x73: {  	_ =	shalt  }
0x74: {  	_ =	shalt  }
0x75: {  	_ =	shalt  }
0x76: {  	_ =	shalt  }
0x77: {  	_ =	shalt  }
0x78: {  	_ =	shalt  }
0x79: {  	_ =	shalt  }
0x7a: {  	_ =	shalt  }
0x7b: {  	_ =	shalt  }
0x7c: {  	_ =	shalt  }
0x7d: {  	_ =	shalt  }
0x7e: {  	_ =	shalt  }
0x7f: {  	_ =	shalt  }
0x80: {  	_ =	shalt  }
0x81: {  	_ =	shalt  }
0x82: {  	_ =	shalt  }
0x83: {  	_ =	shalt  }
0x84: {  	_ =	shalt  }
0x85: {  	_ =	shalt  }
0x86: {  	_ =	shalt  }
0x87: {  	_ =	shalt  }
.Lfunc_end0:
.L_simem_size_0:
called_computation.2_lowered:
.L_overlay_start_0:
0x88: {  	s2 =	sld [smem:$0x3FD9]  }
0x89: {  	s3 =	sld [smem:$0x3FFE];
	_ =	sdelay $0x1  }
0x8a: {  	s1 =	srdreg.scid  }
0x8b: {  	s0 =	sand.u32 $0x1, s1  }
0x8c: {  	s17 =	sshll.u32 s0, $0xA;
	s2 =	sadd.s32 s3, s2  }
0x8d: {  	s2 =	sadd.s32 s2, s17  }
0x8e: {  	[smem:$0x3FBA] =	sst s2  }
0x8f: {  	_ = 	snop  }
0x90: {  	s2 =	sld [smem:$0x3FD0];
	(tm) =	ssettm $0x1  }
0x91: {  	s18 =	sld [smem:$0x3FFB];
	_ =	sdelay $0x3  }
0x92: {  	_ =	strace s18  }
0x93: {  	s3 =	sld [smem:$0x3FFC];
	_ =	sdelay $0x3  }
0x94: {  	_ =	strace s3  }
0x95: {  	s3 =	sld [smem:$0x3FFD];
	_ =	sdelay $0x3  }
0x96: {  	_ =	strace s3  }
0x97: {  	_ =	strace $0x8FFFFFFF  }
0x98: {  	s19 =	sld [smem:$0x3FDB];
	_ =	sdelay $0x1  }
0x99: {  	s4 =	simm.s32 $_scs_section_size  }
0x9a: {  	s5 =	simm.s32 $_size__tile_overlayer_lowered;
	s6 =	simm.s32 $_tile_overlayer_lowered  }
0x9b: {  	s22 =	simm.s32 $0x1BFF;
	s21 =	sshll.u32 s6, $0x1;
	s3 =	sadd.s32 s4, s19  }
0x9c: {  	s7 =	simm.s32 $0x0;
	s20 =	sshll.u32 s5, $0x1;
	s5 =	sadd.s32 s21, s3  }
0x9d: {  	[timem:s7], [sflag:s22] =	dma.local [hbm:s5], s20  }
0x9e: {  	_ =	swait.ge [sflag:s22], s20  }
0x9f: {  	s4 =	ssub.s32 $0x0, s20;
	[sflag:s22] =	ssyncset.done $0x0  }
0xa0: {  	[sflag:s22] =	ssyncadd.s32 s4;
	_ =	sdelay $0x1  }
0xa1: {  	s23 =	simm.s32 $0x1B8B  }
0xa2: {  	_ =	swait.ge [sflag:s23], $0x1  }
0xa3: {  	[sflag:s23] =	ssyncset.done $0x0  }
0xa4: {  	s25 =	simm.s32 $0x1B8E;
	s24 =	sld [smem:$0x3FFE];
	[sflag:s23] =	ssyncadd.s32 $0xFFFFFFFF  }
0xa5: {  	s26 =	simm.s32 $execute0_lowered;
	[smem:$0x3FD2] =	sst s25  }
0xa6: {  	s5 =	sshll.u32 s26, $0x1;
	_ =	strace $0x8000004C;
	[dreg:$0x1] =	wrdreg $0xFFFFFFFF  }
0xa7: {  	s28 =	simm.s32 $_size_execute0_lowered;
	s3 =	sadd.s32 s3, s5;
	[dreg:$0x0] =	wrdreg $0x0  }
0xa8: {  	s5 =	sshll.u32 s28, $0x1;
	[dreg:$0x2] =	wrdreg s3  }
0xa9: {  	[dreg:$0x3] =	wrdreg s5  }
0xaa: {  	[dreg:$0x4] =	wrdreg $0xC0  }
0xab: {  	_ =	task [dreg:s7], $0x5FFFF  }
0xac: {  	[dreg:$0x1] =	wrdreg $0xFFFFFFFF  }
0xad: {  	[dreg:$0x0] =	wrdreg $0x60  }
0xae: {  	[dreg:$0x2] =	wrdreg s24  }
0xaf: {  	[dreg:$0x3] =	wrdreg s2  }
0xb0: {  	[dreg:$0x4] =	wrdreg $0xAA000  }
0xb1: {  	[dreg:$0x5] =	wrdreg $0x9  }
0xb2: {  	_ =	task.clear_ibuf [dreg:s7], $0x6FFFF;
	_ =	strace $0x9000004C  }
0xb3: {  	s29 =	simm.s32 $0x9;
	_ =	strace $0x8000004E  }
0xb4: {  	_ =	swait.ge [sflag:s29], $0x1  }
0xb5: {  	[sflag:s29] =	ssyncadd.s32 $0xFFFFFFFF  }
0xb6: {  	_ =	strace $0x9000004E  }
0xb7: {  	_ =	sfence  }
0xb8: {  	s30 =	sld [smem:$0x0];
	_ =	sdelay $0x2  }
0xb9: {  	s31 =	sshll.u32 s1, $0xD;
	s1 =	sshrl.u32 s1, $0x2  }
0xba: {  	s3 =	sand.u32 $0x4000, s31;
	s1 =	sadd.s32 s1, s30  }
0xbb: {  	s0 =	sor.u32 s3, s0;
	s1 =	sshll.u32 s1, $0x11  }
0xbc: {  	s0 =	sor.u32 s1, s0  }
0xbd: {  	s0 =	sadd.s32 $0x8F2B, s0  }
0xbe: {  	[sflag:s0] =	ssyncadd.remote.s32 $0x1  }
0xbf: {  	_ =	sfence.sel $0xFFFF  }
0xc0: {  	[dreg:$0x0] =	wrdreg $0xFFFFFFFF;
	(pc) =	sbr.abs _section_cstart, $3  }
0xc1: {  	[dreg:$0x1] =	wrdreg $0xFFFFFFFF  }
0xc2: {  	_ =	task.clear_ibuf [dreg:s7], $0x2FFFF;
	_ =	strace $0x9FFFFFFF  }
0xc3: {  	(tm) =	ssettm $0x7FFFFFFF  }
tec
execute0_lowered:
.L_overlay_start_1:
0x0: {  	(tag) =	ssettag $0x1  }
0x1: {  	s5 =	rddreg [dreg:$0x0]  }
0x2: {  	s6 =	rddreg [dreg:$0x1]  }
0x3: {  	s1 =	rddreg [dreg:$0x2];
	s2 =	srdreg.scid  }
0x4: {  	s0 =	rddreg [dreg:$0x3];
	s3 =	simm.s32 $0x0;
	s13 =	simm.s32 $0x5  }
0x5: {  	s14 =	simm.s32 $0x2A00;
	s15 =	simm.s32 $0x80;
	s16 =	simm.s32 $0x2800  }
0x6: {  	s17 =	simm.s32 $0x2880;
	s18 =	simm.s32 $0x6A00;
	s7 =	sand.u32 $0x1, s2  }
0x7: {  	s19 =	simm.s32 $0x1;
	s2 =	stileid.u32;
	s23 =	smul.u32 $0x2800, s7  }
0x8: {  	s20 =	simm.s32 $0x2900;
	s21 =	simm.s32 $0x2;
	s8 =	smul.u32 $0x280, s2  }
0x9: {  	s22 =	simm.s32 $0x2980;
	s24 =	simm.s32 $0x4;
	s9 =	smul.u32 $0x28000, s7  }
0xa: {  	s25 =	simm.s32 $0x0;
	[smem:$0x7FF] =	sst s3;
	s10 =	smul.u32 $0x2800, s2  }
0xb: {  	s4 =	sadd.s32 $0x3A00, s5;
	s7 =	ssub.s32 $0x2, s7;
	s11 =	smul.u32 $0x50000, s2  }
0xc: {  	_ =	strace $0x8000004D;
	s28 =	sshrl.u32 s7, $0x1;
	s8 =	sadd.s32 s8, s23  }
0xd: {  	s9 =	sadd.s32 s10, s9;
	s29 =	ssub.s32 s7, s28;
	s31 =	sshrl.u32 s11, $0x2  }
0xe: {  	v0 =	vmov s23;
	s23 =	simm.s32 $0x3;
	s8 =	sshll.u32 s8, $0x4;
	s30 =	sshrl.u32 s9, $0x3  }
0xf: {  	s8 =	sadd.s32 s8, s5;
	s5 =	sadd.s32 s6, s30;
	s6 =	sadd.s32 s31, s1  }
0x10: {  	s7 =	sadd.s32 $0x14DA00, s8;
	s8 =	smax.u32 s29, $0x1;
	s9 =	sadd.s32 $0x4000, s6  }
0x11: {  	v1 =	vimm.f32 $0.0e+00;
	s10 =	sadd.s32 $0x8000, s6;
	s11 =	sadd.s32 $0xC000, s6;
	s12 =	sadd.s32 $0x10000, s6  }
.LBB2_1:
0x12: {  	[tilespmem:s3], [sflag:$0x5] =	stream.linear.gather [hbm4b:s5+s3], $0x2800, $0x38;
	[tilespmem:$0x1EA00] =	vst v63  }
0x13: {  	_ =	swait.ge [sflag:s13], $0x2800  }
0x14: {  	[sflag:s13] =	ssyncset.done $0x0  }
0x15: {  	s26 =	simm.s32 $0x0;
	s28 =	simm.s32 $0x200;
	[sflag:s13] =	ssyncadd.s32 $0xFFFFD800  }
.LBB2_2:
0x16: {  	p0 =	sne.s32 s28, $0xFE00;
	[tilespmem:s26+$0x2A70] =	vst v1  }
0x17: {  	[tilespmem:s26+$0x2A00] =	vst v1  }
0x18: {  	[tilespmem:s26+$0x2A10] =	vst v1  }
.Ltmp0:
0x19: {  	[tilespmem:s26+$0x2A20] =	vst v1;
	(pc) =	sbr.rel @p0 .LBB2_2-.Ltmp0, $4  }
0x1a: {  	[tilespmem:s26+$0x2A30] =	vst v1  }
0x1b: {  	[tilespmem:s26+$0x2A40] =	vst v1  }
0x1c: {  	[tilespmem:s26+$0x2A50] =	vst v1  }
0x1d: {  	[tilespmem:s26+$0x2A60] =	vst v1;
	s26 =	sshra.s32 s28, $0x2;
	s28 =	sadd.s32 $0x200, s28  }
0x1e: {  	[tilespmem:s26+$0x2A70] =	vst v1  }
0x1f: {  	[tilespmem:s26+$0x2A00] =	vst v1  }
0x20: {  	[tilespmem:s26+$0x2A10] =	vst v1  }
0x21: {  	[tilespmem:s26+$0x2A20] =	vst v1  }
0x22: {  	[tilespmem:s26+$0x2A30] =	vst v1  }
0x23: {  	[tilespmem:s26+$0x2A40] =	vst v1  }
0x24: {  	[tilespmem:s26+$0x2A50] =	vst v1  }
0x25: {  	[tilespmem:s26+$0x2A60] =	vst v1  }
0x26: {  	[spmem:s6] =	stream.linear.scatter [tilespmem:s14], [sflag:$0x5], $0x4000, $0x38;
	[tilespmem:$0x1EA00] =	vst v63  }
0x27: {  	_ =	swait.ge [sflag:s13], $0x4000  }
0x28: {  	[sflag:s13] =	ssyncset.done $0x0  }
0x29: {  	[sflag:s13] =	ssyncadd.s32 $0xFFFFC000  }
0x2a: {  	[spmem:s9] =	stream.linear.scatter [tilespmem:s14], [sflag:$0x5], $0x4000, $0x38;
	[tilespmem:$0x1EA00] =	vst v63  }
0x2b: {  	_ =	swait.ge [sflag:s13], $0x4000  }
0x2c: {  	[sflag:s13] =	ssyncset.done $0x0  }
0x2d: {  	[sflag:s13] =	ssyncadd.s32 $0xFFFFC000  }
0x2e: {  	[spmem:s10] =	stream.linear.scatter [tilespmem:s14], [sflag:$0x5], $0x4000, $0x38;
	[tilespmem:$0x1EA00] =	vst v63  }
0x2f: {  	_ =	swait.ge [sflag:s13], $0x4000  }
0x30: {  	[sflag:s13] =	ssyncset.done $0x0  }
0x31: {  	[sflag:s13] =	ssyncadd.s32 $0xFFFFC000  }
0x32: {  	[spmem:s11] =	stream.linear.scatter [tilespmem:s14], [sflag:$0x5], $0x4000, $0x38;
	[tilespmem:$0x1EA00] =	vst v63  }
0x33: {  	_ =	swait.ge [sflag:s13], $0x4000  }
0x34: {  	[sflag:s13] =	ssyncset.done $0x0  }
0x35: {  	[sflag:s13] =	ssyncadd.s32 $0xFFFFC000  }
0x36: {  	[spmem:s12] =	stream.linear.scatter [tilespmem:s14], [sflag:$0x5], $0x4000, $0x38;
	[tilespmem:$0x1EA00] =	vst v63  }
0x37: {  	_ =	swait.ge [sflag:s13], $0x4000  }
0x38: {  	[sflag:s13] =	ssyncset.done $0x0  }
0x39: {  	[sflag:s13] =	ssyncadd.s32 $0xFFFFC000  }
0x3a: {  	[bflag:$0x0] =	sbarrier.arrive $0xFFFF  }
0x3b: {  	v2 =	vld [tilespmem:$0x0]  }
0x3c: {  	v3 =	vld [tilespmem:$0x10];
	_ =	sdelay $0x1  }
0x3d: {  	v4 =	vld [tilespmem:$0x20];
	_ =	sdelay $0x1  }
0x3e: {  	v6 =	vld [tilespmem:$0x30];
	v5 =	vand.u32 $0xFFFF, v2;
	v2 =	vshra.s32 v2, $0x10  }
0x3f: {  	v57 =	vand.u32 $0xFFFF, v3;
	v5 =	vadd.s32 v0, v5;
	[tilespmem:$0x2900] =	vst v2  }
0x40: {  	v58 =	vld [tilespmem:$0x40];
	v2 =	vadd.s32 v0, v57;
	[tilespmem:$0x2800] =	vst v5  }
0x41: {  	[tilespmem:$0x2810] =	vst v2;
	v2 =	vshra.s32 v3, $0x10;
	v3 =	vand.u32 $0xFFFF, v4  }
0x42: {  	[tilespmem:$0x2910] =	vst v2;
	v2 =	vadd.s32 v0, v3;
	v3 =	vld [tilespmem:$0x50]  }
0x43: {  	v59 =	vand.u32 $0xFFFF, v6;
	[tilespmem:$0x2820] =	vst v2;
	v2 =	vshra.s32 v4, $0x10  }
0x44: {  	v60 =	vld [tilespmem:$0x60];
	[tilespmem:$0x2920] =	vst v2;
	v2 =	vadd.s32 v0, v59  }
0x45: {  	v61 =	vand.u32 $0xFFFF, v58;
	[tilespmem:$0x2830] =	vst v2;
	v2 =	vshra.s32 v6, $0x10  }
0x46: {  	v62 =	vld [tilespmem:$0x70];
	[tilespmem:$0x2930] =	vst v2;
	v2 =	vadd.s32 v0, v61  }
0x47: {  	[tilespmem:$0x2840] =	vst v2;
	v2 =	vshra.s32 v58, $0x10;
	v63 =	vand.u32 $0xFFFF, v3  }
0x48: {  	[tilespmem:$0x2940] =	vst v2;
	v2 =	vadd.s32 v0, v63  }
0x49: {  	[tilespmem:$0x2850] =	vst v2;
	v2 =	vshra.s32 v3, $0x10;
	v3 =	vand.u32 $0xFFFF, v60  }
0x4a: {  	[tilespmem:$0x2950] =	vst v2;
	v2 =	vadd.s32 v0, v3  }
0x4b: {  	v3 =	vand.u32 $0xFFFF, v62;
	[tilespmem:$0x2860] =	vst v2;
	v2 =	vshra.s32 v60, $0x10  }
0x4c: {  	[tilespmem:$0x2960] =	vst v2;
	v2 =	vadd.s32 v0, v3  }
0x4d: {  	p0 =	por $0x1, $0x1;
	[tilespmem:$0x2870] =	vst v2;
	v2 =	vshra.s32 v62, $0x10  }
0x4e: {  	s26 =	simm.s32 @!p0 $0x4;
	[tilespmem:$0x2970] =	vst v2  }
0x4f: {  	[tilespmem:s14], [sflag:$0x1] =	stream.indirect.gather [hbm4b:s4+s15], $0x80, s16, s15, $0xb8;
	[tilespmem:$0x1EA00] =	vst v63  }
0x50: {  	_ =	swait.ge @!p0 [sflag:s26], $0x4000  }
0x51: {  	[sflag:s26] =	ssyncset.done @!p0 $0x0  }
0x52: {  	s28 =	simm.s32 $0x0;
	[sflag:s26] =	ssyncadd.s32 @!p0 $0xFFFFC000  }
0x53: {  	v2 =	vld [tilespmem:s28+$0x80];
	_ =	sdelay $0x4  }
0x54: {  	v3 =	vand.u32 $0xFFFF, v2;
	v2 =	vshra.s32 v2, $0x10  }
0x55: {  	v3 =	vadd.s32 v0, v3;
	[tilespmem:$0x2980] =	vst v2  }
0x56: {  	[tilespmem:$0x2880] =	vst v3  }
0x57: {  	v2 =	vld [tilespmem:s28+$0x90];
	_ =	sdelay $0x4  }
0x58: {  	v3 =	vand.u32 $0xFFFF, v2;
	v2 =	vshra.s32 v2, $0x10  }
0x59: {  	v3 =	vadd.s32 v0, v3;
	[tilespmem:$0x2990] =	vst v2  }
0x5a: {  	[tilespmem:$0x2890] =	vst v3  }
0x5b: {  	v2 =	vld [tilespmem:s28+$0xA0];
	_ =	sdelay $0x4  }
0x5c: {  	v3 =	vand.u32 $0xFFFF, v2;
	v2 =	vshra.s32 v2, $0x10  }
0x5d: {  	v3 =	vadd.s32 v0, v3;
	[tilespmem:$0x29A0] =	vst v2  }
0x5e: {  	[tilespmem:$0x28A0] =	vst v3  }
0x5f: {  	v2 =	vld [tilespmem:s28+$0xB0];
	_ =	sdelay $0x4  }
0x60: {  	v3 =	vand.u32 $0xFFFF, v2;
	v2 =	vshra.s32 v2, $0x10  }
0x61: {  	v3 =	vadd.s32 v0, v3;
	[tilespmem:$0x29B0] =	vst v2  }
0x62: {  	[tilespmem:$0x28B0] =	vst v3  }
0x63: {  	v2 =	vld [tilespmem:s28+$0xC0];
	_ =	sdelay $0x4  }
0x64: {  	v3 =	vand.u32 $0xFFFF, v2;
	v2 =	vshra.s32 v2, $0x10  }
0x65: {  	v3 =	vadd.s32 v0, v3;
	[tilespmem:$0x29C0] =	vst v2  }
0x66: {  	[tilespmem:$0x28C0] =	vst v3  }
0x67: {  	v2 =	vld [tilespmem:s28+$0xD0];
	_ =	sdelay $0x4  }
0x68: {  	v3 =	vand.u32 $0xFFFF, v2;
	v2 =	vshra.s32 v2, $0x10  }
0x69: {  	v3 =	vadd.s32 v0, v3;
	[tilespmem:$0x29D0] =	vst v2  }
0x6a: {  	[tilespmem:$0x28D0] =	vst v3  }
0x6b: {  	v2 =	vld [tilespmem:s28+$0xE0];
	_ =	sdelay $0x4  }
0x6c: {  	v3 =	vand.u32 $0xFFFF, v2;
	v2 =	vshra.s32 v2, $0x10  }
0x6d: {  	v3 =	vadd.s32 v0, v3;
	[tilespmem:$0x29E0] =	vst v2  }
0x6e: {  	[tilespmem:$0x28E0] =	vst v3  }
0x6f: {  	v2 =	vld [tilespmem:s28+$0xF0];
	_ =	sdelay $0x4  }
0x70: {  	v3 =	vand.u32 $0xFFFF, v2;
	v2 =	vshra.s32 v2, $0x10  }
0x71: {  	v3 =	vadd.s32 v0, v3;
	[tilespmem:$0x29F0] =	vst v2  }
0x72: {  	[tilespmem:$0x28F0] =	vst v3  }
0x73: {  	[tilespmem:s18], [sflag:$0x2] =	stream.indirect.gather [hbm4b:s4+s15], $0x80, s17, s15, $0xb8;
	[tilespmem:$0x1EA00] =	vst v63  }
0x74: {  	_ =	swait.ge [sflag:s19], $0x4000  }
0x75: {  	p0 =	por $0x0, $0x0;
	[sflag:s19] =	ssyncset.done $0x0  }
0x76: {  	s26 =	simm.s32 @!p0 $0x3;
	[sflag:s19] =	ssyncadd.s32 $0xFFFFC000  }
0x77: {  	[spmem:s1] =	stream.indirect.scatter.add.f32 [tilespmem:s14], [sflag:$0x3], $0x80, s20, s15, $0xb8;
	[tilespmem:$0x1EA00] =	vst v63  }
0x78: {  	_ =	swait.ge @!p0 [sflag:s26], $0x4000  }
0x79: {  	[sflag:s26] =	ssyncset.done @!p0 $0x0  }
0x7a: {  	s28 =	simm.s32 @!p0 $0x0;
	[sflag:s26] =	ssyncadd.s32 @!p0 $0xFFFFC000  }
0x7b: {  	v2 =	vld @!p0 [tilespmem:s28+$0x100];
	_ =	sdelay $0x4  }
0x7c: {  	v3 =	vand.u32 @!p0 $0xFFFF, v2;
	v2 =	vshra.s32 @!p0 v2, $0x10  }
0x7d: {  	v3 =	vadd.s32 @!p0 v0, v3;
	[tilespmem:$0x2900] =	vst @!p0 v2  }
0x7e: {  	[tilespmem:$0x2800] =	vst @!p0 v3  }
0x7f: {  	v2 =	vld @!p0 [tilespmem:s28+$0x110];
	_ =	sdelay $0x4  }
0x80: {  	v3 =	vand.u32 @!p0 $0xFFFF, v2;
	v2 =	vshra.s32 @!p0 v2, $0x10  }
0x81: {  	v3 =	vadd.s32 @!p0 v0, v3;
	[tilespmem:$0x2910] =	vst @!p0 v2  }
0x82: {  	[tilespmem:$0x2810] =	vst @!p0 v3  }
0x83: {  	v2 =	vld @!p0 [tilespmem:s28+$0x120];
	_ =	sdelay $0x4  }
0x84: {  	v3 =	vand.u32 @!p0 $0xFFFF, v2;
	v2 =	vshra.s32 @!p0 v2, $0x10  }
0x85: {  	v3 =	vadd.s32 @!p0 v0, v3;
	[tilespmem:$0x2920] =	vst @!p0 v2  }
0x86: {  	[tilespmem:$0x2820] =	vst @!p0 v3  }
0x87: {  	v2 =	vld @!p0 [tilespmem:s28+$0x130];
	_ =	sdelay $0x4  }
0x88: {  	v3 =	vand.u32 @!p0 $0xFFFF, v2;
	v2 =	vshra.s32 @!p0 v2, $0x10  }
0x89: {  	v3 =	vadd.s32 @!p0 v0, v3;
	[tilespmem:$0x2930] =	vst @!p0 v2  }
0x8a: {  	[tilespmem:$0x2830] =	vst @!p0 v3  }
0x8b: {  	v2 =	vld @!p0 [tilespmem:s28+$0x140];
	_ =	sdelay $0x4  }
0x8c: {  	v3 =	vand.u32 @!p0 $0xFFFF, v2;
	v2 =	vshra.s32 @!p0 v2, $0x10  }
0x8d: {  	v3 =	vadd.s32 @!p0 v0, v3;
	[tilespmem:$0x2940] =	vst @!p0 v2  }
0x8e: {  	[tilespmem:$0x2840] =	vst @!p0 v3  }
0x8f: {  	v2 =	vld @!p0 [tilespmem:s28+$0x150];
	_ =	sdelay $0x4  }
0x90: {  	v3 =	vand.u32 @!p0 $0xFFFF, v2;
	v2 =	vshra.s32 @!p0 v2, $0x10  }
0x91: {  	v3 =	vadd.s32 @!p0 v0, v3;
	[tilespmem:$0x2950] =	vst @!p0 v2  }
0x92: {  	[tilespmem:$0x2850] =	vst @!p0 v3  }
0x93: {  	v2 =	vld @!p0 [tilespmem:s28+$0x160];
	_ =	sdelay $0x4  }
0x94: {  	v3 =	vand.u32 @!p0 $0xFFFF, v2;
	v2 =	vshra.s32 @!p0 v2, $0x10  }
0x95: {  	v3 =	vadd.s32 @!p0 v0, v3;
	[tilespmem:$0x2960] =	vst @!p0 v2  }
0x96: {  	[tilespmem:$0x2860] =	vst @!p0 v3  }
0x97: {  	v2 =	vld @!p0 [tilespmem:s28+$0x170];
	_ =	sdelay $0x4  }
0x98: {  	v3 =	vand.u32 @!p0 $0xFFFF, v2;
	v2 =	vshra.s32 @!p0 v2, $0x10  }
0x99: {  	p1 =	por $0x0, $0x0;
	v3 =	vadd.s32 @!p0 v0, v3;
	[tilespmem:$0x2970] =	vst @!p0 v2  }
0x9a: {  	s29 =	simm.s32 @!p0 $0x2A00;
	s26 =	simm.s32 @!p0 $0x80;
	s28 =	simm.s32 @!p0 $0x2800;
	[tilespmem:$0x2870] =	vst @!p0 v3  }
0x9b: {  	[tilespmem:s29], [sflag:$0x1] =	stream.indirect.gather @!p0 [hbm4b:s4+s26], $0x80, s28, s26, $0xb8;
	[tilespmem:$0x1EA00] =	vst v63  }
0x9c: {  	s26 =	simm.s32 $0x400;
	s28 =	simm.s32 $0x800;
	_ =	swait.ge [sflag:s21], $0x4000  }
.LBB2_4:
0x9d: {  	s31 =	simm.s32 @!p1 $0x4  }
0x9e: {  	[sflag:s21] =	ssyncset.done $0x0;
	s29 =	smov.u32 s28;
	s28 =	sadd.s32 $0x400, s28  }
0x9f: {  	p0 =	sne.s32 s28, $0xA000;
	[sflag:s21] =	ssyncadd.s32 $0xFFFFC000  }
0xa0: {  	[spmem:s1] =	stream.indirect.scatter.add.f32 [tilespmem:s18], [sflag:$0x4], $0x80, s22, s15, $0xb8;
	[tilespmem:$0x1EA00] =	vst v63  }
0xa1: {  	_ =	swait.ge @!p1 [sflag:s31], $0x4000  }
0xa2: {  	s30 =	sshra.s32 s26, $0x2;
	[sflag:s31] =	ssyncset.done @!p1 $0x0  }
0xa3: {  	[sflag:s31] =	ssyncadd.s32 @!p1 $0xFFFFC000  }
0xa4: {  	v2 =	vld [tilespmem:s30+$0x80];
	_ =	sdelay $0x4  }
0xa5: {  	v3 =	vand.u32 $0xFFFF, v2;
	v2 =	vshra.s32 v2, $0x10  }
0xa6: {  	v3 =	vadd.s32 v0, v3;
	[tilespmem:$0x2980] =	vst v2  }
0xa7: {  	[tilespmem:$0x2880] =	vst v3  }
0xa8: {  	v2 =	vld [tilespmem:s30+$0x90];
	_ =	sdelay $0x4  }
0xa9: {  	v3 =	vand.u32 $0xFFFF, v2;
	v2 =	vshra.s32 v2, $0x10  }
0xaa: {  	v3 =	vadd.s32 v0, v3;
	[tilespmem:$0x2990] =	vst v2  }
0xab: {  	[tilespmem:$0x2890] =	vst v3  }
0xac: {  	v2 =	vld [tilespmem:s30+$0xA0];
	_ =	sdelay $0x4  }
0xad: {  	v3 =	vand.u32 $0xFFFF, v2;
	v2 =	vshra.s32 v2, $0x10  }
0xae: {  	v3 =	vadd.s32 v0, v3;
	[tilespmem:$0x29A0] =	vst v2  }
0xaf: {  	[tilespmem:$0x28A0] =	vst v3  }
0xb0: {  	v2 =	vld [tilespmem:s30+$0xB0];
	_ =	sdelay $0x4  }
0xb1: {  	v3 =	vand.u32 $0xFFFF, v2;
	v2 =	vshra.s32 v2, $0x10  }
0xb2: {  	v3 =	vadd.s32 v0, v3;
	[tilespmem:$0x29B0] =	vst v2  }
0xb3: {  	[tilespmem:$0x28B0] =	vst v3  }
0xb4: {  	v2 =	vld [tilespmem:s30+$0xC0];
	_ =	sdelay $0x4  }
0xb5: {  	v3 =	vand.u32 $0xFFFF, v2;
	v2 =	vshra.s32 v2, $0x10  }
0xb6: {  	v3 =	vadd.s32 v0, v3;
	[tilespmem:$0x29C0] =	vst v2  }
0xb7: {  	[tilespmem:$0x28C0] =	vst v3  }
0xb8: {  	v2 =	vld [tilespmem:s30+$0xD0];
	_ =	sdelay $0x4  }
0xb9: {  	v3 =	vand.u32 $0xFFFF, v2;
	v2 =	vshra.s32 v2, $0x10  }
0xba: {  	v3 =	vadd.s32 v0, v3;
	[tilespmem:$0x29D0] =	vst v2  }
0xbb: {  	[tilespmem:$0x28D0] =	vst v3  }
0xbc: {  	v2 =	vld [tilespmem:s30+$0xE0];
	_ =	sdelay $0x4  }
0xbd: {  	v3 =	vand.u32 $0xFFFF, v2;
	v2 =	vshra.s32 v2, $0x10  }
0xbe: {  	v3 =	vadd.s32 v0, v3;
	[tilespmem:$0x29E0] =	vst v2  }
0xbf: {  	[tilespmem:$0x28E0] =	vst v3  }
0xc0: {  	v2 =	vld [tilespmem:s30+$0xF0];
	_ =	sdelay $0x4  }
0xc1: {  	v3 =	vand.u32 $0xFFFF, v2;
	v2 =	vshra.s32 v2, $0x10  }
0xc2: {  	v3 =	vadd.s32 v0, v3;
	[tilespmem:$0x29F0] =	vst v2  }
0xc3: {  	[tilespmem:$0x28F0] =	vst v3  }
0xc4: {  	[tilespmem:s18], [sflag:$0x2] =	stream.indirect.gather [hbm4b:s4+s15], $0x80, s17, s15, $0xb8;
	[tilespmem:$0x1EA00] =	vst v63  }
0xc5: {  	_ =	swait.ge [sflag:s19], $0x4000  }
0xc6: {  	p1 =	seq.s32 s26, $0x9C00;
	[sflag:s19] =	ssyncset.done $0x0  }
0xc7: {  	s31 =	simm.s32 @!p1 $0x3;
	[sflag:s19] =	ssyncadd.s32 $0xFFFFC000  }
0xc8: {  	[spmem:s1] =	stream.indirect.scatter.add.f32 [tilespmem:s14], [sflag:$0x3], $0x80, s20, s15, $0xb8;
	[tilespmem:$0x1EA00] =	vst v63  }
0xc9: {  	_ =	swait.ge @!p1 [sflag:s31], $0x4000  }
0xca: {  	s30 =	sshra.s32 @!p1 s26, $0x2;
	s26 =	smov.u32 s29;
	[sflag:s31] =	ssyncset.done @!p1 $0x0  }
0xcb: {  	[sflag:s31] =	ssyncadd.s32 @!p1 $0xFFFFC000  }
0xcc: {  	v2 =	vld @!p1 [tilespmem:s30+$0x100];
	_ =	sdelay $0x4  }
0xcd: {  	v3 =	vand.u32 @!p1 $0xFFFF, v2;
	v2 =	vshra.s32 @!p1 v2, $0x10  }
0xce: {  	v3 =	vadd.s32 @!p1 v0, v3;
	[tilespmem:$0x2900] =	vst @!p1 v2  }
0xcf: {  	[tilespmem:$0x2800] =	vst @!p1 v3  }
0xd0: {  	v2 =	vld @!p1 [tilespmem:s30+$0x110];
	_ =	sdelay $0x4  }
0xd1: {  	v3 =	vand.u32 @!p1 $0xFFFF, v2;
	v2 =	vshra.s32 @!p1 v2, $0x10  }
0xd2: {  	v3 =	vadd.s32 @!p1 v0, v3;
	[tilespmem:$0x2910] =	vst @!p1 v2  }
0xd3: {  	[tilespmem:$0x2810] =	vst @!p1 v3  }
0xd4: {  	v2 =	vld @!p1 [tilespmem:s30+$0x120];
	_ =	sdelay $0x4  }
0xd5: {  	v3 =	vand.u32 @!p1 $0xFFFF, v2;
	v2 =	vshra.s32 @!p1 v2, $0x10  }
0xd6: {  	v3 =	vadd.s32 @!p1 v0, v3;
	[tilespmem:$0x2920] =	vst @!p1 v2  }
0xd7: {  	[tilespmem:$0x2820] =	vst @!p1 v3  }
0xd8: {  	v2 =	vld @!p1 [tilespmem:s30+$0x130];
	_ =	sdelay $0x4  }
0xd9: {  	v3 =	vand.u32 @!p1 $0xFFFF, v2;
	v2 =	vshra.s32 @!p1 v2, $0x10  }
0xda: {  	v3 =	vadd.s32 @!p1 v0, v3;
	[tilespmem:$0x2930] =	vst @!p1 v2  }
0xdb: {  	[tilespmem:$0x2830] =	vst @!p1 v3  }
0xdc: {  	v2 =	vld @!p1 [tilespmem:s30+$0x140];
	_ =	sdelay $0x4  }
0xdd: {  	v3 =	vand.u32 @!p1 $0xFFFF, v2;
	v2 =	vshra.s32 @!p1 v2, $0x10  }
0xde: {  	v3 =	vadd.s32 @!p1 v0, v3;
	[tilespmem:$0x2940] =	vst @!p1 v2  }
0xdf: {  	[tilespmem:$0x2840] =	vst @!p1 v3  }
0xe0: {  	v2 =	vld @!p1 [tilespmem:s30+$0x150];
	_ =	sdelay $0x4  }
0xe1: {  	v3 =	vand.u32 @!p1 $0xFFFF, v2;
	v2 =	vshra.s32 @!p1 v2, $0x10  }
0xe2: {  	v3 =	vadd.s32 @!p1 v0, v3;
	[tilespmem:$0x2950] =	vst @!p1 v2  }
0xe3: {  	[tilespmem:$0x2850] =	vst @!p1 v3  }
0xe4: {  	v2 =	vld @!p1 [tilespmem:s30+$0x160];
	_ =	sdelay $0x4  }
0xe5: {  	v3 =	vand.u32 @!p1 $0xFFFF, v2;
	v2 =	vshra.s32 @!p1 v2, $0x10  }
0xe6: {  	v3 =	vadd.s32 @!p1 v0, v3;
	[tilespmem:$0x2960] =	vst @!p1 v2  }
0xe7: {  	[tilespmem:$0x2860] =	vst @!p1 v3  }
0xe8: {  	v2 =	vld @!p1 [tilespmem:s30+$0x170];
	_ =	sdelay $0x4  }
.Ltmp1:
0xe9: {  	v3 =	vand.u32 @!p1 $0xFFFF, v2;
	v2 =	vshra.s32 @!p1 v2, $0x10;
	(pc) =	sbr.rel @p0 .LBB2_4-.Ltmp1, $4  }
0xea: {  	s29 =	simm.s32 @!p1 $0x80;
	s31 =	simm.s32 @!p1 $0x2A00;
	s30 =	simm.s32 @!p1 $0x2800;
	v3 =	vadd.s32 @!p1 v0, v3;
	[tilespmem:$0x2970] =	vst @!p1 v2  }
0xeb: {  	[tilespmem:$0x2870] =	vst @!p1 v3  }
0xec: {  	[tilespmem:s31], [sflag:$0x1] =	stream.indirect.gather @!p1 [hbm4b:s4+s29], $0x80, s30, s29, $0xb8;
	[tilespmem:$0x1EA00] =	vst v63  }
0xed: {  	p1 =	seq.s32 s26, $0x0;
	_ =	swait.ge [sflag:s21], $0x4000  }
0xee: {  	[sflag:s21] =	ssyncset.done $0x0  }
0xef: {  	s28 =	simm.s32 @!p1 $0x4;
	[sflag:s21] =	ssyncadd.s32 $0xFFFFC000  }
0xf0: {  	[spmem:s1] =	stream.indirect.scatter.add.f32 [tilespmem:s18], [sflag:$0x4], $0x80, s22, s15, $0xb8;
	[tilespmem:$0x1EA00] =	vst v63  }
0xf1: {  	_ =	swait.ge @!p1 [sflag:s28], $0x4000  }
0xf2: {  	[sflag:s28] =	ssyncset.done @!p1 $0x0  }
0xf3: {  	s29 =	sshra.s32 s26, $0x2;
	[sflag:s28] =	ssyncadd.s32 @!p1 $0xFFFFC000  }
0xf4: {  	v2 =	vld [tilespmem:s29+$0x80];
	_ =	sdelay $0x4  }
0xf5: {  	v3 =	vand.u32 $0xFFFF, v2;
	v2 =	vshra.s32 v2, $0x10  }
0xf6: {  	v3 =	vadd.s32 v0, v3;
	[tilespmem:$0x2980] =	vst v2  }
0xf7: {  	[tilespmem:$0x2880] =	vst v3  }
0xf8: {  	v2 =	vld [tilespmem:s29+$0x90];
	_ =	sdelay $0x4  }
0xf9: {  	v3 =	vand.u32 $0xFFFF, v2;
	v2 =	vshra.s32 v2, $0x10  }
0xfa: {  	v3 =	vadd.s32 v0, v3;
	[tilespmem:$0x2990] =	vst v2  }
0xfb: {  	[tilespmem:$0x2890] =	vst v3  }
0xfc: {  	v2 =	vld [tilespmem:s29+$0xA0];
	_ =	sdelay $0x4  }
0xfd: {  	v3 =	vand.u32 $0xFFFF, v2;
	v2 =	vshra.s32 v2, $0x10  }
0xfe: {  	v3 =	vadd.s32 v0, v3;
	[tilespmem:$0x29A0] =	vst v2  }
0xff: {  	[tilespmem:$0x28A0] =	vst v3  }
0x100: {  	v2 =	vld [tilespmem:s29+$0xB0];
	_ =	sdelay $0x4  }
0x101: {  	v3 =	vand.u32 $0xFFFF, v2;
	v2 =	vshra.s32 v2, $0x10  }
0x102: {  	v3 =	vadd.s32 v0, v3;
	[tilespmem:$0x29B0] =	vst v2  }
0x103: {  	[tilespmem:$0x28B0] =	vst v3  }
0x104: {  	v2 =	vld [tilespmem:s29+$0xC0];
	_ =	sdelay $0x4  }
0x105: {  	v3 =	vand.u32 $0xFFFF, v2;
	v2 =	vshra.s32 v2, $0x10  }
0x106: {  	v3 =	vadd.s32 v0, v3;
	[tilespmem:$0x29C0] =	vst v2  }
0x107: {  	[tilespmem:$0x28C0] =	vst v3  }
0x108: {  	v2 =	vld [tilespmem:s29+$0xD0];
	_ =	sdelay $0x4  }
0x109: {  	v3 =	vand.u32 $0xFFFF, v2;
	v2 =	vshra.s32 v2, $0x10  }
0x10a: {  	v3 =	vadd.s32 v0, v3;
	[tilespmem:$0x29D0] =	vst v2  }
0x10b: {  	[tilespmem:$0x28D0] =	vst v3  }
0x10c: {  	v2 =	vld [tilespmem:s29+$0xE0];
	_ =	sdelay $0x4  }
0x10d: {  	v3 =	vand.u32 $0xFFFF, v2;
	v2 =	vshra.s32 v2, $0x10  }
0x10e: {  	v3 =	vadd.s32 v0, v3;
	[tilespmem:$0x29E0] =	vst v2  }
0x10f: {  	[tilespmem:$0x28E0] =	vst v3  }
0x110: {  	v2 =	vld [tilespmem:s29+$0xF0];
	_ =	sdelay $0x4  }
0x111: {  	v3 =	vand.u32 $0xFFFF, v2;
	v2 =	vshra.s32 v2, $0x10  }
0x112: {  	v3 =	vadd.s32 v0, v3;
	[tilespmem:$0x29F0] =	vst v2  }
0x113: {  	[tilespmem:$0x28F0] =	vst v3  }
0x114: {  	[tilespmem:s18], [sflag:$0x2] =	stream.indirect.gather [hbm4b:s4+s15], $0x80, s17, s15, $0xb8;
	[tilespmem:$0x1EA00] =	vst v63  }
0x115: {  	_ =	swait.ge [sflag:s19], $0x4000  }
0x116: {  	p0 =	seq.s32 s26, $0x9C00;
	[sflag:s19] =	ssyncset.done $0x0  }
0x117: {  	s28 =	simm.s32 @!p0 $0x3;
	[sflag:s19] =	ssyncadd.s32 $0xFFFFC000  }
0x118: {  	[spmem:s1] =	stream.indirect.scatter.add.f32 [tilespmem:s14], [sflag:$0x3], $0x80, s20, s15, $0xb8;
	[tilespmem:$0x1EA00] =	vst v63  }
0x119: {  	_ =	swait.ge @!p0 [sflag:s28], $0x4000  }
0x11a: {  	[sflag:s28] =	ssyncset.done @!p0 $0x0  }
0x11b: {  	s26 =	sshra.s32 @!p0 s26, $0x2;
	[sflag:s28] =	ssyncadd.s32 @!p0 $0xFFFFC000  }
0x11c: {  	v2 =	vld @!p0 [tilespmem:s26+$0x100];
	_ =	sdelay $0x4  }
0x11d: {  	v3 =	vand.u32 @!p0 $0xFFFF, v2;
	v2 =	vshra.s32 @!p0 v2, $0x10  }
0x11e: {  	v3 =	vadd.s32 @!p0 v0, v3;
	[tilespmem:$0x2900] =	vst @!p0 v2  }
0x11f: {  	[tilespmem:$0x2800] =	vst @!p0 v3  }
0x120: {  	v2 =	vld @!p0 [tilespmem:s26+$0x110];
	_ =	sdelay $0x4  }
0x121: {  	v3 =	vand.u32 @!p0 $0xFFFF, v2;
	v2 =	vshra.s32 @!p0 v2, $0x10  }
0x122: {  	v3 =	vadd.s32 @!p0 v0, v3;
	[tilespmem:$0x2910] =	vst @!p0 v2  }
0x123: {  	[tilespmem:$0x2810] =	vst @!p0 v3  }
0x124: {  	v2 =	vld @!p0 [tilespmem:s26+$0x120];
	_ =	sdelay $0x4  }
0x125: {  	v3 =	vand.u32 @!p0 $0xFFFF, v2;
	v2 =	vshra.s32 @!p0 v2, $0x10  }
0x126: {  	v3 =	vadd.s32 @!p0 v0, v3;
	[tilespmem:$0x2920] =	vst @!p0 v2  }
0x127: {  	[tilespmem:$0x2820] =	vst @!p0 v3  }
0x128: {  	v2 =	vld @!p0 [tilespmem:s26+$0x130];
	_ =	sdelay $0x4  }
0x129: {  	v3 =	vand.u32 @!p0 $0xFFFF, v2;
	v2 =	vshra.s32 @!p0 v2, $0x10  }
0x12a: {  	v3 =	vadd.s32 @!p0 v0, v3;
	[tilespmem:$0x2930] =	vst @!p0 v2  }
0x12b: {  	[tilespmem:$0x2830] =	vst @!p0 v3  }
0x12c: {  	v2 =	vld @!p0 [tilespmem:s26+$0x140];
	_ =	sdelay $0x4  }
0x12d: {  	v3 =	vand.u32 @!p0 $0xFFFF, v2;
	v2 =	vshra.s32 @!p0 v2, $0x10  }
0x12e: {  	v3 =	vadd.s32 @!p0 v0, v3;
	[tilespmem:$0x2940] =	vst @!p0 v2  }
0x12f: {  	[tilespmem:$0x2840] =	vst @!p0 v3  }
0x130: {  	v2 =	vld @!p0 [tilespmem:s26+$0x150];
	_ =	sdelay $0x4  }
0x131: {  	v3 =	vand.u32 @!p0 $0xFFFF, v2;
	v2 =	vshra.s32 @!p0 v2, $0x10  }
0x132: {  	v3 =	vadd.s32 @!p0 v0, v3;
	[tilespmem:$0x2950] =	vst @!p0 v2  }
0x133: {  	[tilespmem:$0x2850] =	vst @!p0 v3  }
0x134: {  	v2 =	vld @!p0 [tilespmem:s26+$0x160];
	_ =	sdelay $0x4  }
0x135: {  	v3 =	vand.u32 @!p0 $0xFFFF, v2;
	v2 =	vshra.s32 @!p0 v2, $0x10  }
0x136: {  	v3 =	vadd.s32 @!p0 v0, v3;
	[tilespmem:$0x2960] =	vst @!p0 v2  }
0x137: {  	[tilespmem:$0x2860] =	vst @!p0 v3  }
0x138: {  	v2 =	vld @!p0 [tilespmem:s26+$0x170];
	_ =	sdelay $0x4  }
0x139: {  	v3 =	vand.u32 @!p0 $0xFFFF, v2;
	v2 =	vshra.s32 @!p0 v2, $0x10  }
0x13a: {  	v3 =	vadd.s32 @!p0 v0, v3;
	[tilespmem:$0x2970] =	vst @!p0 v2  }
0x13b: {  	s29 =	simm.s32 @!p0 $0x2A00;
	s28 =	simm.s32 @!p0 $0x2800;
	s26 =	simm.s32 @!p0 $0x80;
	[tilespmem:$0x2870] =	vst @!p0 v3  }
0x13c: {  	[tilespmem:s29], [sflag:$0x1] =	stream.indirect.gather @!p0 [hbm4b:s4+s26], $0x80, s28, s26, $0xb8;
	[tilespmem:$0x1EA00] =	vst v63  }
0x13d: {  	_ =	swait.ge [sflag:s21], $0x4000  }
0x13e: {  	[sflag:s21] =	ssyncset.done $0x0  }
0x13f: {  	[sflag:s21] =	ssyncadd.s32 $0xFFFFC000  }
0x140: {  	[spmem:s1] =	stream.indirect.scatter.add.f32 [tilespmem:s18], [sflag:$0x4], $0x80, s22, s15, $0xb8;
	[tilespmem:$0x1EA00] =	vst v63  }
0x141: {  	_ =	swait.ge [sflag:s23], $0x4000  }
0x142: {  	[sflag:s23] =	ssyncset.done $0x0  }
0x143: {  	[sflag:s23] =	ssyncadd.s32 $0xFFFFC000  }
0x144: {  	_ =	swait.ge [sflag:s24], $0x4000  }
0x145: {  	s30 =	sshll.u32 s2, $0x6;
	s25 =	sadd.s32 $0x1, s25;
	[sflag:s24] =	ssyncset.done $0x0  }
0x146: {  	s31 =	sshrl.u32 s6, $0x3;
	p0 =	sne.s32 s25, s8;
	[sflag:s24] =	ssyncadd.s32 $0xFFFFC000  }
.Ltmp2:
0x147: {  	s26 =	sor.u32 $0x1C05, s30;
	[bflag:$0x0] =	sbarrier.arrive $0xFFFF;
	(pc) =	sbr.rel @p0 .LBB2_1-.Ltmp2, $4  }
0x148: {  	[hbm:s7], [sflag:s26] =	dma.local [spmem:s31], $0x2800  }
0x149: {  	_ =	swait.ge [sflag:s13], $0x2800  }
0x14a: {  	[sflag:s13] =	ssyncset.done $0x0  }
0x14b: {  	[sflag:s13] =	ssyncadd.s32 $0xFFFFD800  }
0x14c: {  	_ =	sfence.sel $0x180000  }
0x14d: {  	[bflag:$0x0] =	sbarrier.arrive $0xFFFF  }
0x14e: {  	p0 =	sne.s32 s2, $0x0;
	_ =	strace $0x9000004D  }
0x14f: {  	s0 =	sadd.s32 @!p0 $0x100000, s0;
	[bflag:$0x2] =	sbarrier.arrive $0xFFFF  }
0x150: {  	[sflag:s0] =	ssyncadd.tile.s32 @!p0 $0x1;
	_ =	shalt  }
.Lfunc_end2:
_tile_overlayer_lowered:
.L_overlay_start_2:
0x151: {  	(tag) =	ssettag $0x2  }
0x152: {  	s0 =	rddreg [dreg:$0x0];
	s2 =	stileid.u32  }
0x153: {  	s1 =	rddreg [dreg:$0x1];
	p0 =	sne.s32 s2, $0x0  }
0x154: {  	s3 =	rddreg [dreg:$0x2];
	[bflag:$0x3] =	sbarrier.arrive $0xFFFF;
	s2 =	simm.s32 @!p0 $0x1C05  }
0x155: {  	[timem:s3], [sflag:s2] =	dma.local @!p0 [hbm:s0], s1  }
0x156: {  	s0 =	simm.s32 @!p0 $0x5  }
0x157: {  	_ =	swait.ge @!p0 [sflag:s0], s1  }
0x158: {  	s1 =	ssub.s32 @!p0 $0x0, s1;
	[sflag:s0] =	ssyncset.done @!p0 $0x0  }
0x159: {  	[sflag:s0] =	ssyncadd.s32 @!p0 s1  }
0x15a: {  	[bflag:$0x3] =	sbarrier.arrive $0xFFFF  }
0x15b: {  	_ =	shalt  }

// kernel: kernel.8.cloned.1.call-start
scs
__scs_entry_jumppad:
0x0: {  	(pc) =	sbr.rel $0x88, $3  }
0x1: {  	(tag) =	ssettag $0x0;
	lr =	simm.s32 $0x1  }
0x2: {  	[smem:$0x3F93] =	sst lr;
	_ =	strace $0xD0000000  }
0x3: {  	_ = 	snop  }
0x4: {  	_ = 	snop  }
0x5: {  	_ = 	snop  }
0x6: {  	_ = 	snop  }
0x7: {  	_ = 	snop  }
__scs_overlays_trampoline_lowered:
0x8: {  	[smem:$0x3FA2] =	sst s0  }
0x9: {  	[smem:$0x3FA3] =	sst s1  }
0xa: {  	[smem:$0x3FA4] =	sst s2  }
0xb: {  	[smem:$0x3FA5] =	sst s3  }
0xc: {  	[smem:$0x3FA6] =	sst s4  }
0xd: {  	[smem:$0x3FA7] =	sst s5  }
0xe: {  	[smem:$0x3FA8] =	sst s6  }
0xf: {  	[smem:$0x3FA9] =	sst s7  }
0x10: {  	[smem:$0x3FAA] =	sst s8  }
0x11: {  	[smem:$0x3FAB] =	sst s9;
	s0 =	simm.s32 @!p0 $0x0  }
0x12: {  	s1 =	sld [smem:$0x3F91];
	s0 =	simm.s32 @p0 $0x1  }
0x13: {  	[smem:$0x3FAC] =	sst s0;
	s0 =	simm.s32 @!p1 $0x0  }
0x14: {  	s2 =	sld [smem:$0x3F90];
	s0 =	simm.s32 @p1 $0x1  }
0x15: {  	[smem:$0x3FAD] =	sst s0;
	s0 =	simm.s32 @!p2 $0x0  }
0x16: {  	s3 =	sld [smem:$0x3FDB];
	s0 =	simm.s32 @p2 $0x1  }
0x17: {  	s4 =	simm.s32 $0x1BF5;
	[smem:$0x3FAF] =	sst s0  }
0x18: {  	s0 =	sld [smem:$0x3F92];
	_ =	swait.ge [sflag:s4], $0x0  }
0x19: {  	s7 =	sld [smem:$0x3F93]  }
0x1a: {  	s8 =	sadd.s32 $0xFFFFE003, lr  }
0x1b: {  	s9 =	sadd.s32 $0xFFFFFEF7, lr;
	s5 =	simm.s32 $0xFFFFFFFF;
	p2 =	slt.u32 s8, $0xFFFFF086  }
0x1c: {  	p1 =	slt.u32 s9, $0xF7A;
	s5 =	simm.s32 @!p2 $0x0  }
0x1d: {  	s5 =	simm.s32 @p1 $0x1;
	p0 =	seq.s32 s7, s2  }
0x1e: {  	s7 =	smul.u32 @!p0 $0xF7A, s2;
	p2 =	seq.s32 @!p0 s5, $0x0  }
0x1f: {  	s9 =	smul.u32 $0xF7A, s1;
	s8 =	simm.s32 @!p0 $0x1BF5;
	p2 =	por !p2, p0  }
0x20: {  	[sflag:s8] =	ssyncset.s32 @!p0 $0xFFFFF086;
	s6 =	sadd.s32 @!p0 s3, s7;
	s7 =	simm.s32 @!p0 $0x108  }
0x21: {  	s3 =	sadd.s32 s3, s9;
	s6 =	sadd.s32 @!p0 $0x88, s6;
	s7 =	simm.s32 @p2 $0x1082  }
0x22: {  	[simem:s7], [sflag:s8] =	dma.local @!p0 [hbm:s6], $0xF7A  }
0x23: {  	s9 =	sor.u32 $0xD0000000, s2;
	s6 =	simm.s32 $0x108;
	_ =	swait.ge @!p0 [sflag:s8], $0x0  }
0x24: {  	s3 =	sadd.s32 $0x88, s3;
	s6 =	simm.s32 @!p1 $0x1082;
	[sflag:s4] =	ssyncset.s32 $0xFFFFF086  }
0x25: {  	[simem:s6], [sflag:s4] =	dma.local [hbm:s3], $0xF7A  }
0x26: {  	[smem:$0x3F93] =	sst s1;
	(tag) =	ssettag s2;
	_ =	strace s9  }
0x27: {  	s1 =	sld [smem:$0x3FA3]  }
0x28: {  	s2 =	sld [smem:$0x3FA4]  }
0x29: {  	s4 =	sld [smem:$0x3FA6]  }
0x2a: {  	p0 =	seq.s32 s5, $0x0;
	s5 =	sld [smem:$0x3FA7]  }
0x2b: {  	s6 =	sld [smem:$0x3FA8]  }
0x2c: {  	s7 =	sld [smem:$0x3FA9]  }
0x2d: {  	s3 =	simm.s32 $0x108;
	s8 =	sld [smem:$0x3FAA]  }
0x2e: {  	s3 =	simm.s32 @!p0 $0x1082;
	s9 =	sld [smem:$0x3FAB]  }
0x2f: {  	lr =	sadd.s32 s0, s3;
	s0 =	sld [smem:$0x3FA2]  }
0x30: {  	s3 =	sld [smem:$0x3FA5]  }
0x31: {  	[smem:$0x3FAE] =	sst s10  }
0x32: {  	s10 =	sld [smem:$0x3FAC];
	_ =	sdelay $0x3  }
0x33: {  	p0 =	seq.s32 s10, $0x1;
	s10 =	sld [smem:$0x3FAE];
	_ =	sdelay $0x3  }
0x34: {  	[smem:$0x3FAE] =	sst s10  }
0x35: {  	s10 =	sld [smem:$0x3FAD];
	_ =	sdelay $0x3  }
0x36: {  	p1 =	seq.s32 s10, $0x1;
	s10 =	sld [smem:$0x3FAE];
	_ =	sdelay $0x3  }
0x37: {  	[smem:$0x3FAE] =	sst s10  }
0x38: {  	s10 =	sld [smem:$0x3FAF]  }
0x39: {  	_ = 	snop;
	(pc) =	sbr.ind lr, $3  }
0x3a: {  	_ = 	snop  }
0x3b: {  	_ = 	snop  }
0x3c: {  	p2 =	seq.s32 s10, $0x1;
	s10 =	sld [smem:$0x3FAE]  }
0x3d: {  	_ =	shalt  }
0x3e: {  	_ =	shalt  }
0x3f: {  	_ =	shalt  }
0x40: {  	_ =	shalt  }
0x41: {  	_ =	shalt  }
0x42: {  	_ =	shalt  }
0x43: {  	_ =	shalt  }
0x44: {  	_ =	shalt  }
0x45: {  	_ =	shalt  }
0x46: {  	_ =	shalt  }
0x47: {  	_ =	shalt  }
0x48: {  	_ =	shalt  }
0x49: {  	_ =	shalt  }
0x4a: {  	_ =	shalt  }
0x4b: {  	_ =	shalt  }
0x4c: {  	_ =	shalt  }
0x4d: {  	_ =	shalt  }
0x4e: {  	_ =	shalt  }
0x4f: {  	_ =	shalt  }
0x50: {  	_ =	shalt  }
0x51: {  	_ =	shalt  }
0x52: {  	_ =	shalt  }
0x53: {  	_ =	shalt  }
0x54: {  	_ =	shalt  }
0x55: {  	_ =	shalt  }
0x56: {  	_ =	shalt  }
0x57: {  	_ =	shalt  }
0x58: {  	_ =	shalt  }
0x59: {  	_ =	shalt  }
0x5a: {  	_ =	shalt  }
0x5b: {  	_ =	shalt  }
0x5c: {  	_ =	shalt  }
0x5d: {  	_ =	shalt  }
0x5e: {  	_ =	shalt  }
0x5f: {  	_ =	shalt  }
0x60: {  	_ =	shalt  }
0x61: {  	_ =	shalt  }
0x62: {  	_ =	shalt  }
0x63: {  	_ =	shalt  }
0x64: {  	_ =	shalt  }
0x65: {  	_ =	shalt  }
0x66: {  	_ =	shalt  }
0x67: {  	_ =	shalt  }
0x68: {  	_ =	shalt  }
0x69: {  	_ =	shalt  }
0x6a: {  	_ =	shalt  }
0x6b: {  	_ =	shalt  }
0x6c: {  	_ =	shalt  }
0x6d: {  	_ =	shalt  }
0x6e: {  	_ =	shalt  }
0x6f: {  	_ =	shalt  }
0x70: {  	_ =	shalt  }
0x71: {  	_ =	shalt  }
0x72: {  	_ =	shalt  }
0x73: {  	_ =	shalt  }
0x74: {  	_ =	shalt  }
0x75: {  	_ =	shalt  }
0x76: {  	_ =	shalt  }
0x77: {  	_ =	shalt  }
0x78: {  	_ =	shalt  }
0x79: {  	_ =	shalt  }
0x7a: {  	_ =	shalt  }
0x7b: {  	_ =	shalt  }
0x7c: {  	_ =	shalt  }
0x7d: {  	_ =	shalt  }
0x7e: {  	_ =	shalt  }
0x7f: {  	_ =	shalt  }
0x80: {  	_ =	shalt  }
0x81: {  	_ =	shalt  }
0x82: {  	_ =	shalt  }
0x83: {  	_ =	shalt  }
0x84: {  	_ =	shalt  }
0x85: {  	_ =	shalt  }
0x86: {  	_ =	shalt  }
0x87: {  	_ =	shalt  }
.Lfunc_end0:
.L_simem_size_0:
called_computation_lowered:
.L_overlay_start_0:
0x88: {  	s2 =	sld [smem:$0x3FD9]  }
0x89: {  	s3 =	sld [smem:$0x3FFE];
	_ =	sdelay $0x1  }
0x8a: {  	s1 =	srdreg.scid  }
0x8b: {  	s0 =	sand.u32 $0x1, s1  }
0x8c: {  	s16 =	sshll.u32 s0, $0xA;
	s2 =	sadd.s32 s3, s2  }
0x8d: {  	s2 =	sadd.s32 s2, s16  }
0x8e: {  	[smem:$0x3FBA] =	sst s2  }
0x8f: {  	_ = 	snop  }
0x90: {  	(tm) =	ssettm $0x1  }
0x91: {  	s17 =	sld [smem:$0x3FFB];
	_ =	sdelay $0x3  }
0x92: {  	_ =	strace s17  }
0x93: {  	s2 =	sld [smem:$0x3FFC];
	_ =	sdelay $0x3  }
0x94: {  	_ =	strace s2  }
0x95: {  	s2 =	sld [smem:$0x3FFD];
	_ =	sdelay $0x3  }
0x96: {  	_ =	strace s2  }
0x97: {  	_ =	strace $0x8FFFFFFF  }
0x98: {  	s18 =	sld [smem:$0x3FDB];
	_ =	sdelay $0x1  }
0x99: {  	s19 =	simm.s32 $_scs_section_size  }
0x9a: {  	s4 =	simm.s32 $_size__tile_overlayer_lowered;
	s5 =	simm.s32 $_tile_overlayer_lowered  }
0x9b: {  	s22 =	simm.s32 $0x1BFF;
	s21 =	sshll.u32 s5, $0x1;
	s2 =	sadd.s32 s19, s18  }
0x9c: {  	s6 =	simm.s32 $0x0;
	s20 =	sshll.u32 s4, $0x1;
	s4 =	sadd.s32 s21, s2  }
0x9d: {  	[timem:s6], [sflag:s22] =	dma.local [hbm:s4], s20  }
0x9e: {  	_ =	swait.ge [sflag:s22], s20  }
0x9f: {  	s3 =	ssub.s32 $0x0, s20;
	[sflag:s22] =	ssyncset.done $0x0  }
0xa0: {  	[sflag:s22] =	ssyncadd.s32 s3;
	_ =	sdelay $0x1  }
0xa1: {  	s23 =	simm.s32 $0x1B8B  }
0xa2: {  	_ =	swait.ge [sflag:s23], $0x1  }
0xa3: {  	[sflag:s23] =	ssyncset.done $0x0  }
0xa4: {  	s25 =	simm.s32 $0x1B8E;
	s24 =	sld [smem:$0x3FFE];
	[sflag:s23] =	ssyncadd.s32 $0xFFFFFFFF  }
0xa5: {  	s26 =	simm.s32 $execute0_lowered;
	[smem:$0x3FD2] =	sst s25  }
0xa6: {  	s4 =	sshll.u32 s26, $0x1;
	_ =	strace $0x80000046;
	[dreg:$0x1] =	wrdreg $0xFFFFFFFF  }
0xa7: {  	s28 =	simm.s32 $_size_execute0_lowered;
	s2 =	sadd.s32 s2, s4;
	[dreg:$0x0] =	wrdreg $0x0  }
0xa8: {  	s4 =	sshll.u32 s28, $0x1;
	[dreg:$0x2] =	wrdreg s2  }
0xa9: {  	[dreg:$0x3] =	wrdreg s4  }
0xaa: {  	[dreg:$0x4] =	wrdreg $0xC0  }
0xab: {  	_ =	task [dreg:s6], $0x5FFFF  }
0xac: {  	[dreg:$0x1] =	wrdreg $0xFFFFFFFF  }
0xad: {  	[dreg:$0x0] =	wrdreg $0x60  }
0xae: {  	[dreg:$0x2] =	wrdreg s24  }
0xaf: {  	[dreg:$0x3] =	wrdreg $0x80800  }
0xb0: {  	[dreg:$0x4] =	wrdreg $0x9  }
0xb1: {  	_ =	task.clear_ibuf [dreg:s6], $0x5FFFF;
	_ =	strace $0x90000046  }
0xb2: {  	s29 =	simm.s32 $0x9;
	_ =	strace $0x80000048  }
0xb3: {  	_ =	swait.ge [sflag:s29], $0x1  }
0xb4: {  	[sflag:s29] =	ssyncadd.s32 $0xFFFFFFFF  }
0xb5: {  	_ =	strace $0x90000048  }
0xb6: {  	_ =	sfence  }
0xb7: {  	s30 =	sld [smem:$0x0];
	_ =	sdelay $0x2  }
0xb8: {  	s31 =	sshll.u32 s1, $0xD;
	s1 =	sshrl.u32 s1, $0x2  }
0xb9: {  	s3 =	sand.u32 $0x4000, s31;
	s1 =	sadd.s32 s1, s30  }
0xba: {  	s0 =	sor.u32 s3, s0;
	s1 =	sshll.u32 s1, $0x11  }
0xbb: {  	s0 =	sor.u32 s1, s0  }
0xbc: {  	s0 =	sadd.s32 $0x8F2B, s0  }
0xbd: {  	[sflag:s0] =	ssyncadd.remote.s32 $0x1  }
0xbe: {  	_ =	sfence.sel $0xFFFF  }
0xbf: {  	[dreg:$0x0] =	wrdreg $0xFFFFFFFF;
	(pc) =	sbr.abs _section_cstart, $3  }
0xc0: {  	[dreg:$0x1] =	wrdreg $0xFFFFFFFF  }
0xc1: {  	_ =	task.clear_ibuf [dreg:s6], $0x2FFFF;
	_ =	strace $0x9FFFFFFF  }
0xc2: {  	(tm) =	ssettm $0x7FFFFFFF  }
0xc3: {  	_ =	shalt  }
tec
execute0_lowered:
.L_overlay_start_1:
0x0: {  	(tag) =	ssettag $0x1  }
0x1: {  	s1 =	srdreg.scid;
	s4 =	rddreg [dreg:$0x0]  }
0x2: {  	s0 =	stileid.u32;
	s2 =	rddreg [dreg:$0x1];
	s3 =	simm.s32 $0x0  }
0x3: {  	s12 =	simm.s32 $0x4080;
	s13 =	simm.s32 $0x1;
	s14 =	simm.s32 $0x80  }
0x4: {  	s5 =	sand.u32 $0x1, s1;
	s6 =	smul.u32 $0x2800, s0;
	s1 =	rddreg [dreg:$0x2]  }
0x5: {  	s17 =	simm.s32 $0x0;
	[smem:$0x7FF] =	sst s3;
	s7 =	smul.u32 $0x28000, s5  }
0x6: {  	s8 =	smul.u32 $0x50000, s0;
	s15 =	sshll.u32 s0, $0x6;
	s5 =	ssub.s32 $0x2, s5  }
0x7: {  	_ =	strace $0x80000047;
	s15 =	sor.u32 $0x1C01, s15;
	s6 =	sadd.s32 s6, s7  }
0x8: {  	s30 =	sshrl.u32 s5, $0x1;
	s31 =	sshrl.u32 s8, $0x2;
	s7 =	sshrl.u32 s6, $0x3  }
0x9: {  	s6 =	sadd.s32 s6, s4;
	s11 =	sadd.s32 s7, s4;
	s7 =	ssub.s32 s5, s30  }
0xa: {  	s4 =	sadd.s32 s31, s2;
	s5 =	sadd.s32 $0xDA00, s6;
	s6 =	smax.u32 s7, $0x1  }
0xb: {  	s7 =	sadd.s32 $0x4000, s4;
	s8 =	sadd.s32 $0x8000, s4;
	s9 =	sadd.s32 $0xC000, s4  }
0xc: {  	v0 =	vimm.f32 $1.000000000e+00;
	v1 =	vimm.f32 $0.0e+00;
	s10 =	sadd.s32 $0x10000, s4;
	s11 =	sadd.s32 $0x3A00, s11;
	s16 =	sshrl.u32 s4, $0x3  }
.LBB2_1:
0xd: {  	s18 =	simm.s32 $0x0;
	s19 =	simm.s32 $0x200  }
.LBB2_2:
0xe: {  	p0 =	sne.s32 s19, $0xFE00;
	[tilespmem:s18+$0xF0] =	vst v0  }
0xf: {  	[tilespmem:s18+$0x80] =	vst v0  }
0x10: {  	[tilespmem:s18+$0x90] =	vst v0  }
.Ltmp0:
0x11: {  	[tilespmem:s18+$0xA0] =	vst v0;
	(pc) =	sbr.rel @p0 .LBB2_2-.Ltmp0, $4  }
0x12: {  	[tilespmem:s18+$0xB0] =	vst v0  }
0x13: {  	[tilespmem:s18+$0xC0] =	vst v0  }
0x14: {  	[tilespmem:s18+$0xD0] =	vst v0  }
0x15: {  	[tilespmem:s18+$0xE0] =	vst v0;
	s18 =	sshra.s32 s19, $0x2;
	s19 =	sadd.s32 $0x200, s19  }
0x16: {  	[tilespmem:s18+$0xF0] =	vst v0  }
0x17: {  	[tilespmem:s18+$0x80] =	vst v0  }
0x18: {  	[tilespmem:s18+$0x90] =	vst v0  }
0x19: {  	[tilespmem:s18+$0xA0] =	vst v0  }
0x1a: {  	[tilespmem:s18+$0xB0] =	vst v0  }
0x1b: {  	[tilespmem:s18+$0xC0] =	vst v0  }
0x1c: {  	[tilespmem:s18+$0xD0] =	vst v0  }
0x1d: {  	[tilespmem:s18+$0xE0] =	vst v0;
	s18 =	simm.s32 $0x0;
	s19 =	simm.s32 $0x200  }
.LBB2_4:
0x1e: {  	p0 =	sne.s32 s19, $0xFE00;
	[tilespmem:s18+$0x40F0] =	vst v1  }
0x1f: {  	[tilespmem:s18+$0x4080] =	vst v1  }
0x20: {  	[tilespmem:s18+$0x4090] =	vst v1  }
.Ltmp1:
0x21: {  	[tilespmem:s18+$0x40A0] =	vst v1;
	(pc) =	sbr.rel @p0 .LBB2_4-.Ltmp1, $4  }
0x22: {  	[tilespmem:s18+$0x40B0] =	vst v1  }
0x23: {  	[tilespmem:s18+$0x40C0] =	vst v1  }
0x24: {  	[tilespmem:s18+$0x40D0] =	vst v1  }
0x25: {  	[tilespmem:s18+$0x40E0] =	vst v1;
	s18 =	sshra.s32 s19, $0x2;
	s19 =	sadd.s32 $0x200, s19  }
0x26: {  	[tilespmem:s18+$0x40F0] =	vst v1  }
0x27: {  	[tilespmem:s18+$0x4080] =	vst v1  }
0x28: {  	[tilespmem:s18+$0x4090] =	vst v1  }
0x29: {  	[tilespmem:s18+$0x40A0] =	vst v1  }
0x2a: {  	[tilespmem:s18+$0x40B0] =	vst v1  }
0x2b: {  	[tilespmem:s18+$0x40C0] =	vst v1  }
0x2c: {  	[tilespmem:s18+$0x40D0] =	vst v1  }
0x2d: {  	[tilespmem:s18+$0x40E0] =	vst v1  }
0x2e: {  	[spmem:s4] =	stream.linear.scatter [tilespmem:s12], [sflag:$0x1], $0x4000, $0x38;
	[tilespmem:$0x1C080] =	vst v63  }
0x2f: {  	_ =	swait.ge [sflag:s13], $0x4000  }
0x30: {  	[sflag:s13] =	ssyncset.done $0x0  }
0x31: {  	[sflag:s13] =	ssyncadd.s32 $0xFFFFC000  }
0x32: {  	[spmem:s7] =	stream.linear.scatter [tilespmem:s12], [sflag:$0x1], $0x4000, $0x38;
	[tilespmem:$0x1C080] =	vst v63  }
0x33: {  	_ =	swait.ge [sflag:s13], $0x4000  }
0x34: {  	[sflag:s13] =	ssyncset.done $0x0  }
0x35: {  	[sflag:s13] =	ssyncadd.s32 $0xFFFFC000  }
0x36: {  	[spmem:s8] =	stream.linear.scatter [tilespmem:s12], [sflag:$0x1], $0x4000, $0x38;
	[tilespmem:$0x1C080] =	vst v63  }
0x37: {  	_ =	swait.ge [sflag:s13], $0x4000  }
0x38: {  	[sflag:s13] =	ssyncset.done $0x0  }
0x39: {  	[sflag:s13] =	ssyncadd.s32 $0xFFFFC000  }
0x3a: {  	[spmem:s9] =	stream.linear.scatter [tilespmem:s12], [sflag:$0x1], $0x4000, $0x38;
	[tilespmem:$0x1C080] =	vst v63  }
0x3b: {  	_ =	swait.ge [sflag:s13], $0x4000  }
0x3c: {  	[sflag:s13] =	ssyncset.done $0x0  }
0x3d: {  	[sflag:s13] =	ssyncadd.s32 $0xFFFFC000  }
0x3e: {  	[spmem:s10] =	stream.linear.scatter [tilespmem:s12], [sflag:$0x1], $0x4000, $0x38;
	[tilespmem:$0x1C080] =	vst v63  }
0x3f: {  	_ =	swait.ge [sflag:s13], $0x4000  }
0x40: {  	[sflag:s13] =	ssyncset.done $0x0  }
0x41: {  	[sflag:s13] =	ssyncadd.s32 $0xFFFFC000  }
0x42: {  	s31 =	sadd.s32 $0x0, s11;
	[bflag:$0x0] =	sbarrier.arrive $0xFFFF  }
0x43: {  	[tilespmem:s3], [sflag:$0x1] =	stream.linear.gather [hbm4b:s31+s3], $0x80, $0x38;
	[tilespmem:$0x1C080] =	vst v63  }
0x44: {  	_ =	swait.ge [sflag:s13], $0x80  }
0x45: {  	[sflag:s13] =	ssyncset.done $0x0  }
0x46: {  	[sflag:s13] =	ssyncadd.s32 $0xFFFFFF80  }
0x47: {  	[spmem:s2] =	stream.indirect.scatter.add.f32 [tilespmem:s14], [sflag:$0x1], $0x80, s3, s14, $0xb8;
	[tilespmem:$0x1C080] =	vst v63  }
0x48: {  	_ =	swait.ge [sflag:s13], $0x4000  }
0x49: {  	s18 =	simm.s32 $0x10;
	s19 =	simm.s32 $0x20;
	[sflag:s13] =	ssyncset.done $0x0  }
.LBB2_6:
0x4a: {  	s20 =	sadd.s32 s18, s11  }
0x4b: {  	[sflag:s13] =	ssyncadd.s32 $0xFFFFC000;
	s18 =	smov.u32 s19;
	s21 =	sadd.s32 $0x10, s19  }
0x4c: {  	[tilespmem:s3], [sflag:$0x1] =	stream.linear.gather [hbm4b:s20+s3], $0x80, $0x38;
	[tilespmem:$0x1C080] =	vst v63  }
0x4d: {  	p0 =	sne.s32 s19, $0x4F0;
	_ =	swait.ge [sflag:s13], $0x80  }
.Ltmp2:
0x4e: {  	[sflag:s13] =	ssyncset.done $0x0;
	(pc) =	sbr.rel @p0 .LBB2_6-.Ltmp2, $4  }
0x4f: {  	[sflag:s13] =	ssyncadd.s32 $0xFFFFFF80  }
0x50: {  	[spmem:s2] =	stream.indirect.scatter.add.f32 [tilespmem:s14], [sflag:$0x1], $0x80, s3, s14, $0xb8;
	[tilespmem:$0x1C080] =	vst v63  }
0x51: {  	_ =	swait.ge [sflag:s13], $0x4000  }
0x52: {  	s19 =	smov.u32 s21;
	[sflag:s13] =	ssyncset.done $0x0  }
0x53: {  	s18 =	sadd.s32 s18, s11;
	[sflag:s13] =	ssyncadd.s32 $0xFFFFC000  }
0x54: {  	[tilespmem:s3], [sflag:$0x1] =	stream.linear.gather [hbm4b:s18+s3], $0x80, $0x38;
	[tilespmem:$0x1C080] =	vst v63  }
0x55: {  	_ =	swait.ge [sflag:s13], $0x80  }
0x56: {  	[sflag:s13] =	ssyncset.done $0x0  }
0x57: {  	[sflag:s13] =	ssyncadd.s32 $0xFFFFFF80  }
0x58: {  	[spmem:s2] =	stream.indirect.scatter.add.f32 [tilespmem:s14], [sflag:$0x1], $0x80, s3, s14, $0xb8;
	[tilespmem:$0x1C080] =	vst v63  }
0x59: {  	_ =	swait.ge [sflag:s13], $0x4000  }
0x5a: {  	s17 =	sadd.s32 $0x1, s17;
	[sflag:s13] =	ssyncset.done $0x0  }
0x5b: {  	p0 =	sne.s32 s17, s6;
	[sflag:s13] =	ssyncadd.s32 $0xFFFFC000  }
.Ltmp3:
0x5c: {  	[bflag:$0x0] =	sbarrier.arrive $0xFFFF;
	(pc) =	sbr.rel @p0 .LBB2_1-.Ltmp3, $4  }
0x5d: {  	[hbm:s5], [sflag:s15] =	dma.local [spmem:s16], $0x2800  }
0x5e: {  	_ =	swait.ge [sflag:s13], $0x2800  }
0x5f: {  	[sflag:s13] =	ssyncset.done $0x0  }
0x60: {  	[sflag:s13] =	ssyncadd.s32 $0xFFFFD800  }
0x61: {  	_ =	sfence.sel $0x180000  }
0x62: {  	[bflag:$0x0] =	sbarrier.arrive $0xFFFF  }
0x63: {  	p0 =	sne.s32 s0, $0x0;
	_ =	strace $0x90000047  }
0x64: {  	s0 =	sadd.s32 @!p0 $0x100000, s1;
	[bflag:$0x2] =	sbarrier.arrive $0xFFFF  }
0x65: {  	[sflag:s0] =	ssyncadd.tile.s32 @!p0 $0x1;
	_ =	shalt  }
.Lfunc_end2:
_tile_overlayer_lowered:
.L_overlay_start_2:
0x66: {  	(tag) =	ssettag $0x2  }
0x67: {  	s0 =	rddreg [dreg:$0x0];
	s2 =	stileid.u32  }
0x68: {  	s1 =	rddreg [dreg:$0x1];
	p0 =	sne.s32 s2, $0x0  }
0x69: {  	s3 =	rddreg [dreg:$0x2];
	[bflag:$0x3] =	sbarrier.arrive $0xFFFF;
	s2 =	simm.s32 @!p0 $0x1C01  }
0x6a: {  	[timem:s3], [sflag:s2] =	dma.local @!p0 [hbm:s0], s1  }
0x6b: {  	s0 =	simm.s32 @!p0 $0x1  }
0x6c: {  	_ =	swait.ge @!p0 [sflag:s0], s1  }
0x6d: {  	s1 =	ssub.s32 @!p0 $0x0, s1;
	[sflag:s0] =	ssyncset.done @!p0 $0x0  }
0x6e: {  	[sflag:s0] =	ssyncadd.s32 @!p0 s1  }
0x6f: {  	[bflag:$0x3] =	sbarrier.arrive $0xFFFF  }
0x70: {  	_ =	shalt  }

</sc_bundles>
